<compile_context>
chip_gen: v7x
topology: tpu7x:2x2x1
jax: 0.10.2.dev20260603
libtpu: 0.0.44.dev20260713+nightly
codegen_flags: <defaults>
</compile_context>

<pallas_src>
import functools

import jax
import jax.numpy as jnp
from jax import lax
from jax.experimental import pallas as pl
from jax.experimental.pallas import tpu as pltpu
from jax.experimental.pallas import tpu_sc as plsc

EMBED = 64
MAXSIZE = 520
B = 4096
L = 50

NUM_CH = 6
ROW = NUM_CH * EMBED
VALS_PER_B = L * NUM_CH
NC, NS = 2, 16
NW = NC * NS
NB_PER_W = B // NW
GRP = 32
N_GRP = NB_PER_W // GRP
N_LPAIRS = L // 2


def _build_table(size_table):

    def body(st_ref, out_ref):
        pos = lax.broadcasted_iota(jnp.int32, (MAXSIZE, EMBED), 0).astype(jnp.float32)
        col = lax.broadcasted_iota(jnp.int32, (MAXSIZE, EMBED), 1)
        j = (col % (EMBED // 2)).astype(jnp.float32)
        freq = jnp.exp(-jnp.log(10000.0) * (2.0 * j) / EMBED)
        ang = pos * freq
        sincos = jnp.where(col < EMBED // 2, jnp.sin(ang), jnp.cos(ang))
        out_ref[...] = jnp.concatenate([st_ref[...], sincos], axis=-1)

    return pl.pallas_call(
        body,
        out_shape=jax.ShapeDtypeStruct((MAXSIZE, 2 * EMBED), jnp.float32),
    )(size_table)


def _make_sc_kernel():
    mesh = plsc.VectorSubcoreMesh(
        core_axis_name="c", subcore_axis_name="s",
        num_cores=NC, num_subcores=NS)

    @functools.partial(
        pl.kernel,
        out_type=jax.ShapeDtypeStruct((L, B, ROW), jnp.float32),
        mesh=mesh,
        scratch_types=[
            pltpu.VMEM((MAXSIZE, 2 * EMBED), jnp.float32),
            pltpu.VMEM((VALS_PER_B, NB_PER_W), jnp.int32),
            pltpu.VMEM((GRP, ROW), jnp.float32),
            pltpu.VMEM((GRP, ROW), jnp.float32),
            pltpu.SemaphoreType.DMA,
            pltpu.SemaphoreType.DMA,
        ],
        compiler_params=pltpu.CompilerParams(needs_layout_passes=False),
    )
    def sc_kernel(table_hbm, data_hbm, out_hbm,
                  table_v, idx_v, out_a, out_b, wsem_a, wsem_b):
        wid = lax.axis_index("s") * NC + lax.axis_index("c")
        b0 = wid * NB_PER_W
        pltpu.sync_copy(table_hbm, table_v)
        pltpu.sync_copy(data_hbm.at[:, pl.ds(b0, NB_PER_W)], idx_v)
        lane = lax.iota(jnp.int32, 16)
        zeros16 = jnp.zeros((16,), jnp.int32)
        colvs = [
            (0 if c == 0 else EMBED) + jj * 16 + lane
            for c in range(NUM_CH) for jj in range(EMBED // 16)
        ]

        def assemble(l, bg, out_v):

            @plsc.parallel_loop(0, GRP, unroll=4)
            def _(t):
                bsplat = zeros16 + (bg + t)
                for c in range(NUM_CH):
                    rows16 = plsc.load_gather(
                        idx_v, [zeros16 + (c * L + l), bsplat])
                    for jj in range(EMBED // 16):
                        val = plsc.load_gather(
                            table_v, [rows16, colvs[c * 4 + jj]])
                        out_v[t, pl.ds(c * EMBED + jj * 16, 16)] = val

        def wait_write(out_v, wsem):
            pltpu.make_async_copy(
                out_v, out_hbm.at[0, pl.ds(b0, GRP)], wsem).wait()

        def body(gj, carry):
            g, j = gj // N_LPAIRS, gj % N_LPAIRS
            bg = g * GRP
            bq = b0 + bg

            @pl.when(gj > 0)
            def _():
                wait_write(out_a, wsem_a)
            assemble(2 * j, bg, out_a)
            pltpu.async_copy(out_a, out_hbm.at[2 * j, pl.ds(bq, GRP)], wsem_a)

            @pl.when(gj > 0)
            def _():
                wait_write(out_b, wsem_b)
            assemble(2 * j + 1, bg, out_b)
            pltpu.async_copy(
                out_b, out_hbm.at[2 * j + 1, pl.ds(bq, GRP)], wsem_b)
            return carry

        lax.fori_loop(0, N_GRP * N_LPAIRS, body, 0)
        wait_write(out_a, wsem_a)
        wait_write(out_b, wsem_b)

    return sc_kernel


_sc_kernel = _make_sc_kernel()


def kernel(data, size_table):
    table = _build_table(size_table)
    data_clb = jnp.transpose(data, (2, 1, 0)).reshape(VALS_PER_B, B)
    out_lbf = _sc_kernel(table, data_clb)
    return jnp.transpose(out_lbf, (1, 0, 2))

# --- scband reference (transcript-rebuilt; emitter-appended) ---
"""Pipeline reference for scband-traj-feature-embedding-18983755448594 (READ-ONLY COPY).

The authoritative reference and input builder live on the scoring server;
editing this copy changes nothing except your own understanding.
"""

import jax, jax.numpy as jnp
import numpy as np

EMBED = 64
MAXSIZE = 520
B = 4096
L = 50


def _sincos(t, d):
    # Absolute sinusoidal encoder (Lon/Lat/UnixTime encoders):
    # value-indexed fixed sin/cos features, transformer-style frequency bands.
    pos = t.astype(jnp.float32)[..., None]
    half = d // 2
    freqs = jnp.exp(-jnp.log(10000.0) * (2.0 * jnp.arange(half, dtype=jnp.float32)) / d)
    ang = pos * freqs
    return jnp.concatenate([jnp.sin(ang), jnp.cos(ang)], axis=-1)


def setup_inputs(seed: int = 0) -> dict:
    key = jax.random.key(seed)
    k1, k2 = jax.random.split(key)
    data = jax.random.randint(k1, (B, L, 6), 0, MAXSIZE)
    size_table = jax.random.normal(k2, (MAXSIZE, EMBED), dtype=jnp.float32)
    return {"data": data, "size_table": size_table}


def reference(data, size_table):
    embedding_list = [jnp.take(size_table, data[..., 0], axis=0)]
    for i in range(1, 6):
        embedding_list.append(_sincos(data[..., i], EMBED))
    # fusion_type == 'concat'
    return jnp.concatenate(embedding_list, axis=-1)

if __name__ == "__main__":
    import jax
    _d = setup_inputs()
    print(jax.jit(kernel)(*tuple(_d.values())))

</pallas_src>

<mosaic_0001>
#map = affine_map<(d0, d1) -> (0, 0)>
#map1 = affine_map<(d0, d1) -> (0, 0, 0)>
module attributes {stable_mosaic.version = 14 : i64} {
  func.func @sc_kernel(%arg0: i32, %arg1: i32, %arg2: memref<520x128xf32, #tpu.memory_space<hbm>>, %arg3: memref<300x4096xi32, #tpu.memory_space<hbm>>, %arg4: memref<50x4096x384xf32, #tpu.memory_space<hbm>>, %arg5: memref<520x128xf32, #tpu.memory_space<vmem>>, %arg6: memref<300x128xi32, #tpu.memory_space<vmem>>, %arg7: memref<32x384xf32, #tpu.memory_space<vmem>>, %arg8: memref<32x384xf32, #tpu.memory_space<vmem>>, %arg9: memref<!tpu.dma_semaphore, #tpu.memory_space<semaphore_mem>>, %arg10: memref<!tpu.dma_semaphore, #tpu.memory_space<semaphore_mem>>) attributes {dimension_semantics = [#tpu.dimension_semantics<core_parallel>, #tpu.dimension_semantics<subcore_parallel>], iteration_bounds = array<i64: 2, 16>, scalar_prefetch = 0 : i64, scratch_operands = 6 : i64, tpu.core_type = #tpu.core_type<sc_vector_subcore>, window_params = [{transform_indices = #map}, {transform_indices = #map}, {transform_indices = #map1}]} {
    %mul3A = arith.constant 2 : i32
    %mul3A_0 = arith.muli %arg1, %mul3A : i32
    %add3A = arith.addi %mul3A_0, %arg0 : i32
    %mul3A_1 = arith.constant 128 : i32
    %mul3A_2 = arith.muli %add3A, %mul3A_1 : i32
    "tpu.region"() ({
      %run_scoped3A = tpu.sem_alloc : memref<!tpu.dma_semaphore, #tpu.memory_space<semaphore_mem>>
      tpu.enqueue_dma source(%arg2 : memref<520x128xf32, #tpu.memory_space<hbm>>) target(%arg5 : memref<520x128xf32, #tpu.memory_space<vmem>>) target_semaphore(%run_scoped3A : memref<!tpu.dma_semaphore, #tpu.memory_space<semaphore_mem>>)
      tpu.wait_dma2 semaphore(%run_scoped3A : memref<!tpu.dma_semaphore, #tpu.memory_space<semaphore_mem>>) src(%arg2 : memref<520x128xf32, #tpu.memory_space<hbm>>) dst(%arg5 : memref<520x128xf32, #tpu.memory_space<vmem>>)
      tpu.yield
    }) : () -> ()
    "tpu.region"() ({
      %run_scoped3A = tpu.sem_alloc : memref<!tpu.dma_semaphore, #tpu.memory_space<semaphore_mem>>
      %dma_start3A = arith.constant 0 : i32
      %dma_start3A_94 = tpu.memref_slice %arg3[%dma_start3A, %mul3A_2] : memref<300x4096xi32, #tpu.memory_space<hbm>> -> memref<300x128xi32, #tpu.memory_space<hbm>>
      %dma_start3A_95 = arith.constant 0 : i32
      %dma_start3A_96 = tpu.memref_slice %arg3[%dma_start3A_95, %mul3A_2] : memref<300x4096xi32, #tpu.memory_space<hbm>> -> memref<300x128xi32, #tpu.memory_space<hbm>>
      tpu.enqueue_dma source(%dma_start3A_96 : memref<300x128xi32, #tpu.memory_space<hbm>>) target(%arg6 : memref<300x128xi32, #tpu.memory_space<vmem>>) target_semaphore(%run_scoped3A : memref<!tpu.dma_semaphore, #tpu.memory_space<semaphore_mem>>)
      %dma_wait3A_97 = arith.constant 0 : i32
      %dma_wait3A_98 = tpu.memref_slice %arg3[%dma_wait3A_97, %mul3A_2] : memref<300x4096xi32, #tpu.memory_space<hbm>> -> memref<300x128xi32, #tpu.memory_space<hbm>>
      %dma_wait3A_99 = arith.constant 0 : i32
      %dma_wait3A_100 = tpu.memref_slice %arg3[%dma_wait3A_99, %mul3A_2] : memref<300x4096xi32, #tpu.memory_space<hbm>> -> memref<300x128xi32, #tpu.memory_space<hbm>>
      tpu.wait_dma2 semaphore(%run_scoped3A : memref<!tpu.dma_semaphore, #tpu.memory_space<semaphore_mem>>) src(%dma_wait3A_100 : memref<300x128xi32, #tpu.memory_space<hbm>>) dst(%arg6 : memref<300x128xi32, #tpu.memory_space<vmem>>)
      tpu.yield
    }) : () -> ()
    %iota3A = tpu.iota {dimensions = array<i32: 0>} : vector<16xi32>
    %broadcast_in_dim3A = arith.constant 0 : i32
    %broadcast_in_dim3A_3 = vector.broadcast %broadcast_in_dim3A : i32 to vector<16xi32>
    %add3A_4 = arith.constant 0 : i32
    %add3A_5 = vector.broadcast %add3A_4 : i32 to vector<16xi32>
    %add3A_6 = arith.addi %add3A_5, %iota3A : vector<16xi32>
    %add3A_7 = arith.constant 16 : i32
    %add3A_8 = vector.broadcast %add3A_7 : i32 to vector<16xi32>
    %add3A_9 = arith.addi %add3A_8, %iota3A : vector<16xi32>
    %add3A_10 = arith.constant 32 : i32
    %add3A_11 = vector.broadcast %add3A_10 : i32 to vector<16xi32>
    %add3A_12 = arith.addi %add3A_11, %iota3A : vector<16xi32>
    %add3A_13 = arith.constant 48 : i32
    %add3A_14 = vector.broadcast %add3A_13 : i32 to vector<16xi32>
    %add3A_15 = arith.addi %add3A_14, %iota3A : vector<16xi32>
    %add3A_16 = arith.constant 64 : i32
    %add3A_17 = vector.broadcast %add3A_16 : i32 to vector<16xi32>
    %add3A_18 = arith.addi %add3A_17, %iota3A : vector<16xi32>
    %add3A_19 = arith.constant 80 : i32
    %add3A_20 = vector.broadcast %add3A_19 : i32 to vector<16xi32>
    %add3A_21 = arith.addi %add3A_20, %iota3A : vector<16xi32>
    %add3A_22 = arith.constant 96 : i32
    %add3A_23 = vector.broadcast %add3A_22 : i32 to vector<16xi32>
    %add3A_24 = arith.addi %add3A_23, %iota3A : vector<16xi32>
    %add3A_25 = arith.constant 112 : i32
    %add3A_26 = vector.broadcast %add3A_25 : i32 to vector<16xi32>
    %add3A_27 = arith.addi %add3A_26, %iota3A : vector<16xi32>
    %add3A_28 = arith.constant 64 : i32
    %add3A_29 = vector.broadcast %add3A_28 : i32 to vector<16xi32>
    %add3A_30 = arith.addi %add3A_29, %iota3A : vector<16xi32>
    %add3A_31 = arith.constant 80 : i32
    %add3A_32 = vector.broadcast %add3A_31 : i32 to vector<16xi32>
    %add3A_33 = arith.addi %add3A_32, %iota3A : vector<16xi32>
    %add3A_34 = arith.constant 96 : i32
    %add3A_35 = vector.broadcast %add3A_34 : i32 to vector<16xi32>
    %add3A_36 = arith.addi %add3A_35, %iota3A : vector<16xi32>
    %add3A_37 = arith.constant 112 : i32
    %add3A_38 = vector.broadcast %add3A_37 : i32 to vector<16xi32>
    %add3A_39 = arith.addi %add3A_38, %iota3A : vector<16xi32>
    %add3A_40 = arith.constant 64 : i32
    %add3A_41 = vector.broadcast %add3A_40 : i32 to vector<16xi32>
    %add3A_42 = arith.addi %add3A_41, %iota3A : vector<16xi32>
    %add3A_43 = arith.constant 80 : i32
    %add3A_44 = vector.broadcast %add3A_43 : i32 to vector<16xi32>
    %add3A_45 = arith.addi %add3A_44, %iota3A : vector<16xi32>
    %add3A_46 = arith.constant 96 : i32
    %add3A_47 = vector.broadcast %add3A_46 : i32 to vector<16xi32>
    %add3A_48 = arith.addi %add3A_47, %iota3A : vector<16xi32>
    %add3A_49 = arith.constant 112 : i32
    %add3A_50 = vector.broadcast %add3A_49 : i32 to vector<16xi32>
    %add3A_51 = arith.addi %add3A_50, %iota3A : vector<16xi32>
    %add3A_52 = arith.constant 64 : i32
    %add3A_53 = vector.broadcast %add3A_52 : i32 to vector<16xi32>
    %add3A_54 = arith.addi %add3A_53, %iota3A : vector<16xi32>
    %add3A_55 = arith.constant 80 : i32
    %add3A_56 = vector.broadcast %add3A_55 : i32 to vector<16xi32>
    %add3A_57 = arith.addi %add3A_56, %iota3A : vector<16xi32>
    %add3A_58 = arith.constant 96 : i32
    %add3A_59 = vector.broadcast %add3A_58 : i32 to vector<16xi32>
    %add3A_60 = arith.addi %add3A_59, %iota3A : vector<16xi32>
    %add3A_61 = arith.constant 112 : i32
    %add3A_62 = vector.broadcast %add3A_61 : i32 to vector<16xi32>
    %add3A_63 = arith.addi %add3A_62, %iota3A : vector<16xi32>
    %add3A_64 = arith.constant 64 : i32
    %add3A_65 = vector.broadcast %add3A_64 : i32 to vector<16xi32>
    %add3A_66 = arith.addi %add3A_65, %iota3A : vector<16xi32>
    %add3A_67 = arith.constant 80 : i32
    %add3A_68 = vector.broadcast %add3A_67 : i32 to vector<16xi32>
    %add3A_69 = arith.addi %add3A_68, %iota3A : vector<16xi32>
    %add3A_70 = arith.constant 96 : i32
    %add3A_71 = vector.broadcast %add3A_70 : i32 to vector<16xi32>
    %add3A_72 = arith.addi %add3A_71, %iota3A : vector<16xi32>
    %add3A_73 = arith.constant 112 : i32
    %add3A_74 = vector.broadcast %add3A_73 : i32 to vector<16xi32>
    %add3A_75 = arith.addi %add3A_74, %iota3A : vector<16xi32>
    %scan3A = arith.constant 0 : i32
    %scan3A_76 = arith.constant 0 : i32
    %scan3A_77 = arith.constant 100 : i32
    %scan3A_78 = arith.addi %scan3A_76, %scan3A_77 : i32
    %scan3A_79 = arith.constant 1 : i32
    scf.for %scan3A_94 = %scan3A_76 to %scan3A_78 step %scan3A_79  : i32 {
      %jit3A = arith.constant 25 : i32
      %div3A = arith.divsi %scan3A_94, %jit3A : i32
      %sign3A = arith.constant 0 : i32
      %sign3A_95 = arith.cmpi sgt, %scan3A_94, %sign3A : i32
      %sign3A_96 = arith.extui %sign3A_95 : i1 to i32
      %sign3A_97 = arith.constant 0 : i32
      %sign3A_98 = arith.cmpi slt, %scan3A_94, %sign3A_97 : i32
      %sign3A_99 = arith.extui %sign3A_98 : i1 to i32
      %sign3A_100 = arith.subi %sign3A_96, %sign3A_99 : i32
      %sign3A_101 = arith.constant 0 : i32
      %sign3A_102 = arith.cmpi sgt, %jit3A, %sign3A_101 : i32
      %sign3A_103 = arith.extui %sign3A_102 : i1 to i32
      %sign3A_104 = arith.constant 0 : i32
      %sign3A_105 = arith.cmpi slt, %jit3A, %sign3A_104 : i32
      %sign3A_106 = arith.extui %sign3A_105 : i1 to i32
      %sign3A_107 = arith.subi %sign3A_103, %sign3A_106 : i32
      %ne3A = arith.cmpi ne, %sign3A_100, %sign3A_107 : i32
      %rem3A = arith.remsi %scan3A_94, %jit3A : i32
      %ne3A_108 = arith.constant 0 : i32
      %ne3A_109 = arith.cmpi ne, %rem3A, %ne3A_108 : i32
      %and3A = arith.andi %ne3A, %ne3A_109 : i1
      %sub3A = arith.constant 1 : i32
      %sub3A_110 = arith.subi %div3A, %sub3A : i32
      %select_n3A = arith.select %and3A, %sub3A_110, %div3A : i32
      %jit3A_111 = arith.constant 25 : i32
      %eq3A = arith.constant 0 : i32
      %eq3A_112 = arith.cmpi eq, %jit3A_111, %eq3A : i32
      %jit3A_113 = arith.constant 1 : i32
      %select_n3A_114 = arith.select %eq3A_112, %jit3A_113, %jit3A_111 : i32
      %rem3A_115 = arith.remsi %scan3A_94, %select_n3A_114 : i32
      %ne3A_116 = arith.constant 0 : i32
      %ne3A_117 = arith.cmpi ne, %rem3A_115, %ne3A_116 : i32
      %lt3A = arith.constant 0 : i32
      %lt3A_118 = arith.cmpi slt, %rem3A_115, %lt3A : i32
      %lt3A_119 = arith.constant 0 : i32
      %lt3A_120 = arith.cmpi slt, %select_n3A_114, %lt3A_119 : i32
      %ne3A_121 = arith.xori %lt3A_118, %lt3A_120 : i1
      %and3A_122 = arith.andi %ne3A_121, %ne3A_117 : i1
      %add3A_123 = arith.addi %rem3A_115, %select_n3A_114 : i32
      %select_n3A_124 = arith.select %and3A_122, %add3A_123, %rem3A_115 : i32
      %mul3A_125 = arith.constant 32 : i32
      %mul3A_126 = arith.muli %select_n3A, %mul3A_125 : i32
      %add3A_127 = arith.addi %mul3A_2, %mul3A_126 : i32
      %gt3A = arith.constant 0 : i32
      %gt3A_128 = arith.cmpi sgt, %scan3A_94, %gt3A : i32
      %convert_element_type3A = arith.extui %gt3A_128 : i1 to i32
      %cond3A = arith.constant 0 : i32
      %cond3A_129 = arith.cmpi ne, %convert_element_type3A, %cond3A : i32
      scf.if %cond3A_129 {
        %dma_wait3A_163 = arith.constant 0 : i32
        %dma_wait3A_164 = arith.constant 0 : i32
        %dma_wait3A_165 = tpu.memref_slice %arg4[%dma_wait3A_163, %mul3A_2, %dma_wait3A_164] : memref<50x4096x384xf32, #tpu.memory_space<hbm>> -> memref<1x32x384xf32, #tpu.memory_space<hbm>>
        %dma_wait3A_166 = tpu.memref_squeeze %dma_wait3A_165 : memref<1x32x384xf32, #tpu.memory_space<hbm>> -> memref<32x384xf32, #tpu.memory_space<hbm>>
        %dma_wait3A_167 = arith.constant 0 : i32
        %dma_wait3A_168 = tpu.memref_slice %arg4[%dma_wait3A_163, %mul3A_2, %dma_wait3A_167] : memref<50x4096x384xf32, #tpu.memory_space<hbm>> -> memref<1x32x384xf32, #tpu.memory_space<hbm>>
        %dma_wait3A_169 = tpu.memref_squeeze %dma_wait3A_168 : memref<1x32x384xf32, #tpu.memory_space<hbm>> -> memref<32x384xf32, #tpu.memory_space<hbm>>
        tpu.wait_dma2 semaphore(%arg9 : memref<!tpu.dma_semaphore, #tpu.memory_space<semaphore_mem>>) src(%arg7 : memref<32x384xf32, #tpu.memory_space<vmem>>) dst(%dma_wait3A_169 : memref<32x384xf32, #tpu.memory_space<hbm>>)
      } else {
      }
      %mul3A_130 = arith.constant 2 : i32
      %mul3A_131 = arith.muli %mul3A_130, %select_n3A_124 : i32
      %parallel_loop3A = arith.constant 0 : i32
      %parallel_loop3A_132 = arith.constant 32 : i32
      %parallel_loop3A_133 = arith.constant 1 : i32
      scf.for %parallel_loop3A_163 = %parallel_loop3A to %parallel_loop3A_132 step %parallel_loop3A_133  : i32 {
        %parallel_loop3A_164 = arith.addi %mul3A_126, %parallel_loop3A_163 : i32
        %parallel_loop3A_165 = vector.broadcast %parallel_loop3A_164 : i32 to vector<16xi32>
        %parallel_loop3A_166 = arith.addi %broadcast_in_dim3A_3, %parallel_loop3A_165 : vector<16xi32>
        %parallel_loop3A_167 = arith.constant 0 : i32
        %parallel_loop3A_168 = arith.addi %parallel_loop3A_167, %mul3A_131 : i32
        %parallel_loop3A_169 = vector.broadcast %parallel_loop3A_168 : i32 to vector<16xi32>
        %parallel_loop3A_170 = arith.addi %broadcast_in_dim3A_3, %parallel_loop3A_169 : vector<16xi32>
        %parallel_loop3A_171 = tpu.vector_load_idx %arg6[%parallel_loop3A_170, %parallel_loop3A_166] : memref<300x128xi32, #tpu.memory_space<vmem>>[vector<16xi32>, vector<16xi32>], vector<16xi32>,
        %parallel_loop3A_172 = tpu.vector_load_idx %arg5[%parallel_loop3A_171, %add3A_6] : memref<520x128xf32, #tpu.memory_space<vmem>>[vector<16xi32>, vector<16xi32>], vector<16xf32>,
        %parallel_loop3A_173 = arith.index_cast %parallel_loop3A_163 : i32 to index
        %parallel_loop3A_174 = arith.constant 0 : index
        %parallel_loop3A_175 = tpu.vector_load %arg7[%parallel_loop3A_173, %parallel_loop3A_174] {strides = array<i32>} : memref<32x384xf32, #tpu.memory_space<vmem>>, vector<16xf32>,
        tpu.vector_store %arg7[%parallel_loop3A_173, %parallel_loop3A_174], %parallel_loop3A_172 {strides = array<i32>} : memref<32x384xf32, #tpu.memory_space<vmem>>, vector<16xf32>,
        %parallel_loop3A_176 = tpu.vector_load_idx %arg5[%parallel_loop3A_171, %add3A_9] : memref<520x128xf32, #tpu.memory_space<vmem>>[vector<16xi32>, vector<16xi32>], vector<16xf32>,
        %parallel_loop3A_177 = arith.index_cast %parallel_loop3A_163 : i32 to index
        %parallel_loop3A_178 = arith.constant 16 : index
        %parallel_loop3A_179 = tpu.vector_load %arg7[%parallel_loop3A_177, %parallel_loop3A_178] {strides = array<i32>} : memref<32x384xf32, #tpu.memory_space<vmem>>, vector<16xf32>,
        tpu.vector_store %arg7[%parallel_loop3A_177, %parallel_loop3A_178], %parallel_loop3A_176 {strides = array<i32>} : memref<32x384xf32, #tpu.memory_space<vmem>>, vector<16xf32>,
        %parallel_loop3A_180 = tpu.vector_load_idx %arg5[%parallel_loop3A_171, %add3A_12] : memref<520x128xf32, #tpu.memory_space<vmem>>[vector<16xi32>, vector<16xi32>], vector<16xf32>,
        %parallel_loop3A_181 = arith.index_cast %parallel_loop3A_163 : i32 to index
        %parallel_loop3A_182 = arith.constant 32 : index
        %parallel_loop3A_183 = tpu.vector_load %arg7[%parallel_loop3A_181, %parallel_loop3A_182] {strides = array<i32>} : memref<32x384xf32, #tpu.memory_space<vmem>>, vector<16xf32>,
        tpu.vector_store %arg7[%parallel_loop3A_181, %parallel_loop3A_182], %parallel_loop3A_180 {strides = array<i32>} : memref<32x384xf32, #tpu.memory_space<vmem>>, vector<16xf32>,
        %parallel_loop3A_184 = tpu.vector_load_idx %arg5[%parallel_loop3A_171, %add3A_15] : memref<520x128xf32, #tpu.memory_space<vmem>>[vector<16xi32>, vector<16xi32>], vector<16xf32>,
        %parallel_loop3A_185 = arith.index_cast %parallel_loop3A_163 : i32 to index
        %parallel_loop3A_186 = arith.constant 48 : index
        %parallel_loop3A_187 = tpu.vector_load %arg7[%parallel_loop3A_185, %parallel_loop3A_186] {strides = array<i32>} : memref<32x384xf32, #tpu.memory_space<vmem>>, vector<16xf32>,
        tpu.vector_store %arg7[%parallel_loop3A_185, %parallel_loop3A_186], %parallel_loop3A_184 {strides = array<i32>} : memref<32x384xf32, #tpu.memory_space<vmem>>, vector<16xf32>,
        %parallel_loop3A_188 = arith.constant 50 : i32
        %parallel_loop3A_189 = arith.addi %parallel_loop3A_188, %mul3A_131 : i32
        %parallel_loop3A_190 = vector.broadcast %parallel_loop3A_189 : i32 to vector<16xi32>
        %parallel_loop3A_191 = arith.addi %broadcast_in_dim3A_3, %parallel_loop3A_190 : vector<16xi32>
        %parallel_loop3A_192 = tpu.vector_load_idx %arg6[%parallel_loop3A_191, %parallel_loop3A_166] : memref<300x128xi32, #tpu.memory_space<vmem>>[vector<16xi32>, vector<16xi32>], vector<16xi32>,
        %parallel_loop3A_193 = tpu.vector_load_idx %arg5[%parallel_loop3A_192, %add3A_18] : memref<520x128xf32, #tpu.memory_space<vmem>>[vector<16xi32>, vector<16xi32>], vector<16xf32>,
        %parallel_loop3A_194 = arith.index_cast %parallel_loop3A_163 : i32 to index
        %parallel_loop3A_195 = arith.constant 64 : index
        %parallel_loop3A_196 = tpu.vector_load %arg7[%parallel_loop3A_194, %parallel_loop3A_195] {strides = array<i32>} : memref<32x384xf32, #tpu.memory_space<vmem>>, vector<16xf32>,
        tpu.vector_store %arg7[%parallel_loop3A_194, %parallel_loop3A_195], %parallel_loop3A_193 {strides = array<i32>} : memref<32x384xf32, #tpu.memory_space<vmem>>, vector<16xf32>,
        %parallel_loop3A_197 = tpu.vector_load_idx %arg5[%parallel_loop3A_192, %add3A_21] : memref<520x128xf32, #tpu.memory_space<vmem>>[vector<16xi32>, vector<16xi32>], vector<16xf32>,
        %parallel_loop3A_198 = arith.index_cast %parallel_loop3A_163 : i32 to index
        %parallel_loop3A_199 = arith.constant 80 : index
        %parallel_loop3A_200 = tpu.vector_load %arg7[%parallel_loop3A_198, %parallel_loop3A_199] {strides = array<i32>} : memref<32x384xf32, #tpu.memory_space<vmem>>, vector<16xf32>,
        tpu.vector_store %arg7[%parallel_loop3A_198, %parallel_loop3A_199], %parallel_loop3A_197 {strides = array<i32>} : memref<32x384xf32, #tpu.memory_space<vmem>>, vector<16xf32>,
        %parallel_loop3A_201 = tpu.vector_load_idx %arg5[%parallel_loop3A_192, %add3A_24] : memref<520x128xf32, #tpu.memory_space<vmem>>[vector<16xi32>, vector<16xi32>], vector<16xf32>,
        %parallel_loop3A_202 = arith.index_cast %parallel_loop3A_163 : i32 to index
        %parallel_loop3A_203 = arith.constant 96 : index
        %parallel_loop3A_204 = tpu.vector_load %arg7[%parallel_loop3A_202, %parallel_loop3A_203] {strides = array<i32>} : memref<32x384xf32, #tpu.memory_space<vmem>>, vector<16xf32>,
        tpu.vector_store %arg7[%parallel_loop3A_202, %parallel_loop3A_203], %parallel_loop3A_201 {strides = array<i32>} : memref<32x384xf32, #tpu.memory_space<vmem>>, vector<16xf32>,
        %parallel_loop3A_205 = tpu.vector_load_idx %arg5[%parallel_loop3A_192, %add3A_27] : memref<520x128xf32, #tpu.memory_space<vmem>>[vector<16xi32>, vector<16xi32>], vector<16xf32>,
        %parallel_loop3A_206 = arith.index_cast %parallel_loop3A_163 : i32 to index
        %parallel_loop3A_207 = arith.constant 112 : index
        %parallel_loop3A_208 = tpu.vector_load %arg7[%parallel_loop3A_206, %parallel_loop3A_207] {strides = array<i32>} : memref<32x384xf32, #tpu.memory_space<vmem>>, vector<16xf32>,
        tpu.vector_store %arg7[%parallel_loop3A_206, %parallel_loop3A_207], %parallel_loop3A_205 {strides = array<i32>} : memref<32x384xf32, #tpu.memory_space<vmem>>, vector<16xf32>,
        %parallel_loop3A_209 = arith.constant 100 : i32
        %parallel_loop3A_210 = arith.addi %parallel_loop3A_209, %mul3A_131 : i32
        %parallel_loop3A_211 = vector.broadcast %parallel_loop3A_210 : i32 to vector<16xi32>
        %parallel_loop3A_212 = arith.addi %broadcast_in_dim3A_3, %parallel_loop3A_211 : vector<16xi32>
        %parallel_loop3A_213 = tpu.vector_load_idx %arg6[%parallel_loop3A_212, %parallel_loop3A_166] : memref<300x128xi32, #tpu.memory_space<vmem>>[vector<16xi32>, vector<16xi32>], vector<16xi32>,
        %parallel_loop3A_214 = tpu.vector_load_idx %arg5[%parallel_loop3A_213, %add3A_30] : memref<520x128xf32, #tpu.memory_space<vmem>>[vector<16xi32>, vector<16xi32>], vector<16xf32>,
        %parallel_loop3A_215 = arith.index_cast %parallel_loop3A_163 : i32 to index
        %parallel_loop3A_216 = arith.constant 128 : index
        %parallel_loop3A_217 = tpu.vector_load %arg7[%parallel_loop3A_215, %parallel_loop3A_216] {strides = array<i32>} : memref<32x384xf32, #tpu.memory_space<vmem>>, vector<16xf32>,
        tpu.vector_store %arg7[%parallel_loop3A_215, %parallel_loop3A_216], %parallel_loop3A_214 {strides = array<i32>} : memref<32x384xf32, #tpu.memory_space<vmem>>, vector<16xf32>,
        %parallel_loop3A_218 = tpu.vector_load_idx %arg5[%parallel_loop3A_213, %add3A_33] : memref<520x128xf32, #tpu.memory_space<vmem>>[vector<16xi32>, vector<16xi32>], vector<16xf32>,
        %parallel_loop3A_219 = arith.index_cast %parallel_loop3A_163 : i32 to index
        %parallel_loop3A_220 = arith.constant 144 : index
        %parallel_loop3A_221 = tpu.vector_load %arg7[%parallel_loop3A_219, %parallel_loop3A_220] {strides = array<i32>} : memref<32x384xf32, #tpu.memory_space<vmem>>, vector<16xf32>,
        tpu.vector_store %arg7[%parallel_loop3A_219, %parallel_loop3A_220], %parallel_loop3A_218 {strides = array<i32>} : memref<32x384xf32, #tpu.memory_space<vmem>>, vector<16xf32>,
        %parallel_loop3A_222 = tpu.vector_load_idx %arg5[%parallel_loop3A_213, %add3A_36] : memref<520x128xf32, #tpu.memory_space<vmem>>[vector<16xi32>, vector<16xi32>], vector<16xf32>,
        %parallel_loop3A_223 = arith.index_cast %parallel_loop3A_163 : i32 to index
        %parallel_loop3A_224 = arith.constant 160 : index
        %parallel_loop3A_225 = tpu.vector_load %arg7[%parallel_loop3A_223, %parallel_loop3A_224] {strides = array<i32>} : memref<32x384xf32, #tpu.memory_space<vmem>>, vector<16xf32>,
        tpu.vector_store %arg7[%parallel_loop3A_223, %parallel_loop3A_224], %parallel_loop3A_222 {strides = array<i32>} : memref<32x384xf32, #tpu.memory_space<vmem>>, vector<16xf32>,
        %parallel_loop3A_226 = tpu.vector_load_idx %arg5[%parallel_loop3A_213, %add3A_39] : memref<520x128xf32, #tpu.memory_space<vmem>>[vector<16xi32>, vector<16xi32>], vector<16xf32>,
        %parallel_loop3A_227 = arith.index_cast %parallel_loop3A_163 : i32 to index
        %parallel_loop3A_228 = arith.constant 176 : index
        %parallel_loop3A_229 = tpu.vector_load %arg7[%parallel_loop3A_227, %parallel_loop3A_228] {strides = array<i32>} : memref<32x384xf32, #tpu.memory_space<vmem>>, vector<16xf32>,
        tpu.vector_store %arg7[%parallel_loop3A_227, %parallel_loop3A_228], %parallel_loop3A_226 {strides = array<i32>} : memref<32x384xf32, #tpu.memory_space<vmem>>, vector<16xf32>,
        %parallel_loop3A_230 = arith.constant 150 : i32
        %parallel_loop3A_231 = arith.addi %parallel_loop3A_230, %mul3A_131 : i32
        %parallel_loop3A_232 = vector.broadcast %parallel_loop3A_231 : i32 to vector<16xi32>
        %parallel_loop3A_233 = arith.addi %broadcast_in_dim3A_3, %parallel_loop3A_232 : vector<16xi32>
        %parallel_loop3A_234 = tpu.vector_load_idx %arg6[%parallel_loop3A_233, %parallel_loop3A_166] : memref<300x128xi32, #tpu.memory_space<vmem>>[vector<16xi32>, vector<16xi32>], vector<16xi32>,
        %parallel_loop3A_235 = tpu.vector_load_idx %arg5[%parallel_loop3A_234, %add3A_42] : memref<520x128xf32, #tpu.memory_space<vmem>>[vector<16xi32>, vector<16xi32>], vector<16xf32>,
        %parallel_loop3A_236 = arith.index_cast %parallel_loop3A_163 : i32 to index
        %parallel_loop3A_237 = arith.constant 192 : index
        %parallel_loop3A_238 = tpu.vector_load %arg7[%parallel_loop3A_236, %parallel_loop3A_237] {strides = array<i32>} : memref<32x384xf32, #tpu.memory_space<vmem>>, vector<16xf32>,
        tpu.vector_store %arg7[%parallel_loop3A_236, %parallel_loop3A_237], %parallel_loop3A_235 {strides = array<i32>} : memref<32x384xf32, #tpu.memory_space<vmem>>, vector<16xf32>,
        %parallel_loop3A_239 = tpu.vector_load_idx %arg5[%parallel_loop3A_234, %add3A_45] : memref<520x128xf32, #tpu.memory_space<vmem>>[vector<16xi32>, vector<16xi32>], vector<16xf32>,
        %parallel_loop3A_240 = arith.index_cast %parallel_loop3A_163 : i32 to index
        %parallel_loop3A_241 = arith.constant 208 : index
        %parallel_loop3A_242 = tpu.vector_load %arg7[%parallel_loop3A_240, %parallel_loop3A_241] {strides = array<i32>} : memref<32x384xf32, #tpu.memory_space<vmem>>, vector<16xf32>,
        tpu.vector_store %arg7[%parallel_loop3A_240, %parallel_loop3A_241], %parallel_loop3A_239 {strides = array<i32>} : memref<32x384xf32, #tpu.memory_space<vmem>>, vector<16xf32>,
        %parallel_loop3A_243 = tpu.vector_load_idx %arg5[%parallel_loop3A_234, %add3A_48] : memref<520x128xf32, #tpu.memory_space<vmem>>[vector<16xi32>, vector<16xi32>], vector<16xf32>,
        %parallel_loop3A_244 = arith.index_cast %parallel_loop3A_163 : i32 to index
        %parallel_loop3A_245 = arith.constant 224 : index
        %parallel_loop3A_246 = tpu.vector_load %arg7[%parallel_loop3A_244, %parallel_loop3A_245] {strides = array<i32>} : memref<32x384xf32, #tpu.memory_space<vmem>>, vector<16xf32>,
        tpu.vector_store %arg7[%parallel_loop3A_244, %parallel_loop3A_245], %parallel_loop3A_243 {strides = array<i32>} : memref<32x384xf32, #tpu.memory_space<vmem>>, vector<16xf32>,
        %parallel_loop3A_247 = tpu.vector_load_idx %arg5[%parallel_loop3A_234, %add3A_51] : memref<520x128xf32, #tpu.memory_space<vmem>>[vector<16xi32>, vector<16xi32>], vector<16xf32>,
        %parallel_loop3A_248 = arith.index_cast %parallel_loop3A_163 : i32 to index
        %parallel_loop3A_249 = arith.constant 240 : index
        %parallel_loop3A_250 = tpu.vector_load %arg7[%parallel_loop3A_248, %parallel_loop3A_249] {strides = array<i32>} : memref<32x384xf32, #tpu.memory_space<vmem>>, vector<16xf32>,
        tpu.vector_store %arg7[%parallel_loop3A_248, %parallel_loop3A_249], %parallel_loop3A_247 {strides = array<i32>} : memref<32x384xf32, #tpu.memory_space<vmem>>, vector<16xf32>,
        %parallel_loop3A_251 = arith.constant 200 : i32
        %parallel_loop3A_252 = arith.addi %parallel_loop3A_251, %mul3A_131 : i32
        %parallel_loop3A_253 = vector.broadcast %parallel_loop3A_252 : i32 to vector<16xi32>
        %parallel_loop3A_254 = arith.addi %broadcast_in_dim3A_3, %parallel_loop3A_253 : vector<16xi32>
        %parallel_loop3A_255 = tpu.vector_load_idx %arg6[%parallel_loop3A_254, %parallel_loop3A_166] : memref<300x128xi32, #tpu.memory_space<vmem>>[vector<16xi32>, vector<16xi32>], vector<16xi32>,
        %parallel_loop3A_256 = tpu.vector_load_idx %arg5[%parallel_loop3A_255, %add3A_54] : memref<520x128xf32, #tpu.memory_space<vmem>>[vector<16xi32>, vector<16xi32>], vector<16xf32>,
        %parallel_loop3A_257 = arith.index_cast %parallel_loop3A_163 : i32 to index
        %parallel_loop3A_258 = arith.constant 256 : index
        %parallel_loop3A_259 = tpu.vector_load %arg7[%parallel_loop3A_257, %parallel_loop3A_258] {strides = array<i32>} : memref<32x384xf32, #tpu.memory_space<vmem>>, vector<16xf32>,
        tpu.vector_store %arg7[%parallel_loop3A_257, %parallel_loop3A_258], %parallel_loop3A_256 {strides = array<i32>} : memref<32x384xf32, #tpu.memory_space<vmem>>, vector<16xf32>,
        %parallel_loop3A_260 = tpu.vector_load_idx %arg5[%parallel_loop3A_255, %add3A_57] : memref<520x128xf32, #tpu.memory_space<vmem>>[vector<16xi32>, vector<16xi32>], vector<16xf32>,
        %parallel_loop3A_261 = arith.index_cast %parallel_loop3A_163 : i32 to index
        %parallel_loop3A_262 = arith.constant 272 : index
        %parallel_loop3A_263 = tpu.vector_load %arg7[%parallel_loop3A_261, %parallel_loop3A_262] {strides = array<i32>} : memref<32x384xf32, #tpu.memory_space<vmem>>, vector<16xf32>,
        tpu.vector_store %arg7[%parallel_loop3A_261, %parallel_loop3A_262], %parallel_loop3A_260 {strides = array<i32>} : memref<32x384xf32, #tpu.memory_space<vmem>>, vector<16xf32>,
        %parallel_loop3A_264 = tpu.vector_load_idx %arg5[%parallel_loop3A_255, %add3A_60] : memref<520x128xf32, #tpu.memory_space<vmem>>[vector<16xi32>, vector<16xi32>], vector<16xf32>,
        %parallel_loop3A_265 = arith.index_cast %parallel_loop3A_163 : i32 to index
        %parallel_loop3A_266 = arith.constant 288 : index
        %parallel_loop3A_267 = tpu.vector_load %arg7[%parallel_loop3A_265, %parallel_loop3A_266] {strides = array<i32>} : memref<32x384xf32, #tpu.memory_space<vmem>>, vector<16xf32>,
        tpu.vector_store %arg7[%parallel_loop3A_265, %parallel_loop3A_266], %parallel_loop3A_264 {strides = array<i32>} : memref<32x384xf32, #tpu.memory_space<vmem>>, vector<16xf32>,
        %parallel_loop3A_268 = tpu.vector_load_idx %arg5[%parallel_loop3A_255, %add3A_63] : memref<520x128xf32, #tpu.memory_space<vmem>>[vector<16xi32>, vector<16xi32>], vector<16xf32>,
        %parallel_loop3A_269 = arith.index_cast %parallel_loop3A_163 : i32 to index
        %parallel_loop3A_270 = arith.constant 304 : index
        %parallel_loop3A_271 = tpu.vector_load %arg7[%parallel_loop3A_269, %parallel_loop3A_270] {strides = array<i32>} : memref<32x384xf32, #tpu.memory_space<vmem>>, vector<16xf32>,
        tpu.vector_store %arg7[%parallel_loop3A_269, %parallel_loop3A_270], %parallel_loop3A_268 {strides = array<i32>} : memref<32x384xf32, #tpu.memory_space<vmem>>, vector<16xf32>,
        %parallel_loop3A_272 = arith.constant 250 : i32
        %parallel_loop3A_273 = arith.addi %parallel_loop3A_272, %mul3A_131 : i32
        %parallel_loop3A_274 = vector.broadcast %parallel_loop3A_273 : i32 to vector<16xi32>
        %parallel_loop3A_275 = arith.addi %broadcast_in_dim3A_3, %parallel_loop3A_274 : vector<16xi32>
        %parallel_loop3A_276 = tpu.vector_load_idx %arg6[%parallel_loop3A_275, %parallel_loop3A_166] : memref<300x128xi32, #tpu.memory_space<vmem>>[vector<16xi32>, vector<16xi32>], vector<16xi32>,
        %parallel_loop3A_277 = tpu.vector_load_idx %arg5[%parallel_loop3A_276, %add3A_66] : memref<520x128xf32, #tpu.memory_space<vmem>>[vector<16xi32>, vector<16xi32>], vector<16xf32>,
        %parallel_loop3A_278 = arith.index_cast %parallel_loop3A_163 : i32 to index
        %parallel_loop3A_279 = arith.constant 320 : index
        %parallel_loop3A_280 = tpu.vector_load %arg7[%parallel_loop3A_278, %parallel_loop3A_279] {strides = array<i32>} : memref<32x384xf32, #tpu.memory_space<vmem>>, vector<16xf32>,
        tpu.vector_store %arg7[%parallel_loop3A_278, %parallel_loop3A_279], %parallel_loop3A_277 {strides = array<i32>} : memref<32x384xf32, #tpu.memory_space<vmem>>, vector<16xf32>,
        %parallel_loop3A_281 = tpu.vector_load_idx %arg5[%parallel_loop3A_276, %add3A_69] : memref<520x128xf32, #tpu.memory_space<vmem>>[vector<16xi32>, vector<16xi32>], vector<16xf32>,
        %parallel_loop3A_282 = arith.index_cast %parallel_loop3A_163 : i32 to index
        %parallel_loop3A_283 = arith.constant 336 : index
        %parallel_loop3A_284 = tpu.vector_load %arg7[%parallel_loop3A_282, %parallel_loop3A_283] {strides = array<i32>} : memref<32x384xf32, #tpu.memory_space<vmem>>, vector<16xf32>,
        tpu.vector_store %arg7[%parallel_loop3A_282, %parallel_loop3A_283], %parallel_loop3A_281 {strides = array<i32>} : memref<32x384xf32, #tpu.memory_space<vmem>>, vector<16xf32>,
        %parallel_loop3A_285 = tpu.vector_load_idx %arg5[%parallel_loop3A_276, %add3A_72] : memref<520x128xf32, #tpu.memory_space<vmem>>[vector<16xi32>, vector<16xi32>], vector<16xf32>,
        %parallel_loop3A_286 = arith.index_cast %parallel_loop3A_163 : i32 to index
        %parallel_loop3A_287 = arith.constant 352 : index
        %parallel_loop3A_288 = tpu.vector_load %arg7[%parallel_loop3A_286, %parallel_loop3A_287] {strides = array<i32>} : memref<32x384xf32, #tpu.memory_space<vmem>>, vector<16xf32>,
        tpu.vector_store %arg7[%parallel_loop3A_286, %parallel_loop3A_287], %parallel_loop3A_285 {strides = array<i32>} : memref<32x384xf32, #tpu.memory_space<vmem>>, vector<16xf32>,
        %parallel_loop3A_289 = tpu.vector_load_idx %arg5[%parallel_loop3A_276, %add3A_75] : memref<520x128xf32, #tpu.memory_space<vmem>>[vector<16xi32>, vector<16xi32>], vector<16xf32>,
        %parallel_loop3A_290 = arith.index_cast %parallel_loop3A_163 : i32 to index
        %parallel_loop3A_291 = arith.constant 368 : index
        %parallel_loop3A_292 = tpu.vector_load %arg7[%parallel_loop3A_290, %parallel_loop3A_291] {strides = array<i32>} : memref<32x384xf32, #tpu.memory_space<vmem>>, vector<16xf32>,
        tpu.vector_store %arg7[%parallel_loop3A_290, %parallel_loop3A_291], %parallel_loop3A_289 {strides = array<i32>} : memref<32x384xf32, #tpu.memory_space<vmem>>, vector<16xf32>,
      } {sc.loop_unroll_factor = 4 : i64, sc.parallel_access}
      %mul3A_134 = arith.constant 2 : i32
      %mul3A_135 = arith.muli %mul3A_134, %select_n3A_124 : i32
      %dma_start3A = arith.constant 0 : i32
      %dma_start3A_136 = tpu.memref_slice %arg4[%mul3A_135, %add3A_127, %dma_start3A] : memref<50x4096x384xf32, #tpu.memory_space<hbm>> -> memref<1x32x384xf32, #tpu.memory_space<hbm>>
      %dma_start3A_137 = tpu.memref_squeeze %dma_start3A_136 : memref<1x32x384xf32, #tpu.memory_space<hbm>> -> memref<32x384xf32, #tpu.memory_space<hbm>>
      %dma_start3A_138 = arith.constant 0 : i32
      %dma_start3A_139 = tpu.memref_slice %arg4[%mul3A_135, %add3A_127, %dma_start3A_138] : memref<50x4096x384xf32, #tpu.memory_space<hbm>> -> memref<1x32x384xf32, #tpu.memory_space<hbm>>
      %dma_start3A_140 = tpu.memref_squeeze %dma_start3A_139 : memref<1x32x384xf32, #tpu.memory_space<hbm>> -> memref<32x384xf32, #tpu.memory_space<hbm>>
      tpu.enqueue_dma source(%arg7 : memref<32x384xf32, #tpu.memory_space<vmem>>) target(%dma_start3A_140 : memref<32x384xf32, #tpu.memory_space<hbm>>) target_semaphore(%arg9 : memref<!tpu.dma_semaphore, #tpu.memory_space<semaphore_mem>>)
      %gt3A_141 = arith.constant 0 : i32
      %gt3A_142 = arith.cmpi sgt, %scan3A_94, %gt3A_141 : i32
      %convert_element_type3A_143 = arith.extui %gt3A_142 : i1 to i32
      %cond3A_144 = arith.constant 0 : i32
      %cond3A_145 = arith.cmpi ne, %convert_element_type3A_143, %cond3A_144 : i32
      scf.if %cond3A_145 {
        %dma_wait3A_163 = arith.constant 0 : i32
        %dma_wait3A_164 = arith.constant 0 : i32
        %dma_wait3A_165 = tpu.memref_slice %arg4[%dma_wait3A_163, %mul3A_2, %dma_wait3A_164] : memref<50x4096x384xf32, #tpu.memory_space<hbm>> -> memref<1x32x384xf32, #tpu.memory_space<hbm>>
        %dma_wait3A_166 = tpu.memref_squeeze %dma_wait3A_165 : memref<1x32x384xf32, #tpu.memory_space<hbm>> -> memref<32x384xf32, #tpu.memory_space<hbm>>
        %dma_wait3A_167 = arith.constant 0 : i32
        %dma_wait3A_168 = tpu.memref_slice %arg4[%dma_wait3A_163, %mul3A_2, %dma_wait3A_167] : memref<50x4096x384xf32, #tpu.memory_space<hbm>> -> memref<1x32x384xf32, #tpu.memory_space<hbm>>
        %dma_wait3A_169 = tpu.memref_squeeze %dma_wait3A_168 : memref<1x32x384xf32, #tpu.memory_space<hbm>> -> memref<32x384xf32, #tpu.memory_space<hbm>>
        tpu.wait_dma2 semaphore(%arg10 : memref<!tpu.dma_semaphore, #tpu.memory_space<semaphore_mem>>) src(%arg8 : memref<32x384xf32, #tpu.memory_space<vmem>>) dst(%dma_wait3A_169 : memref<32x384xf32, #tpu.memory_space<hbm>>)
      } else {
      }
      %mul3A_146 = arith.constant 2 : i32
      %mul3A_147 = arith.muli %mul3A_146, %select_n3A_124 : i32
      %add3A_148 = arith.constant 1 : i32
      %add3A_149 = arith.addi %mul3A_147, %add3A_148 : i32
      %parallel_loop3A_150 = arith.constant 0 : i32
      %parallel_loop3A_151 = arith.constant 32 : i32
      %parallel_loop3A_152 = arith.constant 1 : i32
      scf.for %parallel_loop3A_163 = %parallel_loop3A_150 to %parallel_loop3A_151 step %parallel_loop3A_152  : i32 {
        %parallel_loop3A_164 = arith.addi %mul3A_126, %parallel_loop3A_163 : i32
        %parallel_loop3A_165 = vector.broadcast %parallel_loop3A_164 : i32 to vector<16xi32>
        %parallel_loop3A_166 = arith.addi %broadcast_in_dim3A_3, %parallel_loop3A_165 : vector<16xi32>
        %parallel_loop3A_167 = arith.constant 0 : i32
        %parallel_loop3A_168 = arith.addi %parallel_loop3A_167, %add3A_149 : i32
        %parallel_loop3A_169 = vector.broadcast %parallel_loop3A_168 : i32 to vector<16xi32>
        %parallel_loop3A_170 = arith.addi %broadcast_in_dim3A_3, %parallel_loop3A_169 : vector<16xi32>
        %parallel_loop3A_171 = tpu.vector_load_idx %arg6[%parallel_loop3A_170, %parallel_loop3A_166] : memref<300x128xi32, #tpu.memory_space<vmem>>[vector<16xi32>, vector<16xi32>], vector<16xi32>,
        %parallel_loop3A_172 = tpu.vector_load_idx %arg5[%parallel_loop3A_171, %add3A_6] : memref<520x128xf32, #tpu.memory_space<vmem>>[vector<16xi32>, vector<16xi32>], vector<16xf32>,
        %parallel_loop3A_173 = arith.index_cast %parallel_loop3A_163 : i32 to index
        %parallel_loop3A_174 = arith.constant 0 : index
        %parallel_loop3A_175 = tpu.vector_load %arg8[%parallel_loop3A_173, %parallel_loop3A_174] {strides = array<i32>} : memref<32x384xf32, #tpu.memory_space<vmem>>, vector<16xf32>,
        tpu.vector_store %arg8[%parallel_loop3A_173, %parallel_loop3A_174], %parallel_loop3A_172 {strides = array<i32>} : memref<32x384xf32, #tpu.memory_space<vmem>>, vector<16xf32>,
        %parallel_loop3A_176 = tpu.vector_load_idx %arg5[%parallel_loop3A_171, %add3A_9] : memref<520x128xf32, #tpu.memory_space<vmem>>[vector<16xi32>, vector<16xi32>], vector<16xf32>,
        %parallel_loop3A_177 = arith.index_cast %parallel_loop3A_163 : i32 to index
        %parallel_loop3A_178 = arith.constant 16 : index
        %parallel_loop3A_179 = tpu.vector_load %arg8[%parallel_loop3A_177, %parallel_loop3A_178] {strides = array<i32>} : memref<32x384xf32, #tpu.memory_space<vmem>>, vector<16xf32>,
        tpu.vector_store %arg8[%parallel_loop3A_177, %parallel_loop3A_178], %parallel_loop3A_176 {strides = array<i32>} : memref<32x384xf32, #tpu.memory_space<vmem>>, vector<16xf32>,
        %parallel_loop3A_180 = tpu.vector_load_idx %arg5[%parallel_loop3A_171, %add3A_12] : memref<520x128xf32, #tpu.memory_space<vmem>>[vector<16xi32>, vector<16xi32>], vector<16xf32>,
        %parallel_loop3A_181 = arith.index_cast %parallel_loop3A_163 : i32 to index
        %parallel_loop3A_182 = arith.constant 32 : index
        %parallel_loop3A_183 = tpu.vector_load %arg8[%parallel_loop3A_181, %parallel_loop3A_182] {strides = array<i32>} : memref<32x384xf32, #tpu.memory_space<vmem>>, vector<16xf32>,
        tpu.vector_store %arg8[%parallel_loop3A_181, %parallel_loop3A_182], %parallel_loop3A_180 {strides = array<i32>} : memref<32x384xf32, #tpu.memory_space<vmem>>, vector<16xf32>,
        %parallel_loop3A_184 = tpu.vector_load_idx %arg5[%parallel_loop3A_171, %add3A_15] : memref<520x128xf32, #tpu.memory_space<vmem>>[vector<16xi32>, vector<16xi32>], vector<16xf32>,
        %parallel_loop3A_185 = arith.index_cast %parallel_loop3A_163 : i32 to index
        %parallel_loop3A_186 = arith.constant 48 : index
        %parallel_loop3A_187 = tpu.vector_load %arg8[%parallel_loop3A_185, %parallel_loop3A_186] {strides = array<i32>} : memref<32x384xf32, #tpu.memory_space<vmem>>, vector<16xf32>,
        tpu.vector_store %arg8[%parallel_loop3A_185, %parallel_loop3A_186], %parallel_loop3A_184 {strides = array<i32>} : memref<32x384xf32, #tpu.memory_space<vmem>>, vector<16xf32>,
        %parallel_loop3A_188 = arith.constant 50 : i32
        %parallel_loop3A_189 = arith.addi %parallel_loop3A_188, %add3A_149 : i32
        %parallel_loop3A_190 = vector.broadcast %parallel_loop3A_189 : i32 to vector<16xi32>
        %parallel_loop3A_191 = arith.addi %broadcast_in_dim3A_3, %parallel_loop3A_190 : vector<16xi32>
        %parallel_loop3A_192 = tpu.vector_load_idx %arg6[%parallel_loop3A_191, %parallel_loop3A_166] : memref<300x128xi32, #tpu.memory_space<vmem>>[vector<16xi32>, vector<16xi32>], vector<16xi32>,
        %parallel_loop3A_193 = tpu.vector_load_idx %arg5[%parallel_loop3A_192, %add3A_18] : memref<520x128xf32, #tpu.memory_space<vmem>>[vector<16xi32>, vector<16xi32>], vector<16xf32>,
        %parallel_loop3A_194 = arith.index_cast %parallel_loop3A_163 : i32 to index
        %parallel_loop3A_195 = arith.constant 64 : index
        %parallel_loop3A_196 = tpu.vector_load %arg8[%parallel_loop3A_194, %parallel_loop3A_195] {strides = array<i32>} : memref<32x384xf32, #tpu.memory_space<vmem>>, vector<16xf32>,
        tpu.vector_store %arg8[%parallel_loop3A_194, %parallel_loop3A_195], %parallel_loop3A_193 {strides = array<i32>} : memref<32x384xf32, #tpu.memory_space<vmem>>, vector<16xf32>,
        %parallel_loop3A_197 = tpu.vector_load_idx %arg5[%parallel_loop3A_192, %add3A_21] : memref<520x128xf32, #tpu.memory_space<vmem>>[vector<16xi32>, vector<16xi32>], vector<16xf32>,
        %parallel_loop3A_198 = arith.index_cast %parallel_loop3A_163 : i32 to index
        %parallel_loop3A_199 = arith.constant 80 : index
        %parallel_loop3A_200 = tpu.vector_load %arg8[%parallel_loop3A_198, %parallel_loop3A_199] {strides = array<i32>} : memref<32x384xf32, #tpu.memory_space<vmem>>, vector<16xf32>,
        tpu.vector_store %arg8[%parallel_loop3A_198, %parallel_loop3A_199], %parallel_loop3A_197 {strides = array<i32>} : memref<32x384xf32, #tpu.memory_space<vmem>>, vector<16xf32>,
        %parallel_loop3A_201 = tpu.vector_load_idx %arg5[%parallel_loop3A_192, %add3A_24] : memref<520x128xf32, #tpu.memory_space<vmem>>[vector<16xi32>, vector<16xi32>], vector<16xf32>,
        %parallel_loop3A_202 = arith.index_cast %parallel_loop3A_163 : i32 to index
        %parallel_loop3A_203 = arith.constant 96 : index
        %parallel_loop3A_204 = tpu.vector_load %arg8[%parallel_loop3A_202, %parallel_loop3A_203] {strides = array<i32>} : memref<32x384xf32, #tpu.memory_space<vmem>>, vector<16xf32>,
        tpu.vector_store %arg8[%parallel_loop3A_202, %parallel_loop3A_203], %parallel_loop3A_201 {strides = array<i32>} : memref<32x384xf32, #tpu.memory_space<vmem>>, vector<16xf32>,
        %parallel_loop3A_205 = tpu.vector_load_idx %arg5[%parallel_loop3A_192, %add3A_27] : memref<520x128xf32, #tpu.memory_space<vmem>>[vector<16xi32>, vector<16xi32>], vector<16xf32>,
        %parallel_loop3A_206 = arith.index_cast %parallel_loop3A_163 : i32 to index
        %parallel_loop3A_207 = arith.constant 112 : index
        %parallel_loop3A_208 = tpu.vector_load %arg8[%parallel_loop3A_206, %parallel_loop3A_207] {strides = array<i32>} : memref<32x384xf32, #tpu.memory_space<vmem>>, vector<16xf32>,
        tpu.vector_store %arg8[%parallel_loop3A_206, %parallel_loop3A_207], %parallel_loop3A_205 {strides = array<i32>} : memref<32x384xf32, #tpu.memory_space<vmem>>, vector<16xf32>,
        %parallel_loop3A_209 = arith.constant 100 : i32
        %parallel_loop3A_210 = arith.addi %parallel_loop3A_209, %add3A_149 : i32
        %parallel_loop3A_211 = vector.broadcast %parallel_loop3A_210 : i32 to vector<16xi32>
        %parallel_loop3A_212 = arith.addi %broadcast_in_dim3A_3, %parallel_loop3A_211 : vector<16xi32>
        %parallel_loop3A_213 = tpu.vector_load_idx %arg6[%parallel_loop3A_212, %parallel_loop3A_166] : memref<300x128xi32, #tpu.memory_space<vmem>>[vector<16xi32>, vector<16xi32>], vector<16xi32>,
        %parallel_loop3A_214 = tpu.vector_load_idx %arg5[%parallel_loop3A_213, %add3A_30] : memref<520x128xf32, #tpu.memory_space<vmem>>[vector<16xi32>, vector<16xi32>], vector<16xf32>,
        %parallel_loop3A_215 = arith.index_cast %parallel_loop3A_163 : i32 to index
        %parallel_loop3A_216 = arith.constant 128 : index
        %parallel_loop3A_217 = tpu.vector_load %arg8[%parallel_loop3A_215, %parallel_loop3A_216] {strides = array<i32>} : memref<32x384xf32, #tpu.memory_space<vmem>>, vector<16xf32>,
        tpu.vector_store %arg8[%parallel_loop3A_215, %parallel_loop3A_216], %parallel_loop3A_214 {strides = array<i32>} : memref<32x384xf32, #tpu.memory_space<vmem>>, vector<16xf32>,
        %parallel_loop3A_218 = tpu.vector_load_idx %arg5[%parallel_loop3A_213, %add3A_33] : memref<520x128xf32, #tpu.memory_space<vmem>>[vector<16xi32>, vector<16xi32>], vector<16xf32>,
        %parallel_loop3A_219 = arith.index_cast %parallel_loop3A_163 : i32 to index
        %parallel_loop3A_220 = arith.constant 144 : index
        %parallel_loop3A_221 = tpu.vector_load %arg8[%parallel_loop3A_219, %parallel_loop3A_220] {strides = array<i32>} : memref<32x384xf32, #tpu.memory_space<vmem>>, vector<16xf32>,
        tpu.vector_store %arg8[%parallel_loop3A_219, %parallel_loop3A_220], %parallel_loop3A_218 {strides = array<i32>} : memref<32x384xf32, #tpu.memory_space<vmem>>, vector<16xf32>,
        %parallel_loop3A_222 = tpu.vector_load_idx %arg5[%parallel_loop3A_213, %add3A_36] : memref<520x128xf32, #tpu.memory_space<vmem>>[vector<16xi32>, vector<16xi32>], vector<16xf32>,
        %parallel_loop3A_223 = arith.index_cast %parallel_loop3A_163 : i32 to index
        %parallel_loop3A_224 = arith.constant 160 : index
        %parallel_loop3A_225 = tpu.vector_load %arg8[%parallel_loop3A_223, %parallel_loop3A_224] {strides = array<i32>} : memref<32x384xf32, #tpu.memory_space<vmem>>, vector<16xf32>,
        tpu.vector_store %arg8[%parallel_loop3A_223, %parallel_loop3A_224], %parallel_loop3A_222 {strides = array<i32>} : memref<32x384xf32, #tpu.memory_space<vmem>>, vector<16xf32>,
        %parallel_loop3A_226 = tpu.vector_load_idx %arg5[%parallel_loop3A_213, %add3A_39] : memref<520x128xf32, #tpu.memory_space<vmem>>[vector<16xi32>, vector<16xi32>], vector<16xf32>,
        %parallel_loop3A_227 = arith.index_cast %parallel_loop3A_163 : i32 to index
        %parallel_loop3A_228 = arith.constant 176 : index
        %parallel_loop3A_229 = tpu.vector_load %arg8[%parallel_loop3A_227, %parallel_loop3A_228] {strides = array<i32>} : memref<32x384xf32, #tpu.memory_space<vmem>>, vector<16xf32>,
        tpu.vector_store %arg8[%parallel_loop3A_227, %parallel_loop3A_228], %parallel_loop3A_226 {strides = array<i32>} : memref<32x384xf32, #tpu.memory_space<vmem>>, vector<16xf32>,
        %parallel_loop3A_230 = arith.constant 150 : i32
        %parallel_loop3A_231 = arith.addi %parallel_loop3A_230, %add3A_149 : i32
        %parallel_loop3A_232 = vector.broadcast %parallel_loop3A_231 : i32 to vector<16xi32>
        %parallel_loop3A_233 = arith.addi %broadcast_in_dim3A_3, %parallel_loop3A_232 : vector<16xi32>
        %parallel_loop3A_234 = tpu.vector_load_idx %arg6[%parallel_loop3A_233, %parallel_loop3A_166] : memref<300x128xi32, #tpu.memory_space<vmem>>[vector<16xi32>, vector<16xi32>], vector<16xi32>,
        %parallel_loop3A_235 = tpu.vector_load_idx %arg5[%parallel_loop3A_234, %add3A_42] : memref<520x128xf32, #tpu.memory_space<vmem>>[vector<16xi32>, vector<16xi32>], vector<16xf32>,
        %parallel_loop3A_236 = arith.index_cast %parallel_loop3A_163 : i32 to index
        %parallel_loop3A_237 = arith.constant 192 : index
        %parallel_loop3A_238 = tpu.vector_load %arg8[%parallel_loop3A_236, %parallel_loop3A_237] {strides = array<i32>} : memref<32x384xf32, #tpu.memory_space<vmem>>, vector<16xf32>,
        tpu.vector_store %arg8[%parallel_loop3A_236, %parallel_loop3A_237], %parallel_loop3A_235 {strides = array<i32>} : memref<32x384xf32, #tpu.memory_space<vmem>>, vector<16xf32>,
        %parallel_loop3A_239 = tpu.vector_load_idx %arg5[%parallel_loop3A_234, %add3A_45] : memref<520x128xf32, #tpu.memory_space<vmem>>[vector<16xi32>, vector<16xi32>], vector<16xf32>,
        %parallel_loop3A_240 = arith.index_cast %parallel_loop3A_163 : i32 to index
        %parallel_loop3A_241 = arith.constant 208 : index
        %parallel_loop3A_242 = tpu.vector_load %arg8[%parallel_loop3A_240, %parallel_loop3A_241] {strides = array<i32>} : memref<32x384xf32, #tpu.memory_space<vmem>>, vector<16xf32>,
        tpu.vector_store %arg8[%parallel_loop3A_240, %parallel_loop3A_241], %parallel_loop3A_239 {strides = array<i32>} : memref<32x384xf32, #tpu.memory_space<vmem>>, vector<16xf32>,
        %parallel_loop3A_243 = tpu.vector_load_idx %arg5[%parallel_loop3A_234, %add3A_48] : memref<520x128xf32, #tpu.memory_space<vmem>>[vector<16xi32>, vector<16xi32>], vector<16xf32>,
        %parallel_loop3A_244 = arith.index_cast %parallel_loop3A_163 : i32 to index
        %parallel_loop3A_245 = arith.constant 224 : index
        %parallel_loop3A_246 = tpu.vector_load %arg8[%parallel_loop3A_244, %parallel_loop3A_245] {strides = array<i32>} : memref<32x384xf32, #tpu.memory_space<vmem>>, vector<16xf32>,
        tpu.vector_store %arg8[%parallel_loop3A_244, %parallel_loop3A_245], %parallel_loop3A_243 {strides = array<i32>} : memref<32x384xf32, #tpu.memory_space<vmem>>, vector<16xf32>,
        %parallel_loop3A_247 = tpu.vector_load_idx %arg5[%parallel_loop3A_234, %add3A_51] : memref<520x128xf32, #tpu.memory_space<vmem>>[vector<16xi32>, vector<16xi32>], vector<16xf32>,
        %parallel_loop3A_248 = arith.index_cast %parallel_loop3A_163 : i32 to index
        %parallel_loop3A_249 = arith.constant 240 : index
        %parallel_loop3A_250 = tpu.vector_load %arg8[%parallel_loop3A_248, %parallel_loop3A_249] {strides = array<i32>} : memref<32x384xf32, #tpu.memory_space<vmem>>, vector<16xf32>,
        tpu.vector_store %arg8[%parallel_loop3A_248, %parallel_loop3A_249], %parallel_loop3A_247 {strides = array<i32>} : memref<32x384xf32, #tpu.memory_space<vmem>>, vector<16xf32>,
        %parallel_loop3A_251 = arith.constant 200 : i32
        %parallel_loop3A_252 = arith.addi %parallel_loop3A_251, %add3A_149 : i32
        %parallel_loop3A_253 = vector.broadcast %parallel_loop3A_252 : i32 to vector<16xi32>
        %parallel_loop3A_254 = arith.addi %broadcast_in_dim3A_3, %parallel_loop3A_253 : vector<16xi32>
        %parallel_loop3A_255 = tpu.vector_load_idx %arg6[%parallel_loop3A_254, %parallel_loop3A_166] : memref<300x128xi32, #tpu.memory_space<vmem>>[vector<16xi32>, vector<16xi32>], vector<16xi32>,
        %parallel_loop3A_256 = tpu.vector_load_idx %arg5[%parallel_loop3A_255, %add3A_54] : memref<520x128xf32, #tpu.memory_space<vmem>>[vector<16xi32>, vector<16xi32>], vector<16xf32>,
        %parallel_loop3A_257 = arith.index_cast %parallel_loop3A_163 : i32 to index
        %parallel_loop3A_258 = arith.constant 256 : index
        %parallel_loop3A_259 = tpu.vector_load %arg8[%parallel_loop3A_257, %parallel_loop3A_258] {strides = array<i32>} : memref<32x384xf32, #tpu.memory_space<vmem>>, vector<16xf32>,
        tpu.vector_store %arg8[%parallel_loop3A_257, %parallel_loop3A_258], %parallel_loop3A_256 {strides = array<i32>} : memref<32x384xf32, #tpu.memory_space<vmem>>, vector<16xf32>,
        %parallel_loop3A_260 = tpu.vector_load_idx %arg5[%parallel_loop3A_255, %add3A_57] : memref<520x128xf32, #tpu.memory_space<vmem>>[vector<16xi32>, vector<16xi32>], vector<16xf32>,
        %parallel_loop3A_261 = arith.index_cast %parallel_loop3A_163 : i32 to index
        %parallel_loop3A_262 = arith.constant 272 : index
        %parallel_loop3A_263 = tpu.vector_load %arg8[%parallel_loop3A_261, %parallel_loop3A_262] {strides = array<i32>} : memref<32x384xf32, #tpu.memory_space<vmem>>, vector<16xf32>,
        tpu.vector_store %arg8[%parallel_loop3A_261, %parallel_loop3A_262], %parallel_loop3A_260 {strides = array<i32>} : memref<32x384xf32, #tpu.memory_space<vmem>>, vector<16xf32>,
        %parallel_loop3A_264 = tpu.vector_load_idx %arg5[%parallel_loop3A_255, %add3A_60] : memref<520x128xf32, #tpu.memory_space<vmem>>[vector<16xi32>, vector<16xi32>], vector<16xf32>,
        %parallel_loop3A_265 = arith.index_cast %parallel_loop3A_163 : i32 to index
        %parallel_loop3A_266 = arith.constant 288 : index
        %parallel_loop3A_267 = tpu.vector_load %arg8[%parallel_loop3A_265, %parallel_loop3A_266] {strides = array<i32>} : memref<32x384xf32, #tpu.memory_space<vmem>>, vector<16xf32>,
        tpu.vector_store %arg8[%parallel_loop3A_265, %parallel_loop3A_266], %parallel_loop3A_264 {strides = array<i32>} : memref<32x384xf32, #tpu.memory_space<vmem>>, vector<16xf32>,
        %parallel_loop3A_268 = tpu.vector_load_idx %arg5[%parallel_loop3A_255, %add3A_63] : memref<520x128xf32, #tpu.memory_space<vmem>>[vector<16xi32>, vector<16xi32>], vector<16xf32>,
        %parallel_loop3A_269 = arith.index_cast %parallel_loop3A_163 : i32 to index
        %parallel_loop3A_270 = arith.constant 304 : index
        %parallel_loop3A_271 = tpu.vector_load %arg8[%parallel_loop3A_269, %parallel_loop3A_270] {strides = array<i32>} : memref<32x384xf32, #tpu.memory_space<vmem>>, vector<16xf32>,
        tpu.vector_store %arg8[%parallel_loop3A_269, %parallel_loop3A_270], %parallel_loop3A_268 {strides = array<i32>} : memref<32x384xf32, #tpu.memory_space<vmem>>, vector<16xf32>,
        %parallel_loop3A_272 = arith.constant 250 : i32
        %parallel_loop3A_273 = arith.addi %parallel_loop3A_272, %add3A_149 : i32
        %parallel_loop3A_274 = vector.broadcast %parallel_loop3A_273 : i32 to vector<16xi32>
        %parallel_loop3A_275 = arith.addi %broadcast_in_dim3A_3, %parallel_loop3A_274 : vector<16xi32>
        %parallel_loop3A_276 = tpu.vector_load_idx %arg6[%parallel_loop3A_275, %parallel_loop3A_166] : memref<300x128xi32, #tpu.memory_space<vmem>>[vector<16xi32>, vector<16xi32>], vector<16xi32>,
        %parallel_loop3A_277 = tpu.vector_load_idx %arg5[%parallel_loop3A_276, %add3A_66] : memref<520x128xf32, #tpu.memory_space<vmem>>[vector<16xi32>, vector<16xi32>], vector<16xf32>,
        %parallel_loop3A_278 = arith.index_cast %parallel_loop3A_163 : i32 to index
        %parallel_loop3A_279 = arith.constant 320 : index
        %parallel_loop3A_280 = tpu.vector_load %arg8[%parallel_loop3A_278, %parallel_loop3A_279] {strides = array<i32>} : memref<32x384xf32, #tpu.memory_space<vmem>>, vector<16xf32>,
        tpu.vector_store %arg8[%parallel_loop3A_278, %parallel_loop3A_279], %parallel_loop3A_277 {strides = array<i32>} : memref<32x384xf32, #tpu.memory_space<vmem>>, vector<16xf32>,
        %parallel_loop3A_281 = tpu.vector_load_idx %arg5[%parallel_loop3A_276, %add3A_69] : memref<520x128xf32, #tpu.memory_space<vmem>>[vector<16xi32>, vector<16xi32>], vector<16xf32>,
        %parallel_loop3A_282 = arith.index_cast %parallel_loop3A_163 : i32 to index
        %parallel_loop3A_283 = arith.constant 336 : index
        %parallel_loop3A_284 = tpu.vector_load %arg8[%parallel_loop3A_282, %parallel_loop3A_283] {strides = array<i32>} : memref<32x384xf32, #tpu.memory_space<vmem>>, vector<16xf32>,
        tpu.vector_store %arg8[%parallel_loop3A_282, %parallel_loop3A_283], %parallel_loop3A_281 {strides = array<i32>} : memref<32x384xf32, #tpu.memory_space<vmem>>, vector<16xf32>,
        %parallel_loop3A_285 = tpu.vector_load_idx %arg5[%parallel_loop3A_276, %add3A_72] : memref<520x128xf32, #tpu.memory_space<vmem>>[vector<16xi32>, vector<16xi32>], vector<16xf32>,
        %parallel_loop3A_286 = arith.index_cast %parallel_loop3A_163 : i32 to index
        %parallel_loop3A_287 = arith.constant 352 : index
        %parallel_loop3A_288 = tpu.vector_load %arg8[%parallel_loop3A_286, %parallel_loop3A_287] {strides = array<i32>} : memref<32x384xf32, #tpu.memory_space<vmem>>, vector<16xf32>,
        tpu.vector_store %arg8[%parallel_loop3A_286, %parallel_loop3A_287], %parallel_loop3A_285 {strides = array<i32>} : memref<32x384xf32, #tpu.memory_space<vmem>>, vector<16xf32>,
        %parallel_loop3A_289 = tpu.vector_load_idx %arg5[%parallel_loop3A_276, %add3A_75] : memref<520x128xf32, #tpu.memory_space<vmem>>[vector<16xi32>, vector<16xi32>], vector<16xf32>,
        %parallel_loop3A_290 = arith.index_cast %parallel_loop3A_163 : i32 to index
        %parallel_loop3A_291 = arith.constant 368 : index
        %parallel_loop3A_292 = tpu.vector_load %arg8[%parallel_loop3A_290, %parallel_loop3A_291] {strides = array<i32>} : memref<32x384xf32, #tpu.memory_space<vmem>>, vector<16xf32>,
        tpu.vector_store %arg8[%parallel_loop3A_290, %parallel_loop3A_291], %parallel_loop3A_289 {strides = array<i32>} : memref<32x384xf32, #tpu.memory_space<vmem>>, vector<16xf32>,
      } {sc.loop_unroll_factor = 4 : i64, sc.parallel_access}
      %mul3A_153 = arith.constant 2 : i32
      %mul3A_154 = arith.muli %mul3A_153, %select_n3A_124 : i32
      %add3A_155 = arith.constant 1 : i32
      %add3A_156 = arith.addi %mul3A_154, %add3A_155 : i32
      %dma_start3A_157 = arith.constant 0 : i32
      %dma_start3A_158 = tpu.memref_slice %arg4[%add3A_156, %add3A_127, %dma_start3A_157] : memref<50x4096x384xf32, #tpu.memory_space<hbm>> -> memref<1x32x384xf32, #tpu.memory_space<hbm>>
      %dma_start3A_159 = tpu.memref_squeeze %dma_start3A_158 : memref<1x32x384xf32, #tpu.memory_space<hbm>> -> memref<32x384xf32, #tpu.memory_space<hbm>>
      %dma_start3A_160 = arith.constant 0 : i32
      %dma_start3A_161 = tpu.memref_slice %arg4[%add3A_156, %add3A_127, %dma_start3A_160] : memref<50x4096x384xf32, #tpu.memory_space<hbm>> -> memref<1x32x384xf32, #tpu.memory_space<hbm>>
      %dma_start3A_162 = tpu.memref_squeeze %dma_start3A_161 : memref<1x32x384xf32, #tpu.memory_space<hbm>> -> memref<32x384xf32, #tpu.memory_space<hbm>>
      tpu.enqueue_dma source(%arg8 : memref<32x384xf32, #tpu.memory_space<vmem>>) target(%dma_start3A_162 : memref<32x384xf32, #tpu.memory_space<hbm>>) target_semaphore(%arg10 : memref<!tpu.dma_semaphore, #tpu.memory_space<semaphore_mem>>)
    }
    %scan3A_80 = arith.constant 100 : i32
    %dma_wait3A = arith.constant 0 : i32
    %dma_wait3A_81 = arith.constant 0 : i32
    %dma_wait3A_82 = tpu.memref_slice %arg4[%dma_wait3A, %mul3A_2, %dma_wait3A_81] : memref<50x4096x384xf32, #tpu.memory_space<hbm>> -> memref<1x32x384xf32, #tpu.memory_space<hbm>>
    %dma_wait3A_83 = tpu.memref_squeeze %dma_wait3A_82 : memref<1x32x384xf32, #tpu.memory_space<hbm>> -> memref<32x384xf32, #tpu.memory_space<hbm>>
    %dma_wait3A_84 = arith.constant 0 : i32
    %dma_wait3A_85 = tpu.memref_slice %arg4[%dma_wait3A, %mul3A_2, %dma_wait3A_84] : memref<50x4096x384xf32, #tpu.memory_space<hbm>> -> memref<1x32x384xf32, #tpu.memory_space<hbm>>
    %dma_wait3A_86 = tpu.memref_squeeze %dma_wait3A_85 : memref<1x32x384xf32, #tpu.memory_space<hbm>> -> memref<32x384xf32, #tpu.memory_space<hbm>>
    tpu.wait_dma2 semaphore(%arg9 : memref<!tpu.dma_semaphore, #tpu.memory_space<semaphore_mem>>) src(%arg7 : memref<32x384xf32, #tpu.memory_space<vmem>>) dst(%dma_wait3A_86 : memref<32x384xf32, #tpu.memory_space<hbm>>)
    %dma_wait3A_87 = arith.constant 0 : i32
    %dma_wait3A_88 = arith.constant 0 : i32
    %dma_wait3A_89 = tpu.memref_slice %arg4[%dma_wait3A_87, %mul3A_2, %dma_wait3A_88] : memref<50x4096x384xf32, #tpu.memory_space<hbm>> -> memref<1x32x384xf32, #tpu.memory_space<hbm>>
    %dma_wait3A_90 = tpu.memref_squeeze %dma_wait3A_89 : memref<1x32x384xf32, #tpu.memory_space<hbm>> -> memref<32x384xf32, #tpu.memory_space<hbm>>
    %dma_wait3A_91 = arith.constant 0 : i32
    %dma_wait3A_92 = tpu.memref_slice %arg4[%dma_wait3A_87, %mul3A_2, %dma_wait3A_91] : memref<50x4096x384xf32, #tpu.memory_space<hbm>> -> memref<1x32x384xf32, #tpu.memory_space<hbm>>
    %dma_wait3A_93 = tpu.memref_squeeze %dma_wait3A_92 : memref<1x32x384xf32, #tpu.memory_space<hbm>> -> memref<32x384xf32, #tpu.memory_space<hbm>>
    tpu.wait_dma2 semaphore(%arg10 : memref<!tpu.dma_semaphore, #tpu.memory_space<semaphore_mem>>) src(%arg8 : memref<32x384xf32, #tpu.memory_space<vmem>>) dst(%dma_wait3A_93 : memref<32x384xf32, #tpu.memory_space<hbm>>)
    return
  }
}

module attributes {stable_mosaic.version = 14 : i64} {
  func.func @body(%arg0: memref<520x64xf32, #tpu.memory_space<vmem>>, %arg1: memref<520x128xf32, #tpu.memory_space<vmem>>) attributes {dimension_semantics = [], scalar_prefetch = 0 : i64, scratch_operands = 0 : i64, tpu.core_type = #tpu.core_type<tc>} {
    %iota3A = tpu.iota {dimensions = array<i32: 0>} : vector<520x64xi32>
    %convert_element_type3A = arith.sitofp %iota3A : vector<520x64xi32> to vector<520x64xf32>
    %iota3A_0 = tpu.iota {dimensions = array<i32: 1>} : vector<520x64xi32>
    %jit3A = arith.constant 32 : i32
    %eq3A = arith.constant 0 : i32
    %eq3A_1 = arith.cmpi eq, %jit3A, %eq3A : i32
    %jit3A_2 = arith.constant 1 : i32
    %select_n3A = arith.select %eq3A_1, %jit3A_2, %jit3A : i32
    %rem3A = vector.broadcast %select_n3A : i32 to vector<520x64xi32>
    %rem3A_3 = arith.remsi %iota3A_0, %rem3A : vector<520x64xi32>
    %ne3A = arith.constant 0 : i32
    %ne3A_4 = vector.broadcast %ne3A : i32 to vector<520x64xi32>
    %ne3A_5 = arith.cmpi ne, %rem3A_3, %ne3A_4 : vector<520x64xi32>
    %lt3A = arith.constant 0 : i32
    %lt3A_6 = vector.broadcast %lt3A : i32 to vector<520x64xi32>
    %lt3A_7 = arith.cmpi slt, %rem3A_3, %lt3A_6 : vector<520x64xi32>
    %lt3A_8 = arith.constant 0 : i32
    %lt3A_9 = arith.cmpi slt, %select_n3A, %lt3A_8 : i32
    %ne3A_10 = vector.broadcast %lt3A_9 : i1 to vector<520x64xi1>
    %ne3A_11 = vector.broadcast %ne3A_10 : vector<520x64xi1> to vector<520x64xi1>
    %ne3A_12 = arith.xori %lt3A_7, %ne3A_11 : vector<520x64xi1>
    %and3A = arith.andi %ne3A_12, %ne3A_5 : vector<520x64xi1>
    %add3A = vector.broadcast %select_n3A : i32 to vector<520x64xi32>
    %add3A_13 = arith.addi %rem3A_3, %add3A : vector<520x64xi32>
    %select_n3A_14 = arith.select %and3A, %add3A_13, %rem3A_3 : vector<520x64xi1>, vector<520x64xi32>
    %convert_element_type3A_15 = arith.sitofp %select_n3A_14 : vector<520x64xi32> to vector<520x64xf32>
    %log3A = arith.constant 1.000000e+04 : f32
    %log3A_16 = math.log %log3A : f32
    %neg3A = arith.constant 0.000000e+00 : f32
    %neg3A_17 = arith.subf %neg3A, %log3A_16 : f32
    %mul3A = arith.constant 2.000000e+00 : f32
    %mul3A_18 = vector.broadcast %mul3A : f32 to vector<520x64xf32>
    %mul3A_19 = arith.mulf %mul3A_18, %convert_element_type3A_15 : vector<520x64xf32>
    %mul3A_20 = vector.broadcast %neg3A_17 : f32 to vector<520x64xf32>
    %mul3A_21 = arith.mulf %mul3A_20, %mul3A_19 : vector<520x64xf32>
    %div3A = arith.constant 6.400000e+01 : f32
    %div3A_22 = vector.broadcast %div3A : f32 to vector<520x64xf32>
    %div3A_23 = arith.divf %mul3A_21, %div3A_22 : vector<520x64xf32>
    %exp3A = math.exp %div3A_23 : vector<520x64xf32>
    %mul3A_24 = arith.mulf %convert_element_type3A, %exp3A : vector<520x64xf32>
    %lt3A_25 = arith.constant 32 : i32
    %lt3A_26 = vector.broadcast %lt3A_25 : i32 to vector<520x64xi32>
    %lt3A_27 = arith.cmpi slt, %iota3A_0, %lt3A_26 : vector<520x64xi32>
    %sin3A = math.sin %mul3A_24 : vector<520x64xf32>
    %cos3A = math.cos %mul3A_24 : vector<520x64xf32>
    %select_n3A_28 = arith.select %lt3A_27, %sin3A, %cos3A : vector<520x64xi1>, vector<520x64xf32>
    %get3A = arith.constant 0 : index
    %get3A_29 = arith.constant 0 : index
    %get3A_30 = vector.load %arg0[%get3A, %get3A_29] : memref<520x64xf32, #tpu.memory_space<vmem>>, vector<520x64xf32>
    %concatenate3A = tpu.concatenate %get3A_30, %select_n3A_28 in 1 : vector<520x64xf32>, vector<520x64xf32> -> vector<520x128xf32>
    %swap3A = arith.constant 0 : index
    %swap3A_31 = arith.constant 0 : index
    %swap3A_32 = vector.load %arg1[%swap3A, %swap3A_31] : memref<520x128xf32, #tpu.memory_space<vmem>>, vector<520x128xf32>
    tpu.vector_store %arg1[%swap3A, %swap3A_31], %concatenate3A {strides = array<i32>} : memref<520x128xf32, #tpu.memory_space<vmem>>, vector<520x128xf32>,
    return
  }
}

</mosaic_0001>

<sc_bundles>
// kernel: kernel.4.cloned.1.call-start
scs
__scs_entry_jumppad:
0x0: {  	(pc) =	sbr.rel $0x88, $3  }
0x1: {  	(tag) =	ssettag $0x0;
	lr =	simm.s32 $0x1  }
0x2: {  	[smem:$0x3F9F] =	sst lr;
	_ =	strace $0xD0000000  }
0x3: {  	_ = 	snop  }
0x4: {  	_ = 	snop  }
0x5: {  	_ = 	snop  }
0x6: {  	_ = 	snop  }
0x7: {  	_ = 	snop  }
__scs_overlays_trampoline_lowered:
0x8: {  	[smem:$0x3FAE] =	sst s0  }
0x9: {  	[smem:$0x3FAF] =	sst s1  }
0xa: {  	[smem:$0x3FB0] =	sst s2  }
0xb: {  	[smem:$0x3FB1] =	sst s3  }
0xc: {  	[smem:$0x3FB2] =	sst s4  }
0xd: {  	[smem:$0x3FB3] =	sst s5  }
0xe: {  	[smem:$0x3FB4] =	sst s6  }
0xf: {  	[smem:$0x3FB5] =	sst s7  }
0x10: {  	[smem:$0x3FB6] =	sst s8  }
0x11: {  	[smem:$0x3FB7] =	sst s9;
	s0 =	simm.s32 @!p0 $0x0  }
0x12: {  	s1 =	sld [smem:$0x3F9D];
	s0 =	simm.s32 @p0 $0x1  }
0x13: {  	[smem:$0x3FB8] =	sst s0;
	s0 =	simm.s32 @!p1 $0x0  }
0x14: {  	s2 =	sld [smem:$0x3F9C];
	s0 =	simm.s32 @p1 $0x1  }
0x15: {  	[smem:$0x3FB9] =	sst s0;
	s0 =	simm.s32 @!p2 $0x0  }
0x16: {  	s3 =	sld [smem:$0x3FDB];
	s0 =	simm.s32 @p2 $0x1  }
0x17: {  	s4 =	simm.s32 $0x1BF5;
	[smem:$0x3FBB] =	sst s0  }
0x18: {  	s0 =	sld [smem:$0x3F9E];
	_ =	swait.ge [sflag:s4], $0x0  }
0x19: {  	s7 =	sld [smem:$0x3F9F]  }
0x1a: {  	s8 =	sadd.s32 $0xFFFFE003, lr  }
0x1b: {  	s9 =	sadd.s32 $0xFFFFFEF7, lr;
	s5 =	simm.s32 $0xFFFFFFFF;
	p2 =	slt.u32 s8, $0xFFFFF086  }
0x1c: {  	p1 =	slt.u32 s9, $0xF7A;
	s5 =	simm.s32 @!p2 $0x0  }
0x1d: {  	s5 =	simm.s32 @p1 $0x1;
	p0 =	seq.s32 s7, s2  }
0x1e: {  	s7 =	smul.u32 @!p0 $0xF7A, s2;
	p2 =	seq.s32 @!p0 s5, $0x0  }
0x1f: {  	s9 =	smul.u32 $0xF7A, s1;
	s8 =	simm.s32 @!p0 $0x1BF5;
	p2 =	por !p2, p0  }
0x20: {  	[sflag:s8] =	ssyncset.s32 @!p0 $0xFFFFF086;
	s6 =	sadd.s32 @!p0 s3, s7;
	s7 =	simm.s32 @!p0 $0x108  }
0x21: {  	s3 =	sadd.s32 s3, s9;
	s6 =	sadd.s32 @!p0 $0x88, s6;
	s7 =	simm.s32 @p2 $0x1082  }
0x22: {  	[simem:s7], [sflag:s8] =	dma.local @!p0 [hbm:s6], $0xF7A  }
0x23: {  	s9 =	sor.u32 $0xD0000000, s2;
	s6 =	simm.s32 $0x108;
	_ =	swait.ge @!p0 [sflag:s8], $0x0  }
0x24: {  	s3 =	sadd.s32 $0x88, s3;
	s6 =	simm.s32 @!p1 $0x1082;
	[sflag:s4] =	ssyncset.s32 $0xFFFFF086  }
0x25: {  	[simem:s6], [sflag:s4] =	dma.local [hbm:s3], $0xF7A  }
0x26: {  	[smem:$0x3F9F] =	sst s1;
	(tag) =	ssettag s2;
	_ =	strace s9  }
0x27: {  	s1 =	sld [smem:$0x3FAF]  }
0x28: {  	s2 =	sld [smem:$0x3FB0]  }
0x29: {  	s4 =	sld [smem:$0x3FB2]  }
0x2a: {  	p0 =	seq.s32 s5, $0x0;
	s5 =	sld [smem:$0x3FB3]  }
0x2b: {  	s6 =	sld [smem:$0x3FB4]  }
0x2c: {  	s7 =	sld [smem:$0x3FB5]  }
0x2d: {  	s3 =	simm.s32 $0x108;
	s8 =	sld [smem:$0x3FB6]  }
0x2e: {  	s3 =	simm.s32 @!p0 $0x1082;
	s9 =	sld [smem:$0x3FB7]  }
0x2f: {  	lr =	sadd.s32 s0, s3;
	s0 =	sld [smem:$0x3FAE]  }
0x30: {  	s3 =	sld [smem:$0x3FB1]  }
0x31: {  	[smem:$0x3FBA] =	sst s10  }
0x32: {  	s10 =	sld [smem:$0x3FB8];
	_ =	sdelay $0x3  }
0x33: {  	p0 =	seq.s32 s10, $0x1;
	s10 =	sld [smem:$0x3FBA];
	_ =	sdelay $0x3  }
0x34: {  	[smem:$0x3FBA] =	sst s10  }
0x35: {  	s10 =	sld [smem:$0x3FB9];
	_ =	sdelay $0x3  }
0x36: {  	p1 =	seq.s32 s10, $0x1;
	s10 =	sld [smem:$0x3FBA];
	_ =	sdelay $0x3  }
0x37: {  	[smem:$0x3FBA] =	sst s10  }
0x38: {  	s10 =	sld [smem:$0x3FBB]  }
0x39: {  	_ = 	snop;
	(pc) =	sbr.ind lr, $3  }
0x3a: {  	_ = 	snop  }
0x3b: {  	_ = 	snop  }
0x3c: {  	p2 =	seq.s32 s10, $0x1;
	s10 =	sld [smem:$0x3FBA]  }
0x3d: {  	_ =	shalt  }
0x3e: {  	_ =	shalt  }
0x3f: {  	_ =	shalt  }
0x40: {  	_ =	shalt  }
0x41: {  	_ =	shalt  }
0x42: {  	_ =	shalt  }
0x43: {  	_ =	shalt  }
0x44: {  	_ =	shalt  }
0x45: {  	_ =	shalt  }
0x46: {  	_ =	shalt  }
0x47: {  	_ =	shalt  }
0x48: {  	_ =	shalt  }
0x49: {  	_ =	shalt  }
0x4a: {  	_ =	shalt  }
0x4b: {  	_ =	shalt  }
0x4c: {  	_ =	shalt  }
0x4d: {  	_ =	shalt  }
0x4e: {  	_ =	shalt  }
0x4f: {  	_ =	shalt  }
0x50: {  	_ =	shalt  }
0x51: {  	_ =	shalt  }
0x52: {  	_ =	shalt  }
0x53: {  	_ =	shalt  }
0x54: {  	_ =	shalt  }
0x55: {  	_ =	shalt  }
0x56: {  	_ =	shalt  }
0x57: {  	_ =	shalt  }
0x58: {  	_ =	shalt  }
0x59: {  	_ =	shalt  }
0x5a: {  	_ =	shalt  }
0x5b: {  	_ =	shalt  }
0x5c: {  	_ =	shalt  }
0x5d: {  	_ =	shalt  }
0x5e: {  	_ =	shalt  }
0x5f: {  	_ =	shalt  }
0x60: {  	_ =	shalt  }
0x61: {  	_ =	shalt  }
0x62: {  	_ =	shalt  }
0x63: {  	_ =	shalt  }
0x64: {  	_ =	shalt  }
0x65: {  	_ =	shalt  }
0x66: {  	_ =	shalt  }
0x67: {  	_ =	shalt  }
0x68: {  	_ =	shalt  }
0x69: {  	_ =	shalt  }
0x6a: {  	_ =	shalt  }
0x6b: {  	_ =	shalt  }
0x6c: {  	_ =	shalt  }
0x6d: {  	_ =	shalt  }
0x6e: {  	_ =	shalt  }
0x6f: {  	_ =	shalt  }
0x70: {  	_ =	shalt  }
0x71: {  	_ =	shalt  }
0x72: {  	_ =	shalt  }
0x73: {  	_ =	shalt  }
0x74: {  	_ =	shalt  }
0x75: {  	_ =	shalt  }
0x76: {  	_ =	shalt  }
0x77: {  	_ =	shalt  }
0x78: {  	_ =	shalt  }
0x79: {  	_ =	shalt  }
0x7a: {  	_ =	shalt  }
0x7b: {  	_ =	shalt  }
0x7c: {  	_ =	shalt  }
0x7d: {  	_ =	shalt  }
0x7e: {  	_ =	shalt  }
0x7f: {  	_ =	shalt  }
0x80: {  	_ =	shalt  }
0x81: {  	_ =	shalt  }
0x82: {  	_ =	shalt  }
0x83: {  	_ =	shalt  }
0x84: {  	_ =	shalt  }
0x85: {  	_ =	shalt  }
0x86: {  	_ =	shalt  }
0x87: {  	_ =	shalt  }
.Lfunc_end0:
.L_simem_size_0:
called_computation_lowered:
.L_overlay_start_0:
0x88: {  	s2 =	sld [smem:$0x3FD9]  }
0x89: {  	s3 =	sld [smem:$0x3FFE];
	_ =	sdelay $0x1  }
0x8a: {  	s1 =	srdreg.scid  }
0x8b: {  	s0 =	sand.u32 $0x1, s1  }
0x8c: {  	s17 =	sshll.u32 s0, $0xA;
	s2 =	sadd.s32 s3, s2  }
0x8d: {  	s2 =	sadd.s32 s2, s17  }
0x8e: {  	[smem:$0x3FC6] =	sst s2  }
0x8f: {  	_ = 	snop  }
0x90: {  	s2 =	sld [smem:$0x3FD0];
	(tm) =	ssettm $0x1  }
0x91: {  	s18 =	sld [smem:$0x3FFB];
	_ =	sdelay $0x3  }
0x92: {  	_ =	strace s18  }
0x93: {  	s3 =	sld [smem:$0x3FFC];
	_ =	sdelay $0x3  }
0x94: {  	_ =	strace s3  }
0x95: {  	s3 =	sld [smem:$0x3FFD];
	_ =	sdelay $0x3  }
0x96: {  	_ =	strace s3  }
0x97: {  	_ =	strace $0x8FFFFFFF  }
0x98: {  	s19 =	sld [smem:$0x3FDB];
	_ =	sdelay $0x1  }
0x99: {  	s4 =	simm.s32 $_scs_section_size  }
0x9a: {  	s5 =	simm.s32 $_size__tile_overlayer_lowered;
	s6 =	simm.s32 $_tile_overlayer_lowered  }
0x9b: {  	s22 =	simm.s32 $0x1BFF;
	s21 =	sshll.u32 s6, $0x1;
	s3 =	sadd.s32 s4, s19  }
0x9c: {  	s7 =	simm.s32 $0x0;
	s20 =	sshll.u32 s5, $0x1;
	s5 =	sadd.s32 s21, s3  }
0x9d: {  	[timem:s7], [sflag:s22] =	dma.local [hbm:s5], s20  }
0x9e: {  	_ =	swait.ge [sflag:s22], s20  }
0x9f: {  	s4 =	ssub.s32 $0x0, s20;
	[sflag:s22] =	ssyncset.done $0x0  }
0xa0: {  	[sflag:s22] =	ssyncadd.s32 s4;
	_ =	sdelay $0x1  }
0xa1: {  	s23 =	simm.s32 $0x1B8B  }
0xa2: {  	_ =	swait.ge [sflag:s23], $0x1  }
0xa3: {  	[sflag:s23] =	ssyncset.done $0x0  }
0xa4: {  	s25 =	simm.s32 $0x1B8E;
	s24 =	sld [smem:$0x3FFE];
	[sflag:s23] =	ssyncadd.s32 $0xFFFFFFFF  }
0xa5: {  	s26 =	simm.s32 $execute0_lowered;
	[smem:$0x3FD2] =	sst s25  }
0xa6: {  	s5 =	sshll.u32 s26, $0x1;
	_ =	strace $0x80000046;
	[dreg:$0x1] =	wrdreg $0xFFFFFFFF  }
0xa7: {  	s28 =	simm.s32 $_size_execute0_lowered;
	s3 =	sadd.s32 s3, s5;
	[dreg:$0x0] =	wrdreg $0x0  }
0xa8: {  	s5 =	sshll.u32 s28, $0x1;
	[dreg:$0x2] =	wrdreg s3  }
0xa9: {  	[dreg:$0x3] =	wrdreg s5  }
0xaa: {  	[dreg:$0x4] =	wrdreg $0xC0  }
0xab: {  	_ =	task [dreg:s7], $0x5FFFF  }
0xac: {  	[dreg:$0x1] =	wrdreg $0xFFFFFFFF  }
0xad: {  	[dreg:$0x0] =	wrdreg $0x60  }
0xae: {  	[dreg:$0x2] =	wrdreg s24  }
0xaf: {  	[dreg:$0x3] =	wrdreg s2  }
0xb0: {  	[dreg:$0x4] =	wrdreg $0x9  }
0xb1: {  	_ =	task.clear_ibuf [dreg:s7], $0x5FFFF;
	_ =	strace $0x90000046  }
0xb2: {  	s29 =	simm.s32 $0x9;
	_ =	strace $0x80000048  }
0xb3: {  	_ =	swait.ge [sflag:s29], $0x1  }
0xb4: {  	[sflag:s29] =	ssyncadd.s32 $0xFFFFFFFF  }
0xb5: {  	_ =	strace $0x90000048  }
0xb6: {  	_ =	sfence  }
0xb7: {  	s30 =	sld [smem:$0x0];
	_ =	sdelay $0x2  }
0xb8: {  	s31 =	sshll.u32 s1, $0xD;
	s1 =	sshrl.u32 s1, $0x2  }
0xb9: {  	s3 =	sand.u32 $0x4000, s31;
	s1 =	sadd.s32 s1, s30  }
0xba: {  	s0 =	sor.u32 s3, s0;
	s1 =	sshll.u32 s1, $0x11  }
0xbb: {  	s0 =	sor.u32 s1, s0  }
0xbc: {  	s0 =	sadd.s32 $0x8F2B, s0  }
0xbd: {  	[sflag:s0] =	ssyncadd.remote.s32 $0x1  }
0xbe: {  	_ =	sfence.sel $0xFFFF  }
0xbf: {  	[dreg:$0x0] =	wrdreg $0xFFFFFFFF;
	(pc) =	sbr.abs _section_cstart, $3  }
0xc0: {  	[dreg:$0x1] =	wrdreg $0xFFFFFFFF  }
0xc1: {  	_ =	task.clear_ibuf [dreg:s7], $0x2FFFF;
	_ =	strace $0x9FFFFFFF  }
0xc2: {  	(tm) =	ssettm $0x7FFFFFFF  }
0xc3: {  	_ =	shalt  }
tec
execute0_lowered:
.L_overlay_start_1:
0x0: {  	(tag) =	ssettag $0x1  }
0x1: {  	s1 =	srdreg.scid  }
0x2: {  	s0 =	rddreg [dreg:$0x0];
	s2 =	stileid.u32;
	s1 =	sand.u32 $0x1, s1  }
0x3: {  	s3 =	simm.s32 $0x0;
	s2 =	sshll.u32 s2, $0x8;
	s4 =	sshll.u32 s1, $0x7  }
0x4: {  	[smem:$0x7FF] =	sst s3;
	s1 =	ssub.s32 $0x2, s1;
	s2 =	sor.u32 s4, s2  }
0x5: {  	_ =	strace $0x80000047;
	s28 =	sshrl.u32 s1, $0x1;
	[dreg:$0x3] =	wrdreg s2  }
0x6: {  	s2 =	sadd.s32 s2, s0;
	s0 =	sadd.s32 $0x600, s0;
	s29 =	ssub.s32 s1, s28  }
0x7: {  	v0 =	vlaneseq.u32;
	[dreg:$0x4] =	wrdreg s0;
	s0 =	smax.u32 s29, $0x1  }
0x8: {  	v1 =	vor.u32 $0x10, v0;
	s30 =	sadd.s32 $0x2800, s2;
	[dreg:$0x6] =	wrdreg s0  }
0x9: {  	v63 =	vor.u32 $0x20, v0;
	v2 =	vor.u32 $0x30, v0;
	v4 =	vor.u32 $0x40, v0;
	[tilespmem:$0x1FFE0] =	vst v1;
	[dreg:$0x5] =	wrdreg s30;
	s31 =	sadd.s32 $0x25000, s30  }
0xa: {  	s11 =	simm.s32 $0x10400;
	v5 =	vor.u32 $0x50, v0;
	v6 =	vor.u32 $0x60, v0;
	v7 =	vor.u32 $0x70, v0;
	[tilespmem:$0x1FFF0] =	vst v2;
	s2 =	simm.s32 $0x0;
	[dreg:$0x7] =	wrdreg s31  }
.LBB2_1:
0xb: {  	[dreg:$0x8] =	wrdreg s2  }
0xc: {  	s0 =	rddreg [dreg:$0x4];
	s1 =	simm.s32 $0x3  }
0xd: {  	[tilespmem:s3], [sflag:$0x3] =	stream.linear.gather [hbm4b:s0+s3], $0x10400, $0x38;
	[tilespmem:$0x1FC00] =	vst v63  }
0xe: {  	_ =	swait.ge [sflag:s1], $0x10400  }
0xf: {  	s29 =	simm.s32 $0x400;
	[sflag:s1] =	ssyncset.done $0x0  }
0x10: {  	s4 =	simm.s32 $0x8000;
	s28 =	rddreg [dreg:$0x5];
	[sflag:s1] =	ssyncadd.s32 $0xFFFEFC00  }
0x11: {  	[tilespmem:s11], [sflag:$0x3] =	stream.strided.gather [hbm4b:s28+s29], $0x9400, s4, s29, $0x38;
	[tilespmem:$0x1FC00] =	vst v63  }
0x12: {  	s31 =	simm.s32 $0x19800;
	s30 =	rddreg [dreg:$0x7]  }
0x13: {  	[tilespmem:s31], [sflag:$0x3] =	stream.linear.gather [hbm4b:s30+s3], $0x200, $0x38;
	[tilespmem:$0x1FC00] =	vst v63  }
0x14: {  	_ =	swait.ge [sflag:s1], $0x9600  }
0x15: {  	[sflag:s1] =	ssyncset.done $0x0  }
0x16: {  	s4 =	simm.s32 $0x0;
	[sflag:s1] =	ssyncadd.s32 $0xFFFF6A00  }
.LBB2_2:
0x17: {  	s0 =	smulhi.u32 $0x51EB851F, s4  }
0x18: {  	s9 =	smul.u32 $0x29, s4;
	_ =	sdelay $0x1  }
0x19: {  	s0 =	sshll.u32 s0, $0x2;
	s1 =	sshrl.u32 s9, $0xA  }
0x1a: {  	s20 =	sand.u32 $0xFFFFFFE0, s0;
	s13 =	sand.u32 $0x3F, s1  }
0x1b: {  	s0 =	smul.u32 $0x19, s13;
	s14 =	sadd.s32 $0xFFFFFFFC, s20  }
0x1c: {  	s2 =	sadd.s32 $0x4, s14  }
0x1d: {  	s0 =	ssub.s32 s4, s0;
	v8 =	vmov s2  }
0x1e: {  	s15 =	sadd.s32 $0x6, s14;
	s30 =	sand.u32 $0xFF, s0;
	v8 =	vand.u32 $0xFC, v8  }
0x1f: {  	v9 =	vmov s15;
	s0 =	sshll.u32 s30, $0x8;
	v18 =	vbroadcast v8, $0x0  }
0x20: {  	s16 =	sadd.s32 $0x5, s14;
	v9 =	vand.u32 $0xFE, v9;
	v8 =	vmov s0  }
0x21: {  	p0 =	seq.s32 s4, $0x0;
	s1 =	sadd.s32 $0x7, s14;
	v10 =	vmov s16;
	v23 =	vbroadcast v9, $0x0;
	v9 =	vor.u32 v8, v18  }
0x22: {  	[dreg:$0x9] =	wrdreg s4;
	s2 =	simm.s32 @!p0 $0x1;
	v11 =	vmov s1;
	v10 =	vand.u32 $0xFD, v10  }
0x23: {  	_ =	swait.ge @!p0 [sflag:s2], $0x3000;
	v11 =	vand.u32 $0xFF, v11;
	v22 =	vbroadcast v10, $0x0;
	v10 =	vor.u32 v8, v23  }
0x24: {  	[sflag:s2] =	ssyncset.done @!p0 $0x0;
	v24 =	vbroadcast v11, $0x0  }
0x25: {  	[sflag:s2] =	ssyncadd.s32 @!p0 $0xFFFFD000;
	v11 =	vor.u32 v8, v22  }
0x26: {  	v12 =	vor.u32 v8, v24;
	v9 =	vld.idx.msk [tilespmem:v9+s11+$0x0], $0xffff;
	_ =	sdelay $0x1  }
0x27: {  	v10 =	vld.idx.msk [tilespmem:v10+s11+$0x0], $0xffff;
	_ =	sdelay $0x1  }
0x28: {  	v11 =	vld.idx.msk [tilespmem:v11+s11+$0x0], $0xffff  }
0x29: {  	v12 =	vld.idx.msk [tilespmem:v12+s11+$0x0], $0xffff;
	v9 =	vshll.u32 v9, $0x7  }
0x2a: {  	v13 =	vor.u32 v0, v9  }
0x2b: {  	v10 =	vshll.u32 v10, $0x7  }
0x2c: {  	v14 =	vor.u32 v0, v10  }
0x2d: {  	v11 =	vshll.u32 v11, $0x7  }
0x2e: {  	s17 =	simm.s32 $0x0;
	v16 =	vshll.u32 v12, $0x7;
	v15 =	vor.u32 v0, v11  }
0x2f: {  	s1 =	smul.u32 $0x3000, s17;
	v12 =	vor.u32 v0, v16;
	v13 =	vld.idx.msk [tilespmem:v13+s3+$0x0], $0xffff  }
0x30: {  	v17 =	vor.u32 v1, v9  }
0x31: {  	s18 =	simm.s32 $0x0;
	s17 =	sshra.s32 s1, $0x2;
	v14 =	vld.idx.msk [tilespmem:v14+s3+$0x0], $0xffff  }
0x32: {  	s16 =	sand.u32 $0x200, s18;
	s7 =	sadd.s32 $0x19C00, s17;
	v19 =	vor.u32 v1, v10  }
0x33: {  	s19 =	simm.s32 $0x100;
	s2 =	sor.u32 s16, s7;
	v15 =	vld.idx.msk [tilespmem:v15+s3+$0x0], $0xffff  }
0x34: {  	s13 =	sand.u32 $0x300, s19;
	v20 =	vor.u32 v1, v11;
	v12 =	vld.idx.msk [tilespmem:v12+s3+$0x0], $0xffff;
	[tilespmem:s2+$0x0] =	vst v13  }
0x35: {  	s21 =	simm.s32 $0x80;
	s22 =	sor.u32 s13, s7;
	v13 =	vor.u32 v1, v16;
	v17 =	vld.idx.msk [tilespmem:v17+s3+$0x0], $0xffff  }
0x36: {  	s8 =	simm.s32 $0x180;
	s6 =	sand.u32 $0x280, s21;
	[tilespmem:s22+$0x0] =	vst v14;
	v14 =	vor.u32 v63, v9  }
0x37: {  	s1 =	sand.u32 $0x380, s8;
	s5 =	sor.u32 s6, s7;
	v19 =	vld.idx.msk [tilespmem:v19+s3+$0x0], $0xffff  }
0x38: {  	s7 =	sor.u32 s1, s7;
	[tilespmem:s5+$0x0] =	vst v15;
	v15 =	vor.u32 v63, v10  }
0x39: {  	[tilespmem:s7+$0x0] =	vst v12;
	v20 =	vld.idx.msk [tilespmem:v20+s3+$0x0], $0xffff  }
0x3a: {  	v12 =	vor.u32 v63, v11;
	v13 =	vld.idx.msk [tilespmem:v13+s3+$0x0], $0xffff;
	[tilespmem:s2+$0x10] =	vst v17  }
0x3b: {  	v17 =	vor.u32 v63, v16;
	v14 =	vld.idx.msk [tilespmem:v14+s3+$0x0], $0xffff  }
0x3c: {  	v9 =	vor.u32 v2, v9;
	[tilespmem:s22+$0x10] =	vst v19  }
0x3d: {  	v15 =	vld.idx.msk [tilespmem:v15+s3+$0x0], $0xffff  }
0x3e: {  	v10 =	vor.u32 v2, v10;
	[tilespmem:s5+$0x10] =	vst v20  }
0x3f: {  	v19 =	vld.idx.msk [tilespmem:v12+s3+$0x0], $0xffff;
	[tilespmem:s7+$0x10] =	vst v13  }
0x40: {  	s23 =	sadd.s32 $0x1900, s0;
	v11 =	vor.u32 v2, v11;
	v13 =	vld.idx.msk [tilespmem:v17+s3+$0x0], $0xffff;
	[tilespmem:s2+$0x20] =	vst v14  }
0x41: {  	v12 =	vmov s23;
	v14 =	vor.u32 v2, v16;
	v9 =	vld.idx.msk [tilespmem:v9+s3+$0x0], $0xffff  }
0x42: {  	[tilespmem:s22+$0x20] =	vst v15;
	v15 =	vor.u32 v12, v18  }
0x43: {  	v10 =	vld.idx.msk [tilespmem:v10+s3+$0x0], $0xffff  }
0x44: {  	[tilespmem:s5+$0x20] =	vst v19;
	v16 =	vor.u32 v12, v23  }
0x45: {  	v11 =	vld.idx.msk [tilespmem:v11+s3+$0x0], $0xffff;
	[tilespmem:s7+$0x20] =	vst v13  }
0x46: {  	v13 =	vor.u32 v12, v22;
	v14 =	vld.idx.msk [tilespmem:v14+s3+$0x0], $0xffff;
	[tilespmem:s2+$0x30] =	vst v9  }
0x47: {  	v9 =	vor.u32 v12, v24;
	v15 =	vld.idx.msk [tilespmem:v15+s11+$0x0], $0xffff  }
0x48: {  	[tilespmem:s22+$0x30] =	vst v10  }
0x49: {  	v10 =	vld.idx.msk [tilespmem:v16+s11+$0x0], $0xffff  }
0x4a: {  	[tilespmem:s5+$0x30] =	vst v11  }
0x4b: {  	v11 =	vld.idx.msk [tilespmem:v13+s11+$0x0], $0xffff;
	[tilespmem:s7+$0x30] =	vst v14  }
0x4c: {  	v9 =	vld.idx.msk [tilespmem:v9+s11+$0x0], $0xffff;
	v13 =	vshll.u32 v15, $0x7  }
0x4d: {  	v14 =	vor.u32 v4, v13  }
0x4e: {  	v10 =	vshll.u32 v10, $0x7  }
0x4f: {  	v15 =	vor.u32 v4, v10  }
0x50: {  	v11 =	vshll.u32 v11, $0x7  }
0x51: {  	v16 =	vor.u32 v4, v11;
	v9 =	vshll.u32 v9, $0x7  }
0x52: {  	v17 =	vor.u32 v4, v9;
	v14 =	vld.idx.msk [tilespmem:v14+s3+$0x0], $0xffff  }
0x53: {  	v19 =	vor.u32 v5, v13  }
0x54: {  	v15 =	vld.idx.msk [tilespmem:v15+s3+$0x0], $0xffff  }
0x55: {  	v20 =	vor.u32 v5, v10  }
0x56: {  	v16 =	vld.idx.msk [tilespmem:v16+s3+$0x0], $0xffff  }
0x57: {  	v21 =	vor.u32 v5, v11;
	v17 =	vld.idx.msk [tilespmem:v17+s3+$0x0], $0xffff;
	[tilespmem:s2+$0x40] =	vst v14  }
0x58: {  	v14 =	vor.u32 v5, v9;
	v19 =	vld.idx.msk [tilespmem:v19+s3+$0x0], $0xffff  }
0x59: {  	[tilespmem:s22+$0x40] =	vst v15;
	v15 =	vor.u32 v6, v13  }
0x5a: {  	v20 =	vld.idx.msk [tilespmem:v20+s3+$0x0], $0xffff  }
0x5b: {  	[tilespmem:s5+$0x40] =	vst v16;
	v16 =	vor.u32 v6, v10  }
0x5c: {  	v21 =	vld.idx.msk [tilespmem:v21+s3+$0x0], $0xffff;
	[tilespmem:s7+$0x40] =	vst v17  }
0x5d: {  	v17 =	vor.u32 v6, v11;
	v14 =	vld.idx.msk [tilespmem:v14+s3+$0x0], $0xffff;
	[tilespmem:s2+$0x50] =	vst v19  }
0x5e: {  	v19 =	vor.u32 v6, v9;
	v15 =	vld.idx.msk [tilespmem:v15+s3+$0x0], $0xffff  }
0x5f: {  	[tilespmem:s22+$0x50] =	vst v20;
	v20 =	vor.u32 v7, v13  }
0x60: {  	v16 =	vld.idx.msk [tilespmem:v16+s3+$0x0], $0xffff  }
0x61: {  	v10 =	vor.u32 v7, v10;
	[tilespmem:s5+$0x50] =	vst v21  }
0x62: {  	[tilespmem:s7+$0x50] =	vst v14;
	v14 =	vld.idx.msk [tilespmem:v17+s3+$0x0], $0xffff  }
0x63: {  	s24 =	sadd.s32 $0x3200, s0;
	v11 =	vor.u32 v7, v11;
	v17 =	vld.idx.msk [tilespmem:v19+s3+$0x0], $0xffff;
	[tilespmem:s2+$0x60] =	vst v15  }
0x64: {  	v13 =	vmov s24;
	v9 =	vor.u32 v7, v9;
	v15 =	vld.idx.msk [tilespmem:v20+s3+$0x0], $0xffff  }
0x65: {  	[tilespmem:s22+$0x60] =	vst v16;
	v16 =	vor.u32 v13, v18  }
0x66: {  	v10 =	vld.idx.msk [tilespmem:v10+s3+$0x0], $0xffff  }
0x67: {  	[tilespmem:s5+$0x60] =	vst v14;
	v14 =	vor.u32 v13, v23  }
0x68: {  	[tilespmem:s7+$0x60] =	vst v17;
	v11 =	vld.idx.msk [tilespmem:v11+s3+$0x0], $0xffff  }
0x69: {  	v17 =	vor.u32 v13, v22;
	v9 =	vld.idx.msk [tilespmem:v9+s3+$0x0], $0xffff;
	[tilespmem:s2+$0x70] =	vst v15  }
0x6a: {  	v15 =	vor.u32 v13, v24;
	v16 =	vld.idx.msk [tilespmem:v16+s11+$0x0], $0xffff  }
0x6b: {  	[tilespmem:s22+$0x70] =	vst v10  }
0x6c: {  	v10 =	vld.idx.msk [tilespmem:v14+s11+$0x0], $0xffff  }
0x6d: {  	[tilespmem:s5+$0x70] =	vst v11  }
0x6e: {  	[tilespmem:s7+$0x70] =	vst v9;
	v9 =	vld.idx.msk [tilespmem:v17+s11+$0x0], $0xffff  }
0x6f: {  	v11 =	vld.idx.msk [tilespmem:v15+s11+$0x0], $0xffff;
	v14 =	vshll.u32 v16, $0x7  }
0x70: {  	v15 =	vor.u32 v4, v14  }
0x71: {  	s25 =	sadd.s32 $0x0, s20;
	v16 =	vshll.u32 v10, $0x7  }
0x72: {  	s26 =	sadd.s32 $0x5, s25;
	v10 =	vor.u32 v4, v16  }
0x73: {  	v17 =	vshll.u32 v9, $0x7;
	v9 =	vmov s26  }
0x74: {  	s31 =	sadd.s32 $0x7, s25;
	v19 =	vshll.u32 v11, $0x7;
	v20 =	vor.u32 v4, v17;
	v9 =	vand.u32 $0xFD, v9  }
0x75: {  	v11 =	vmov s31;
	v21 =	vor.u32 v4, v19;
	v9 =	vbroadcast v9, $0x0;
	v15 =	vld.idx.msk [tilespmem:v15+s3+$0x0], $0xffff  }
0x76: {  	v25 =	vor.u32 v5, v14;
	v11 =	vand.u32 $0xFF, v11  }
0x77: {  	s5 =	sadd.s32 $0x6, s25;
	v11 =	vbroadcast v11, $0x0;
	v26 =	vld.idx.msk [tilespmem:v10+s3+$0x0], $0xffff;
	v27 =	vor.u32 v8, v9  }
0x78: {  	s7 =	sadd.s32 $0x1A000, s17;
	v28 =	vor.u32 v5, v16;
	v10 =	vmov s5  }
0x79: {  	s14 =	sor.u32 s16, s7;
	v10 =	vand.u32 $0xFE, v10;
	v29 =	vor.u32 v8, v11;
	v20 =	vld.idx.msk [tilespmem:v20+s3+$0x0], $0xffff  }
0x7a: {  	s2 =	sadd.s32 $0x4, s25;
	v30 =	vor.u32 v5, v17;
	v10 =	vbroadcast v10, $0x0;
	v21 =	vld.idx.msk [tilespmem:v21+s3+$0x0], $0xffff;
	[tilespmem:s14+$0x0] =	vst v15  }
0x7b: {  	s8 =	sor.u32 s13, s7;
	v31 =	vor.u32 v5, v19;
	v15 =	vmov s2;
	v25 =	vld.idx.msk [tilespmem:v25+s3+$0x0], $0xffff  }
0x7c: {  	[tilespmem:s8+$0x0] =	vst v26;
	v15 =	vand.u32 $0xFC, v15;
	v26 =	vor.u32 v8, v10;
	v27 =	vld.idx.msk [tilespmem:v27+s11+$0x0], $0xffff  }
0x7d: {  	s24 =	sor.u32 s6, s7;
	v32 =	vor.u32 v6, v14;
	v28 =	vld.idx.msk [tilespmem:v28+s3+$0x0], $0xffff;
	v15 =	vbroadcast v15, $0x0  }
0x7e: {  	s25 =	sor.u32 s1, s7;
	v33 =	vor.u32 v6, v16;
	[tilespmem:s24+$0x0] =	vst v20;
	v20 =	vld.idx.msk [tilespmem:v29+s11+$0x0], $0xffff  }
0x7f: {  	v29 =	vld.idx.msk [tilespmem:v30+s3+$0x0], $0xffff;
	[tilespmem:s25+$0x0] =	vst v21;
	v21 =	vor.u32 v8, v15  }
0x80: {  	v30 =	vld.idx.msk [tilespmem:v31+s3+$0x0], $0xffff;
	v31 =	vor.u32 v6, v17  }
0x81: {  	v34 =	vor.u32 v6, v19;
	[tilespmem:s14+$0x10] =	vst v25;
	v25 =	vld.idx.msk [tilespmem:v26+s11+$0x0], $0xffff;
	v26 =	vshll.u32 v27, $0x7  }
0x82: {  	[tilespmem:s8+$0x10] =	vst v28;
	v27 =	vld.idx.msk [tilespmem:v32+s3+$0x0], $0xffff;
	v28 =	vor.u32 v0, v26  }
0x83: {  	v41 =	vor.u32 v7, v14;
	v40 =	vld.idx.msk [tilespmem:v33+s3+$0x0], $0xffff;
	v20 =	vshll.u32 v20, $0x7  }
0x84: {  	v21 =	vld.idx.msk [tilespmem:v21+s11+$0x0], $0xffff;
	[tilespmem:s24+$0x10] =	vst v29;
	v29 =	vor.u32 v0, v20  }
0x85: {  	v16 =	vor.u32 v7, v16;
	[tilespmem:s25+$0x10] =	vst v30;
	v30 =	vld.idx.msk [tilespmem:v31+s3+$0x0], $0xffff  }
0x86: {  	s26 =	simm.s32 $0x0;
	v17 =	vor.u32 v7, v17;
	v31 =	vld.idx.msk [tilespmem:v34+s3+$0x0], $0xffff;
	v25 =	vshll.u32 v25, $0x7  }
0x87: {  	s31 =	sadd.s32 $0x4B00, s0;
	s5 =	smul.u32 $0x3000, s26;
	[tilespmem:s14+$0x20] =	vst v27;
	v27 =	vld.idx.msk [tilespmem:v28+s3+$0x0], $0xffff;
	v28 =	vor.u32 v0, v25  }
0x88: {  	v14 =	vmov s31;
	v42 =	vor.u32 v1, v26;
	v33 =	vld.idx.msk [tilespmem:v41+s3+$0x0], $0xffff  }
0x89: {  	s10 =	simm.s32 $0x280;
	v43 =	vor.u32 v14, v18;
	s7 =	sshra.s32 s5, $0x2;
	[tilespmem:s8+$0x20] =	vst v40;
	v29 =	vld.idx.msk [tilespmem:v29+s3+$0x0], $0xffff  }
0x8a: {  	s21 =	sand.u32 $0x280, s10;
	s22 =	sadd.s32 $0x19C00, s7;
	v21 =	vshll.u32 v21, $0x7;
	v16 =	vld.idx.msk [tilespmem:v16+s3+$0x0], $0xffff;
	[tilespmem:s24+$0x20] =	vst v30;
	v30 =	vor.u32 v1, v20  }
0x8b: {  	s12 =	simm.s32 $0x380;
	s15 =	sor.u32 s21, s22;
	v35 =	vor.u32 v0, v21;
	v17 =	vld.idx.msk [tilespmem:v17+s3+$0x0], $0xffff  }
0x8c: {  	v19 =	vor.u32 v7, v19;
	s5 =	sand.u32 $0x380, s12;
	[tilespmem:s15+$0x0] =	vst v27;
	v27 =	vld.idx.msk [tilespmem:v28+s3+$0x0], $0xffff  }
0x8d: {  	s18 =	sor.u32 s5, s22;
	v44 =	vor.u32 v1, v25;
	[tilespmem:s14+$0x30] =	vst v33;
	v28 =	vld.idx.msk [tilespmem:v42+s3+$0x0], $0xffff  }
0x8e: {  	s10 =	simm.s32 $0x300;
	v45 =	vor.u32 v63, v26;
	[tilespmem:s18+$0x0] =	vst v29;
	v29 =	vld.idx.msk [tilespmem:v43+s11+$0x0], $0xffff  }
0x8f: {  	s10 =	sand.u32 $0x300, s10;
	v46 =	vor.u32 v14, v23;
	v30 =	vld.idx.msk [tilespmem:v30+s3+$0x0], $0xffff  }
0x90: {  	s19 =	sor.u32 s10, s22;
	v47 =	vor.u32 v63, v20;
	[tilespmem:s25+$0x20] =	vst v31;
	v31 =	vld.idx.msk [tilespmem:v35+s3+$0x0], $0xffff  }
0x91: {  	v36 =	vor.u32 v1, v21;
	v19 =	vld.idx.msk [tilespmem:v19+s3+$0x0], $0xffff;
	[tilespmem:s19+$0x0] =	vst v27  }
0x92: {  	s12 =	simm.s32 $0x200;
	[tilespmem:s15+$0x10] =	vst v28;
	v27 =	vld.idx.msk [tilespmem:v44+s3+$0x0], $0xffff;
	v28 =	vor.u32 v14, v24  }
0x93: {  	s12 =	sand.u32 $0x200, s12;
	v48 =	vor.u32 v63, v25;
	[tilespmem:s8+$0x30] =	vst v16;
	v16 =	vld.idx.msk [tilespmem:v45+s3+$0x0], $0xffff  }
0x94: {  	s22 =	sor.u32 s12, s22;
	v26 =	vor.u32 v2, v26;
	v49 =	vld.idx.msk [tilespmem:v46+s11+$0x0], $0xffff;
	v29 =	vshll.u32 v29, $0x7;
	[tilespmem:s18+$0x10] =	vst v30  }
0x95: {  	[tilespmem:s22+$0x0] =	vst v31;
	v31 =	vor.u32 v4, v29;
	v30 =	vld.idx.msk [tilespmem:v47+s3+$0x0], $0xffff  }
0x96: {  	v20 =	vor.u32 v2, v20;
	[tilespmem:s25+$0x30] =	vst v19;
	v19 =	vld.idx.msk [tilespmem:v36+s3+$0x0], $0xffff  }
0x97: {  	v50 =	vor.u32 v63, v21;
	[tilespmem:s19+$0x10] =	vst v27;
	v27 =	vld.idx.msk [tilespmem:v28+s11+$0x0], $0xffff  }
0x98: {  	v28 =	vor.u32 v14, v22;
	[tilespmem:s15+$0x20] =	vst v16;
	v16 =	vld.idx.msk [tilespmem:v48+s3+$0x0], $0xffff  }
0x99: {  	v25 =	vor.u32 v2, v25;
	v26 =	vld.idx.msk [tilespmem:v26+s3+$0x0], $0xffff  }
0x9a: {  	[tilespmem:s18+$0x20] =	vst v30;
	v30 =	vld.idx.msk [tilespmem:v31+s3+$0x0], $0xffff;
	v31 =	vor.u32 v12, v9  }
0x9b: {  	[tilespmem:s22+$0x10] =	vst v19;
	v19 =	vld.idx.msk [tilespmem:v20+s3+$0x0], $0xffff;
	v20 =	vor.u32 v5, v29  }
0x9c: {  	v51 =	vor.u32 v12, v11;
	[tilespmem:s24+$0x30] =	vst v17;
	v17 =	vld.idx.msk [tilespmem:v50+s3+$0x0], $0xffff  }
0x9d: {  	v21 =	vor.u32 v2, v21;
	v28 =	vld.idx.msk [tilespmem:v28+s11+$0x0], $0xffff;
	[tilespmem:s19+$0x20] =	vst v16  }
0x9e: {  	v33 =	vshll.u32 v49, $0x7;
	[tilespmem:s15+$0x30] =	vst v26;
	v16 =	vld.idx.msk [tilespmem:v25+s3+$0x0], $0xffff  }
0x9f: {  	v25 =	vor.u32 v4, v33;
	v26 =	vld.idx.msk [tilespmem:v31+s11+$0x0], $0xffff;
	[tilespmem:s14+$0x40] =	vst v30  }
0xa0: {  	v27 =	vshll.u32 v27, $0x7;
	v30 =	vor.u32 v12, v10;
	[tilespmem:s18+$0x30] =	vst v19;
	v19 =	vld.idx.msk [tilespmem:v20+s3+$0x0], $0xffff  }
0xa1: {  	v20 =	vor.u32 v4, v27;
	[tilespmem:s22+$0x20] =	vst v17;
	v17 =	vld.idx.msk [tilespmem:v51+s11+$0x0], $0xffff  }
0xa2: {  	v31 =	vor.u32 v6, v29;
	v21 =	vld.idx.msk [tilespmem:v21+s3+$0x0], $0xffff  }
0xa3: {  	v52 =	vor.u32 v12, v15;
	v28 =	vshll.u32 v28, $0x7  }
0xa4: {  	v53 =	vor.u32 v4, v28;
	v25 =	vld.idx.msk [tilespmem:v25+s3+$0x0], $0xffff;
	[tilespmem:s19+$0x30] =	vst v16  }
0xa5: {  	v26 =	vshll.u32 v26, $0x7;
	v16 =	vld.idx.msk [tilespmem:v30+s11+$0x0], $0xffff;
	v30 =	vor.u32 v5, v33  }
0xa6: {  	v20 =	vld.idx.msk [tilespmem:v20+s3+$0x0], $0xffff;
	v54 =	vor.u32 v4, v26;
	[tilespmem:s14+$0x50] =	vst v19  }
0xa7: {  	v17 =	vshll.u32 v17, $0x7;
	v19 =	vld.idx.msk [tilespmem:v31+s3+$0x0], $0xffff;
	v31 =	vor.u32 v5, v27;
	[tilespmem:s22+$0x30] =	vst v21  }
0xa8: {  	v21 =	vor.u32 v4, v17;
	v32 =	vld.idx.msk [tilespmem:v52+s11+$0x0], $0xffff  }
0xa9: {  	v29 =	vor.u32 v7, v29;
	v34 =	vld.idx.msk [tilespmem:v53+s3+$0x0], $0xffff;
	[tilespmem:s8+$0x40] =	vst v25  }
0xaa: {  	v25 =	vor.u32 v5, v28;
	v30 =	vld.idx.msk [tilespmem:v30+s3+$0x0], $0xffff;
	v55 =	vshll.u32 v16, $0x7  }
0xab: {  	[tilespmem:s25+$0x40] =	vst v20;
	v16 =	vld.idx.msk [tilespmem:v54+s3+$0x0], $0xffff;
	v20 =	vor.u32 v4, v55  }
0xac: {  	v56 =	vor.u32 v5, v26;
	v31 =	vld.idx.msk [tilespmem:v31+s3+$0x0], $0xffff  }
0xad: {  	[tilespmem:s14+$0x60] =	vst v19;
	v19 =	vor.u32 v6, v33;
	v21 =	vld.idx.msk [tilespmem:v21+s3+$0x0], $0xffff;
	v32 =	vshll.u32 v32, $0x7  }
0xae: {  	v29 =	vld.idx.msk [tilespmem:v29+s3+$0x0], $0xffff;
	[tilespmem:s24+$0x40] =	vst v34;
	v57 =	vor.u32 v4, v32  }
0xaf: {  	v37 =	vor.u32 v6, v27;
	v25 =	vld.idx.msk [tilespmem:v25+s3+$0x0], $0xffff  }
0xb0: {  	v38 =	vor.u32 v6, v28;
	[tilespmem:s15+$0x40] =	vst v16;
	v20 =	vld.idx.msk [tilespmem:v20+s3+$0x0], $0xffff  }
0xb1: {  	s23 =	sadd.s32 $0x6400, s0;
	v58 =	vor.u32 v5, v55;
	[tilespmem:s8+$0x50] =	vst v30;
	v30 =	vld.idx.msk [tilespmem:v56+s3+$0x0], $0xffff  }
0xb2: {  	v39 =	vor.u32 v5, v17;
	v16 =	vmov s23;
	v19 =	vld.idx.msk [tilespmem:v19+s3+$0x0], $0xffff  }
0xb3: {  	[tilespmem:s25+$0x50] =	vst v31;
	v59 =	vor.u32 v16, v18;
	v31 =	vld.idx.msk [tilespmem:v57+s3+$0x0], $0xffff  }
0xb4: {  	v37 =	vld.idx.msk [tilespmem:v37+s3+$0x0], $0xffff;
	[tilespmem:s24+$0x50] =	vst v25;
	v25 =	vor.u32 v5, v32  }
0xb5: {  	v33 =	vor.u32 v7, v33;
	v38 =	vld.idx.msk [tilespmem:v38+s3+$0x0], $0xffff;
	[tilespmem:s19+$0x40] =	vst v20  }
0xb6: {  	[tilespmem:s18+$0x40] =	vst v21;
	v20 =	vor.u32 v7, v27;
	v21 =	vld.idx.msk [tilespmem:v58+s3+$0x0], $0xffff  }
0xb7: {  	[tilespmem:s14+$0x70] =	vst v29;
	v29 =	vor.u32 v6, v55;
	v27 =	vld.idx.msk [tilespmem:v39+s3+$0x0], $0xffff  }
0xb8: {  	v60 =	vor.u32 v6, v17;
	v34 =	vld.idx.msk [tilespmem:v59+s11+$0x0], $0xffff;
	[tilespmem:s22+$0x40] =	vst v31  }
0xb9: {  	[tilespmem:s8+$0x60] =	vst v19;
	v31 =	vor.u32 v6, v26;
	v19 =	vld.idx.msk [tilespmem:v25+s3+$0x0], $0xffff  }
0xba: {  	v61 =	vor.u32 v6, v32;
	[tilespmem:s25+$0x60] =	vst v37;
	v25 =	vld.idx.msk [tilespmem:v33+s3+$0x0], $0xffff  }
0xbb: {  	v62 =	vor.u32 v16, v23;
	v20 =	vld.idx.msk [tilespmem:v20+s3+$0x0], $0xffff;
	[tilespmem:s19+$0x50] =	vst v21  }
0xbc: {  	[tilespmem:s18+$0x50] =	vst v27;
	v27 =	vor.u32 v16, v24;
	v21 =	vld.idx.msk [tilespmem:v29+s3+$0x0], $0xffff  }
0xbd: {  	[tilespmem:s15+$0x50] =	vst v30;
	v30 =	vor.u32 v7, v55;
	v29 =	vld.idx.msk [tilespmem:v60+s3+$0x0], $0xffff  }
0xbe: {  	v17 =	vor.u32 v7, v17;
	v31 =	vld.idx.msk [tilespmem:v31+s3+$0x0], $0xffff;
	[tilespmem:s22+$0x50] =	vst v19  }
0xbf: {  	v26 =	vor.u32 v7, v26;
	v19 =	vshll.u32 v34, $0x7;
	[tilespmem:s8+$0x70] =	vst v25;
	v25 =	vld.idx.msk [tilespmem:v61+s3+$0x0], $0xffff  }
0xc0: {  	v36 =	vor.u32 v4, v19;
	v37 =	vld.idx.msk [tilespmem:v62+s11+$0x0], $0xffff;
	[tilespmem:s25+$0x70] =	vst v20  }
0xc1: {  	v20 =	vor.u32 v7, v32;
	v27 =	vld.idx.msk [tilespmem:v27+s11+$0x0], $0xffff;
	[tilespmem:s19+$0x60] =	vst v21  }
0xc2: {  	v28 =	vor.u32 v7, v28;
	[tilespmem:s18+$0x60] =	vst v29;
	v21 =	vld.idx.msk [tilespmem:v30+s3+$0x0], $0xffff  }
0xc3: {  	v29 =	vor.u32 v13, v10;
	v17 =	vld.idx.msk [tilespmem:v17+s3+$0x0], $0xffff;
	[tilespmem:s15+$0x60] =	vst v31  }
0xc4: {  	[tilespmem:s24+$0x60] =	vst v38;
	v30 =	vor.u32 v13, v11;
	v38 =	vld.idx.msk [tilespmem:v26+s3+$0x0], $0xffff  }
0xc5: {  	[tilespmem:s22+$0x60] =	vst v25;
	v25 =	vld.idx.msk [tilespmem:v36+s3+$0x0], $0xffff  }
0xc6: {  	v40 =	vor.u32 v13, v9;
	v20 =	vld.idx.msk [tilespmem:v20+s3+$0x0], $0xffff  }
0xc7: {  	v31 =	vor.u32 v5, v19;
	[tilespmem:s19+$0x70] =	vst v21;
	v21 =	vld.idx.msk [tilespmem:v28+s3+$0x0], $0xffff  }
0xc8: {  	s17 =	sadd.s32 $0x1A400, s17;
	v39 =	vor.u32 v13, v15;
	[tilespmem:s18+$0x70] =	vst v17;
	v29 =	vld.idx.msk [tilespmem:v29+s11+$0x0], $0xffff  }
0xc9: {  	s16 =	sor.u32 s16, s17;
	v26 =	vshll.u32 v37, $0x7;
	v17 =	vor.u32 v16, v22;
	v30 =	vld.idx.msk [tilespmem:v30+s11+$0x0], $0xffff;
	[tilespmem:s15+$0x70] =	vst v38  }
0xca: {  	[tilespmem:s16+$0x0] =	vst v25;
	v25 =	vor.u32 v4, v26  }
0xcb: {  	v28 =	vshll.u32 v27, $0x7;
	v32 =	vld.idx.msk [tilespmem:v40+s11+$0x0], $0xffff  }
0xcc: {  	[tilespmem:s22+$0x70] =	vst v20;
	v20 =	vld.idx.msk [tilespmem:v31+s3+$0x0], $0xffff;
	v31 =	vor.u32 v4, v28  }
0xcd: {  	v27 =	vld.idx.msk [tilespmem:v39+s11+$0x0], $0xffff;
	[tilespmem:s24+$0x70] =	vst v21;
	v21 =	vor.u32 v6, v19;
	v29 =	vshll.u32 v29, $0x7  }
0xce: {  	v17 =	vld.idx.msk [tilespmem:v17+s11+$0x0], $0xffff;
	v30 =	vshll.u32 v30, $0x7;
	v41 =	vor.u32 v4, v29  }
0xcf: {  	v42 =	vor.u32 v4, v30;
	v43 =	vld.idx.msk [tilespmem:v25+s3+$0x0], $0xffff  }
0xd0: {  	v44 =	vor.u32 v5, v26;
	v32 =	vshll.u32 v32, $0x7  }
0xd1: {  	v31 =	vld.idx.msk [tilespmem:v31+s3+$0x0], $0xffff;
	[tilespmem:s16+$0x10] =	vst v20;
	v45 =	vor.u32 v4, v32  }
0xd2: {  	v53 =	vor.u32 v5, v28;
	v27 =	vshll.u32 v27, $0x7;
	v21 =	vld.idx.msk [tilespmem:v21+s3+$0x0], $0xffff  }
0xd3: {  	s23 =	sor.u32 s13, s17;
	s22 =	sadd.s32 $0x4, s20;
	v20 =	vor.u32 v4, v27;
	v33 =	vld.idx.msk [tilespmem:v41+s3+$0x0], $0xffff  }
0xd4: {  	s25 =	sadd.s32 $0x5, s22;
	v19 =	vor.u32 v7, v19;
	v25 =	vshll.u32 v17, $0x7;
	v34 =	vld.idx.msk [tilespmem:v42+s3+$0x0], $0xffff;
	[tilespmem:s23+$0x0] =	vst v43  }
0xd5: {  	v50 =	vmov s25;
	s25 =	sor.u32 s1, s17;
	v17 =	vor.u32 v4, v25;
	v36 =	vld.idx.msk [tilespmem:v44+s3+$0x0], $0xffff  }
0xd6: {  	v46 =	vor.u32 v5, v29;
	v37 =	vld.idx.msk [tilespmem:v45+s3+$0x0], $0xffff;
	[tilespmem:s25+$0x0] =	vst v31  }
0xd7: {  	v41 =	vor.u32 v5, v30;
	v39 =	vld.idx.msk [tilespmem:v53+s3+$0x0], $0xffff  }
0xd8: {  	v47 =	vor.u32 v6, v26;
	s19 =	sadd.s32 $0x1A000, s7;
	v20 =	vld.idx.msk [tilespmem:v20+s3+$0x0], $0xffff;
	[tilespmem:s16+$0x20] =	vst v21  }
0xd9: {  	s13 =	sor.u32 s10, s19;
	v21 =	vor.u32 v5, v32;
	v49 =	vld.idx.msk [tilespmem:v19+s3+$0x0], $0xffff  }
0xda: {  	s0 =	sadd.s32 $0x7D00, s0;
	s2 =	sor.u32 s5, s19;
	v60 =	vor.u32 v6, v28;
	v40 =	vld.idx.msk [tilespmem:v17+s3+$0x0], $0xffff;
	[tilespmem:s13+$0x0] =	vst v33  }
0xdb: {  	s24 =	sadd.s32 $0x7, s22;
	v48 =	vor.u32 v5, v27;
	v17 =	vmov s0;
	[tilespmem:s2+$0x0] =	vst v34;
	v35 =	vld.idx.msk [tilespmem:v46+s3+$0x0], $0xffff  }
0xdc: {  	s8 =	sor.u32 s21, s19;
	v19 =	vmov s24;
	[tilespmem:s23+$0x10] =	vst v36;
	v42 =	vor.u32 v17, v18;
	v41 =	vld.idx.msk [tilespmem:v41+s3+$0x0], $0xffff  }
0xdd: {  	v51 =	vor.u32 v5, v25;
	v19 =	vand.u32 $0xFF, v19;
	[tilespmem:s8+$0x0] =	vst v37;
	v38 =	vld.idx.msk [tilespmem:v47+s3+$0x0], $0xffff  }
0xde: {  	s4 =	sor.u32 s12, s19;
	v55 =	vor.u32 v6, v29;
	v19 =	vbroadcast v19, $0x0;
	[tilespmem:s25+$0x10] =	vst v39;
	v44 =	vld.idx.msk [tilespmem:v21+s3+$0x0], $0xffff  }
0xdf: {  	v59 =	vor.u32 v6, v30;
	v18 =	vand.u32 $0xFD, v50;
	[tilespmem:s4+$0x0] =	vst v20;
	v37 =	vld.idx.msk [tilespmem:v60+s3+$0x0], $0xffff  }
0xe0: {  	s24 =	sor.u32 s6, s17;
	v18 =	vbroadcast v18, $0x0;
	v43 =	vor.u32 v8, v19;
	v52 =	vld.idx.msk [tilespmem:v48+s3+$0x0], $0xffff;
	[tilespmem:s16+$0x30] =	vst v49  }
0xe1: {  	v26 =	vor.u32 v7, v26;
	s26 =	sadd.s32 $0x4, s22;
	[tilespmem:s24+$0x0] =	vst v40;
	v56 =	vld.idx.msk [tilespmem:v42+s11+$0x0], $0xffff  }
0xe2: {  	s31 =	sadd.s32 $0x6, s22;
	v20 =	vmov s26;
	v45 =	vor.u32 v8, v18;
	v36 =	vld.idx.msk [tilespmem:v51+s3+$0x0], $0xffff;
	[tilespmem:s13+$0x10] =	vst v35  }
0xe3: {  	v54 =	vmov s31;
	v46 =	vor.u32 v6, v32;
	v20 =	vand.u32 $0xFC, v20;
	[tilespmem:s2+$0x10] =	vst v41;
	v33 =	vld.idx.msk [tilespmem:v55+s3+$0x0], $0xffff  }
0xe4: {  	v28 =	vor.u32 v7, v28;
	v21 =	vbroadcast v20, $0x0;
	v20 =	vand.u32 $0xFE, v54;
	v35 =	vld.idx.msk [tilespmem:v59+s3+$0x0], $0xffff  }
0xe5: {  	v57 =	vor.u32 v6, v27;
	v20 =	vbroadcast v20, $0x0;
	[tilespmem:s23+$0x20] =	vst v38;
	v43 =	vld.idx.msk [tilespmem:v43+s11+$0x0], $0xffff  }
0xe6: {  	v31 =	vor.u32 v8, v21;
	v26 =	vld.idx.msk [tilespmem:v26+s3+$0x0], $0xffff  }
0xe7: {  	v58 =	vor.u32 v8, v20;
	[tilespmem:s8+$0x10] =	vst v44;
	v45 =	vld.idx.msk [tilespmem:v45+s11+$0x0], $0xffff  }
0xe8: {  	v29 =	vor.u32 v7, v29;
	[tilespmem:s25+$0x20] =	vst v37;
	v62 =	vld.idx.msk [tilespmem:v46+s3+$0x0], $0xffff  }
0xe9: {  	v30 =	vor.u32 v7, v30;
	[tilespmem:s4+$0x10] =	vst v52;
	v28 =	vld.idx.msk [tilespmem:v28+s3+$0x0], $0xffff  }
0xea: {  	v23 =	vor.u32 v17, v23;
	v40 =	vld.idx.msk [tilespmem:v57+s3+$0x0], $0xffff  }
0xeb: {  	v32 =	vor.u32 v7, v32;
	v31 =	vld.idx.msk [tilespmem:v31+s11+$0x0], $0xffff  }
0xec: {  	v24 =	vor.u32 v17, v24;
	[tilespmem:s13+$0x20] =	vst v33;
	v61 =	vld.idx.msk [tilespmem:v58+s11+$0x0], $0xffff  }
0xed: {  	v27 =	vor.u32 v7, v27;
	[tilespmem:s2+$0x20] =	vst v35;
	v29 =	vld.idx.msk [tilespmem:v29+s3+$0x0], $0xffff  }
0xee: {  	v48 =	vor.u32 v6, v25;
	v34 =	vshll.u32 v56, $0x7;
	v30 =	vld.idx.msk [tilespmem:v30+s3+$0x0], $0xffff;
	[tilespmem:s23+$0x30] =	vst v26  }
0xef: {  	v47 =	vor.u32 v4, v34;
	v33 =	vshll.u32 v43, $0x7;
	[tilespmem:s8+$0x20] =	vst v62;
	v23 =	vld.idx.msk [tilespmem:v23+s11+$0x0], $0xffff  }
0xf0: {  	v39 =	vshll.u32 v45, $0x7;
	v50 =	vor.u32 v0, v33;
	[tilespmem:s25+$0x30] =	vst v28;
	v32 =	vld.idx.msk [tilespmem:v32+s3+$0x0], $0xffff  }
0xf1: {  	v45 =	vor.u32 v0, v39;
	[tilespmem:s4+$0x20] =	vst v40;
	v24 =	vld.idx.msk [tilespmem:v24+s11+$0x0], $0xffff  }
0xf2: {  	[tilespmem:s24+$0x10] =	vst v36;
	v62 =	vor.u32 v14, v9;
	v51 =	vld.idx.msk [tilespmem:v27+s3+$0x0], $0xffff  }
0xf3: {  	v57 =	vor.u32 v14, v15;
	v27 =	vld.idx.msk [tilespmem:v48+s3+$0x0], $0xffff;
	v31 =	vshll.u32 v31, $0x7  }
0xf4: {  	v49 =	vld.idx.msk [tilespmem:v47+s3+$0x0], $0xffff;
	v52 =	vor.u32 v0, v31  }
0xf5: {  	v60 =	vor.u32 v5, v34;
	v41 =	vshll.u32 v61, $0x7;
	v56 =	vld.idx.msk [tilespmem:v50+s3+$0x0], $0xffff  }
0xf6: {  	s14 =	simm.s32 $0x1;
	v54 =	vor.u32 v0, v41;
	v53 =	vld.idx.msk [tilespmem:v45+s3+$0x0], $0xffff;
	[tilespmem:s8+$0x30] =	vst v32  }
0xf7: {  	s0 =	smul.u32 $0x3000, s14;
	v25 =	vor.u32 v7, v25;
	[tilespmem:s4+$0x30] =	vst v51;
	v36 =	vld.idx.msk [tilespmem:v62+s11+$0x0], $0xffff  }
0xf8: {  	v59 =	vor.u32 v1, v33;
	v46 =	vld.idx.msk [tilespmem:v57+s11+$0x0], $0xffff  }
0xf9: {  	s28 =	sshra.s32 s0, $0x2;
	s26 =	simm.s32 $0x580;
	v61 =	vor.u32 v14, v10;
	[tilespmem:s16+$0x40] =	vst v49;
	v58 =	vld.idx.msk [tilespmem:v52+s3+$0x0], $0xffff  }
0xfa: {  	s15 =	simm.s32 $0x480;
	s17 =	sadd.s32 $0x19C00, s28;
	s26 =	sand.u32 $0x380, s26;
	v55 =	vor.u32 v1, v39;
	[tilespmem:s13+$0x30] =	vst v29;
	v29 =	vld.idx.msk [tilespmem:v60+s3+$0x0], $0xffff  }
0xfb: {  	s1 =	sand.u32 $0x280, s15;
	s22 =	simm.s32 $0x400;
	s31 =	sor.u32 s26, s17;
	v51 =	vor.u32 v1, v31;
	[tilespmem:s24+$0x20] =	vst v27;
	v42 =	vld.idx.msk [tilespmem:v54+s3+$0x0], $0xffff  }
0xfc: {  	s0 =	sand.u32 $0x200, s22;
	s6 =	sor.u32 s1, s17;
	v48 =	vor.u32 v1, v41;
	v25 =	vld.idx.msk [tilespmem:v25+s3+$0x0], $0xffff;
	[tilespmem:s31+$0x0] =	vst v56  }
0xfd: {  	s18 =	simm.s32 $0x500;
	s15 =	sor.u32 s0, s17;
	[tilespmem:s6+$0x0] =	vst v53;
	v40 =	vld.idx.msk [tilespmem:v59+s3+$0x0], $0xffff;
	v53 =	vor.u32 v6, v34  }
0xfe: {  	s29 =	sand.u32 $0x300, s18;
	v50 =	vor.u32 v63, v33;
	v44 =	vld.idx.msk [tilespmem:v61+s11+$0x0], $0xffff;
	[tilespmem:s15+$0x0] =	vst v58  }
0xff: {  	s19 =	sor.u32 s29, s17;
	v35 =	vld.idx.msk [tilespmem:v55+s3+$0x0], $0xffff;
	v55 =	vor.u32 v14, v11;
	[tilespmem:s16+$0x50] =	vst v29  }
0x100: {  	v49 =	vor.u32 v63, v39;
	[tilespmem:s19+$0x0] =	vst v42;
	v29 =	vld.idx.msk [tilespmem:v51+s3+$0x0], $0xffff  }
0x101: {  	v60 =	vor.u32 v63, v31;
	v52 =	vld.idx.msk [tilespmem:v48+s3+$0x0], $0xffff  }
0x102: {  	v57 =	vor.u32 v2, v39;
	v56 =	vor.u32 v63, v41;
	v39 =	vshll.u32 v46, $0x7;
	[tilespmem:s31+$0x10] =	vst v40;
	v59 =	vld.idx.msk [tilespmem:v53+s3+$0x0], $0xffff  }
0x103: {  	[tilespmem:s2+$0x30] =	vst v30;
	v58 =	vor.u32 v4, v39;
	v32 =	vld.idx.msk [tilespmem:v50+s3+$0x0], $0xffff  }
0x104: {  	v30 =	vor.u32 v2, v33;
	[tilespmem:s6+$0x10] =	vst v35;
	v61 =	vld.idx.msk [tilespmem:v55+s11+$0x0], $0xffff  }
0x105: {  	v34 =	vor.u32 v7, v34;
	v54 =	vld.idx.msk [tilespmem:v49+s3+$0x0], $0xffff;
	[tilespmem:s15+$0x10] =	vst v29  }
0x106: {  	[tilespmem:s19+$0x10] =	vst v52;
	v48 =	vld.idx.msk [tilespmem:v60+s3+$0x0], $0xffff  }
0x107: {  	v31 =	vor.u32 v2, v31;
	v62 =	vld.idx.msk [tilespmem:v56+s3+$0x0], $0xffff  }
0x108: {  	v46 =	vor.u32 v2, v41;
	v47 =	vld.idx.msk [tilespmem:v58+s3+$0x0], $0xffff;
	[tilespmem:s31+$0x20] =	vst v32  }
0x109: {  	v49 =	vor.u32 v5, v39;
	[tilespmem:s16+$0x60] =	vst v59;
	v30 =	vld.idx.msk [tilespmem:v30+s3+$0x0], $0xffff  }
0x10a: {  	v50 =	vor.u32 v12, v19;
	v28 =	vld.idx.msk [tilespmem:v34+s3+$0x0], $0xffff;
	v34 =	vshll.u32 v44, $0x7;
	[tilespmem:s6+$0x20] =	vst v54  }
0x10b: {  	v35 =	vshll.u32 v61, $0x7;
	v52 =	vor.u32 v4, v34;
	v37 =	vld.idx.msk [tilespmem:v57+s3+$0x0], $0xffff;
	[tilespmem:s15+$0x20] =	vst v48  }
0x10c: {  	v53 =	vor.u32 v4, v35;
	[tilespmem:s19+$0x20] =	vst v62;
	v31 =	vld.idx.msk [tilespmem:v31+s3+$0x0], $0xffff  }
0x10d: {  	v36 =	vshll.u32 v36, $0x7;
	v29 =	vor.u32 v12, v18;
	[tilespmem:s4+$0x40] =	vst v47;
	v51 =	vld.idx.msk [tilespmem:v46+s3+$0x0], $0xffff  }
0x10e: {  	v56 =	vor.u32 v4, v36;
	[tilespmem:s31+$0x30] =	vst v30;
	v30 =	vld.idx.msk [tilespmem:v49+s3+$0x0], $0xffff  }
0x10f: {  	v57 =	vor.u32 v12, v21;
	v33 =	vld.idx.msk [tilespmem:v50+s11+$0x0], $0xffff  }
0x110: {  	v55 =	vor.u32 v6, v39;
	v38 =	vld.idx.msk [tilespmem:v52+s3+$0x0], $0xffff  }
0x111: {  	v54 =	vor.u32 v12, v20;
	v32 =	vld.idx.msk [tilespmem:v53+s3+$0x0], $0xffff;
	[tilespmem:s6+$0x30] =	vst v37  }
0x112: {  	v58 =	vor.u32 v5, v34;
	v29 =	vld.idx.msk [tilespmem:v29+s11+$0x0], $0xffff  }
0x113: {  	v61 =	vor.u32 v5, v35;
	v42 =	vld.idx.msk [tilespmem:v56+s3+$0x0], $0xffff;
	[tilespmem:s15+$0x30] =	vst v31  }
0x114: {  	v22 =	vor.u32 v17, v22;
	[tilespmem:s4+$0x50] =	vst v30;
	v43 =	vld.idx.msk [tilespmem:v57+s11+$0x0], $0xffff;
	v30 =	vshll.u32 v33, $0x7  }
0x115: {  	[tilespmem:s19+$0x30] =	vst v51;
	v60 =	vld.idx.msk [tilespmem:v55+s3+$0x0], $0xffff;
	v31 =	vor.u32 v4, v30  }
0x116: {  	v39 =	vor.u32 v7, v39;
	[tilespmem:s13+$0x40] =	vst v38;
	v37 =	vld.idx.msk [tilespmem:v54+s11+$0x0], $0xffff  }
0x117: {  	[tilespmem:s2+$0x40] =	vst v32;
	v38 =	vld.idx.msk [tilespmem:v58+s3+$0x0], $0xffff;
	v26 =	vshll.u32 v29, $0x7;
	v29 =	vshll.u32 v24, $0x7;
	v24 =	vor.u32 v5, v36  }
0x118: {  	[tilespmem:s24+$0x30] =	vst v25;
	v51 =	vor.u32 v6, v34;
	v41 =	vld.idx.msk [tilespmem:v61+s3+$0x0], $0xffff  }
0x119: {  	v22 =	vld.idx.msk [tilespmem:v22+s11+$0x0], $0xffff;
	v52 =	vor.u32 v6, v35  }
0x11a: {  	v59 =	vor.u32 v4, v26;
	[tilespmem:s4+$0x60] =	vst v60;
	v31 =	vld.idx.msk [tilespmem:v31+s3+$0x0], $0xffff  }
0x11b: {  	[tilespmem:s8+$0x40] =	vst v42;
	v48 =	vor.u32 v4, v29;
	v43 =	vshll.u32 v43, $0x7;
	v33 =	vld.idx.msk [tilespmem:v39+s3+$0x0], $0xffff  }
0x11c: {  	v37 =	vshll.u32 v37, $0x7;
	v53 =	vor.u32 v4, v43;
	[tilespmem:s13+$0x50] =	vst v38;
	v24 =	vld.idx.msk [tilespmem:v24+s3+$0x0], $0xffff  }
0x11d: {  	[tilespmem:s2+$0x50] =	vst v41;
	v49 =	vor.u32 v4, v37;
	v39 =	vld.idx.msk [tilespmem:v51+s3+$0x0], $0xffff  }
0x11e: {  	v55 =	vor.u32 v6, v36;
	v42 =	vld.idx.msk [tilespmem:v52+s3+$0x0], $0xffff  }
0x11f: {  	v56 =	vor.u32 v5, v30;
	v62 =	vld.idx.msk [tilespmem:v59+s3+$0x0], $0xffff  }
0x120: {  	v58 =	vor.u32 v7, v34;
	v40 =	vld.idx.msk [tilespmem:v48+s3+$0x0], $0xffff  }
0x121: {  	v59 =	vor.u32 v7, v35;
	v46 =	vld.idx.msk [tilespmem:v53+s3+$0x0], $0xffff;
	[tilespmem:s8+$0x50] =	vst v24  }
0x122: {  	v50 =	vor.u32 v5, v26;
	v54 =	vld.idx.msk [tilespmem:v49+s3+$0x0], $0xffff;
	[tilespmem:s31+$0x40] =	vst v31  }
0x123: {  	v27 =	vor.u32 v5, v43;
	[tilespmem:s4+$0x70] =	vst v33;
	v31 =	vld.idx.msk [tilespmem:v55+s3+$0x0], $0xffff  }
0x124: {  	v34 =	vshll.u32 v23, $0x7;
	v57 =	vor.u32 v5, v37;
	[tilespmem:s13+$0x60] =	vst v39;
	v38 =	vld.idx.msk [tilespmem:v56+s3+$0x0], $0xffff  }
0x125: {  	v48 =	vor.u32 v4, v34;
	[tilespmem:s2+$0x60] =	vst v42;
	v39 =	vld.idx.msk [tilespmem:v58+s3+$0x0], $0xffff  }
0x126: {  	v24 =	vor.u32 v16, v15;
	[tilespmem:s6+$0x40] =	vst v62;
	v32 =	vld.idx.msk [tilespmem:v59+s3+$0x0], $0xffff  }
0x127: {  	v60 =	vor.u32 v6, v30;
	v45 =	vld.idx.msk [tilespmem:v50+s3+$0x0], $0xffff;
	[tilespmem:s15+$0x40] =	vst v46  }
0x128: {  	v62 =	vor.u32 v6, v26;
	[tilespmem:s19+$0x40] =	vst v54;
	v27 =	vld.idx.msk [tilespmem:v27+s3+$0x0], $0xffff  }
0x129: {  	v50 =	vor.u32 v6, v43;
	v61 =	vld.idx.msk [tilespmem:v57+s3+$0x0], $0xffff;
	[tilespmem:s31+$0x50] =	vst v38  }
0x12a: {  	v23 =	vor.u32 v6, v37;
	v52 =	vld.idx.msk [tilespmem:v48+s3+$0x0], $0xffff;
	[tilespmem:s13+$0x70] =	vst v39  }
0x12b: {  	v51 =	vor.u32 v16, v11;
	v24 =	vld.idx.msk [tilespmem:v24+s11+$0x0], $0xffff;
	[tilespmem:s2+$0x70] =	vst v32  }
0x12c: {  	v56 =	vor.u32 v5, v34;
	[tilespmem:s6+$0x50] =	vst v45;
	v33 =	vld.idx.msk [tilespmem:v60+s3+$0x0], $0xffff  }
0x12d: {  	v49 =	vor.u32 v16, v10;
	v41 =	vld.idx.msk [tilespmem:v62+s3+$0x0], $0xffff;
	[tilespmem:s15+$0x50] =	vst v27  }
0x12e: {  	v26 =	vor.u32 v7, v26;
	[tilespmem:s19+$0x50] =	vst v61;
	v25 =	vld.idx.msk [tilespmem:v50+s3+$0x0], $0xffff  }
0x12f: {  	v30 =	vor.u32 v7, v30;
	[tilespmem:s23+$0x40] =	vst v52;
	v23 =	vld.idx.msk [tilespmem:v23+s3+$0x0], $0xffff  }
0x130: {  	v53 =	vor.u32 v7, v43;
	[tilespmem:s8+$0x60] =	vst v31;
	v54 =	vld.idx.msk [tilespmem:v51+s11+$0x0], $0xffff  }
0x131: {  	v37 =	vor.u32 v7, v37;
	v31 =	vld.idx.msk [tilespmem:v56+s3+$0x0], $0xffff;
	[tilespmem:s31+$0x60] =	vst v33  }
0x132: {  	v36 =	vor.u32 v7, v36;
	v27 =	vld.idx.msk [tilespmem:v49+s11+$0x0], $0xffff;
	v38 =	vshll.u32 v24, $0x7;
	[tilespmem:s6+$0x60] =	vst v41  }
0x133: {  	v24 =	vor.u32 v4, v38;
	v26 =	vld.idx.msk [tilespmem:v26+s3+$0x0], $0xffff;
	[tilespmem:s15+$0x60] =	vst v25  }
0x134: {  	v59 =	vor.u32 v13, v18;
	[tilespmem:s19+$0x60] =	vst v23;
	v23 =	vld.idx.msk [tilespmem:v30+s3+$0x0], $0xffff  }
0x135: {  	v30 =	vor.u32 v5, v29;
	v32 =	vld.idx.msk [tilespmem:v53+s3+$0x0], $0xffff  }
0x136: {  	v58 =	vor.u32 v13, v19;
	v55 =	vld.idx.msk [tilespmem:v37+s3+$0x0], $0xffff  }
0x137: {  	[tilespmem:s25+$0x40] =	vst v40;
	v60 =	vld.idx.msk [tilespmem:v36+s3+$0x0], $0xffff;
	v61 =	vor.u32 v13, v21  }
0x138: {  	v25 =	vor.u32 v13, v20;
	v57 =	vld.idx.msk [tilespmem:v24+s3+$0x0], $0xffff;
	[tilespmem:s6+$0x70] =	vst v26  }
0x139: {  	v42 =	vshll.u32 v22, $0x7;
	v22 =	vor.u32 v5, v38;
	v51 =	vld.idx.msk [tilespmem:v59+s11+$0x0], $0xffff;
	[tilespmem:s31+$0x70] =	vst v23  }
0x13a: {  	v24 =	vshll.u32 v54, $0x7;
	v39 =	vld.idx.msk [tilespmem:v30+s3+$0x0], $0xffff;
	v30 =	vor.u32 v4, v42;
	[tilespmem:s15+$0x70] =	vst v32  }
0x13b: {  	v23 =	vshll.u32 v27, $0x7;
	v27 =	vor.u32 v4, v24;
	[tilespmem:s19+$0x70] =	vst v55;
	s19 =	sadd.s32 $0x1A400, s7;
	v62 =	vld.idx.msk [tilespmem:v58+s11+$0x0], $0xffff  }
0x13c: {  	v49 =	vor.u32 v4, v23;
	v36 =	vld.idx.msk [tilespmem:v61+s11+$0x0], $0xffff;
	s7 =	sor.u32 s12, s19  }
0x13d: {  	v54 =	vor.u32 v6, v29;
	v25 =	vld.idx.msk [tilespmem:v25+s11+$0x0], $0xffff;
	[tilespmem:s7+$0x0] =	vst v57  }
0x13e: {  	v48 =	vor.u32 v16, v9;
	v22 =	vld.idx.msk [tilespmem:v22+s3+$0x0], $0xffff  }
0x13f: {  	v52 =	vor.u32 v6, v38;
	v50 =	vld.idx.msk [tilespmem:v30+s3+$0x0], $0xffff  }
0x140: {  	[tilespmem:s16+$0x70] =	vst v28;
	v53 =	vor.u32 v5, v42;
	v56 =	vld.idx.msk [tilespmem:v27+s3+$0x0], $0xffff  }
0x141: {  	[tilespmem:s25+$0x50] =	vst v39;
	v41 =	vld.idx.msk [tilespmem:v49+s3+$0x0], $0xffff  }
0x142: {  	[tilespmem:s8+$0x70] =	vst v60;
	v58 =	vor.u32 v6, v34;
	v27 =	vshll.u32 v51, $0x7;
	v61 =	vld.idx.msk [tilespmem:v54+s3+$0x0], $0xffff  }
0x143: {  	v60 =	vor.u32 v4, v27;
	v30 =	vshll.u32 v25, $0x7;
	v25 =	vld.idx.msk [tilespmem:v48+s11+$0x0], $0xffff;
	[tilespmem:s7+$0x10] =	vst v22  }
0x144: {  	v26 =	vshll.u32 v62, $0x7;
	v55 =	vor.u32 v4, v30;
	v57 =	vld.idx.msk [tilespmem:v52+s3+$0x0], $0xffff;
	[tilespmem:s24+$0x40] =	vst v50  }
0x145: {  	[tilespmem:s23+$0x50] =	vst v31;
	s8 =	sor.u32 s5, s19;
	v33 =	vor.u32 v4, v26;
	v43 =	vld.idx.msk [tilespmem:v53+s3+$0x0], $0xffff  }
0x146: {  	v59 =	vor.u32 v5, v23;
	s16 =	sor.u32 s10, s19;
	[tilespmem:s8+$0x0] =	vst v56  }
0x147: {  	v29 =	vor.u32 v7, v29;
	v50 =	vld.idx.msk [tilespmem:v58+s3+$0x0], $0xffff;
	[tilespmem:s16+$0x0] =	vst v41  }
0x148: {  	v28 =	vor.u32 v6, v42;
	v32 =	vshll.u32 v36, $0x7;
	v39 =	vld.idx.msk [tilespmem:v60+s3+$0x0], $0xffff;
	[tilespmem:s25+$0x60] =	vst v61  }
0x149: {  	v49 =	vor.u32 v4, v32;
	v22 =	vshll.u32 v25, $0x7;
	v48 =	vld.idx.msk [tilespmem:v55+s3+$0x0], $0xffff;
	[tilespmem:s7+$0x20] =	vst v57  }
0x14a: {  	s31 =	sshrl.u32 s9, $0x5;
	v33 =	vld.idx.msk [tilespmem:v33+s3+$0x0], $0xffff;
	v62 =	vor.u32 v4, v22;
	[tilespmem:s24+$0x50] =	vst v43  }
0x14b: {  	s2 =	sand.u32 $0xE0, s31;
	v41 =	vor.u32 v7, v38;
	v37 =	vld.idx.msk [tilespmem:v59+s3+$0x0], $0xffff;
	s4 =	rddreg [dreg:$0x3]  }
0x14c: {  	s6 =	sadd.s32 $0x1A000, s28;
	v40 =	vor.u32 v5, v30;
	v25 =	vld.idx.msk [tilespmem:v29+s3+$0x0], $0xffff;
	s2 =	sadd.s32 s2, s4  }
0x14d: {  	s10 =	sor.u32 s29, s6;
	v38 =	vor.u32 v6, v23;
	v35 =	vld.idx.msk [tilespmem:v28+s3+$0x0], $0xffff;
	[dreg:$0xb] =	wrdreg s2  }
0x14e: {  	s13 =	simm.s32 $0x780;
	s9 =	smov.u32 s30;
	v36 =	vor.u32 v7, v42;
	v42 =	vor.u32 v5, v32;
	[tilespmem:s10+$0x0] =	vst v48;
	v43 =	vld.idx.msk [tilespmem:v49+s3+$0x0], $0xffff  }
0x14f: {  	s30 =	sshll.u32 s30, $0x1;
	s12 =	simm.s32 $0x8;
	s5 =	sor.u32 s1, s6;
	v31 =	vor.u32 v6, v30;
	v28 =	vor.u32 v7, v34;
	v34 =	vld.idx.msk [tilespmem:v62+s3+$0x0], $0xffff;
	[tilespmem:s23+$0x60] =	vst v50  }
.LBB2_3:
0x150: {  	s2 =	sadd.s32 s12, s20;
	s12 =	sadd.s32 $0x4, s12;
	s4 =	sadd.s32 $0xFFFFFE80, s13;
	v41 =	vld.idx.msk [tilespmem:v41+s3+$0x0], $0xffff;
	[tilespmem:s16+$0x10] =	vst v37  }
0x151: {  	v37 =	vor.u32 v5, v27;
	s14 =	sshrl.u32 s12, $0x3;
	s15 =	sadd.s32 $0x5, s2;
	s17 =	sadd.s32 $0x7, s2;
	[tilespmem:s5+$0x0] =	vst v39;
	v39 =	vld.idx.msk [tilespmem:v40+s3+$0x0], $0xffff  }
0x152: {  	v44 =	vor.u32 v5, v26;
	s18 =	sadd.s32 $0x4, s2;
	s2 =	sadd.s32 $0x6, s2;
	s22 =	smul.u32 $0x3000, s14;
	v29 =	vmov s15;
	v40 =	vmov s17;
	v38 =	vld.idx.msk [tilespmem:v38+s3+$0x0], $0xffff;
	[tilespmem:s24+$0x60] =	vst v35  }
0x153: {  	p1 =	slt.u32 s12, $0x1C;
	s14 =	sor.u32 s0, s6;
	v29 =	vand.u32 $0xFD, v29;
	v35 =	vand.u32 $0xFF, v40;
	v40 =	vor.u32 v17, v15;
	v36 =	vld.idx.msk [tilespmem:v36+s3+$0x0], $0xffff;
	[tilespmem:s25+$0x70] =	vst v25;
	v15 =	vmovc v21;
	s25 =	smov.u32 s8  }
0x154: {  	s15 =	sor.u32 s21, s19;
	s21 =	smov.u32 s1;
	s17 =	sshra.s32 s22, $0x2;
	v25 =	vbroadcast v29, $0x0;
	v29 =	vbroadcast v35, $0x0;
	[tilespmem:s14+$0x0] =	vst v43;
	v35 =	vor.u32 v5, v22;
	v43 =	vld.idx.msk [tilespmem:v28+s3+$0x0], $0xffff  }
0x155: {  	v21 =	vmov s18;
	s8 =	sor.u32 s26, s6;
	v28 =	vmov s2;
	s19 =	sadd.s32 $0x19C00, s17;
	v42 =	vld.idx.msk [tilespmem:v42+s3+$0x0], $0xffff;
	[tilespmem:s15+$0x0] =	vst v34;
	v34 =	vor.u32 v5, v24  }
0x156: {  	v21 =	vand.u32 $0xFC, v21;
	v28 =	vand.u32 $0xFE, v28;
	v45 =	vor.u32 v8, v29;
	v37 =	vld.idx.msk [tilespmem:v37+s3+$0x0], $0xffff;
	[tilespmem:s8+$0x0] =	vst v33  }
0x157: {  	v21 =	vbroadcast v21, $0x0;
	v33 =	vor.u32 v8, v25;
	v28 =	vbroadcast v28, $0x0;
	v44 =	vld.idx.msk [tilespmem:v44+s3+$0x0], $0xffff;
	[tilespmem:s7+$0x30] =	vst v41  }
0x158: {  	v41 =	vor.u32 v7, v30;
	v30 =	vld.idx.msk [tilespmem:v40+s11+$0x0], $0xffff;
	[tilespmem:s16+$0x20] =	vst v38  }
0x159: {  	v38 =	vor.u32 v8, v21;
	v35 =	vld.idx.msk [tilespmem:v35+s3+$0x0], $0xffff;
	[tilespmem:s24+$0x70] =	vst v36;
	s24 =	smov.u32 s15  }
0x15a: {  	v36 =	vor.u32 v6, v32;
	v34 =	vld.idx.msk [tilespmem:v34+s3+$0x0], $0xffff;
	[tilespmem:s23+$0x70] =	vst v43;
	s23 =	smov.u32 s16  }
0x15b: {  	v40 =	vor.u32 v8, v28;
	v43 =	vld.idx.msk [tilespmem:v45+s11+$0x0], $0xffff  }
0x15c: {  	v33 =	vld.idx.msk [tilespmem:v33+s11+$0x0], $0xffff;
	[tilespmem:s10+$0x10] =	vst v39;
	v39 =	vor.u32 v6, v26  }
0x15d: {  	v45 =	vor.u32 v6, v27;
	v31 =	vld.idx.msk [tilespmem:v31+s3+$0x0], $0xffff;
	[tilespmem:s8+$0x10] =	vst v44  }
0x15e: {  	v30 =	vshll.u32 v30, $0x7;
	v38 =	vld.idx.msk [tilespmem:v38+s11+$0x0], $0xffff;
	[tilespmem:s14+$0x10] =	vst v42;
	v42 =	vor.u32 v6, v24  }
0x15f: {  	v44 =	vor.u32 v4, v30;
	v36 =	vld.idx.msk [tilespmem:v36+s3+$0x0], $0xffff;
	[tilespmem:s24+$0x10] =	vst v35  }
0x160: {  	v35 =	vld.idx.msk [tilespmem:v40+s11+$0x0], $0xffff;
	[tilespmem:s25+$0x10] =	vst v34  }
0x161: {  	v32 =	vor.u32 v7, v32;
	[tilespmem:s5+$0x10] =	vst v37;
	v34 =	vld.idx.msk [tilespmem:v39+s3+$0x0], $0xffff  }
0x162: {  	v33 =	vshll.u32 v33, $0x7;
	v39 =	vor.u32 v6, v22;
	v37 =	vld.idx.msk [tilespmem:v45+s3+$0x0], $0xffff  }
0x163: {  	v40 =	vor.u32 v0, v33;
	[tilespmem:s10+$0x20] =	vst v31;
	v31 =	vld.idx.msk [tilespmem:v42+s3+$0x0], $0xffff  }
0x164: {  	v27 =	vor.u32 v7, v27;
	v38 =	vshll.u32 v38, $0x7;
	v42 =	vshll.u32 v43, $0x7;
	v43 =	vld.idx.msk [tilespmem:v44+s3+$0x0], $0xffff  }
0x165: {  	v44 =	vor.u32 v0, v42;
	[tilespmem:s14+$0x20] =	vst v36;
	v36 =	vld.idx.msk [tilespmem:v41+s3+$0x0], $0xffff  }
0x166: {  	v26 =	vor.u32 v7, v26;
	v32 =	vld.idx.msk [tilespmem:v32+s3+$0x0], $0xffff  }
0x167: {  	v41 =	vor.u32 v0, v38;
	[tilespmem:s8+$0x20] =	vst v34;
	v34 =	vld.idx.msk [tilespmem:v39+s3+$0x0], $0xffff  }
0x168: {  	v24 =	vor.u32 v7, v24;
	v35 =	vshll.u32 v35, $0x7;
	v39 =	vld.idx.msk [tilespmem:v40+s3+$0x0], $0xffff;
	[tilespmem:s5+$0x20] =	vst v37  }
0x169: {  	v37 =	vor.u32 v0, v35;
	v27 =	vld.idx.msk [tilespmem:v27+s3+$0x0], $0xffff;
	[tilespmem:s25+$0x20] =	vst v31  }
0x16a: {  	v31 =	vor.u32 v1, v33;
	v40 =	vld.idx.msk [tilespmem:v44+s3+$0x0], $0xffff;
	[tilespmem:s7+$0x40] =	vst v43  }
0x16b: {  	s1 =	sadd.s32 $0xFFFFFF00, s13;
	v43 =	vor.u32 v14, v15;
	[tilespmem:s10+$0x30] =	vst v36;
	v26 =	vld.idx.msk [tilespmem:v26+s3+$0x0], $0xffff  }
0x16c: {  	s1 =	sand.u32 $0x280, s1;
	s6 =	sadd.s32 $0x1A000, s17;
	v36 =	vld.idx.msk [tilespmem:v41+s3+$0x0], $0xffff;
	v41 =	vor.u32 v1, v42;
	[tilespmem:s14+$0x30] =	vst v32  }
0x16d: {  	s31 =	sor.u32 s1, s6;
	s15 =	sor.u32 s1, s19;
	v32 =	vor.u32 v5, v30;
	[tilespmem:s24+$0x20] =	vst v34;
	v24 =	vld.idx.msk [tilespmem:v24+s3+$0x0], $0xffff  }
0x16e: {  	s16 =	sand.u32 $0x380, s13;
	[tilespmem:s15+$0x0] =	vst v39;
	v34 =	vld.idx.msk [tilespmem:v37+s3+$0x0], $0xffff;
	v37 =	vor.u32 v14, v20  }
0x16f: {  	s2 =	sor.u32 s16, s19;
	v39 =	vor.u32 v1, v38;
	v31 =	vld.idx.msk [tilespmem:v31+s3+$0x0], $0xffff;
	[tilespmem:s5+$0x30] =	vst v27;
	v27 =	vor.u32 v14, v18  }
0x170: {  	s22 =	sand.u32 $0x200, s4;
	v44 =	vor.u32 v1, v35;
	[tilespmem:s2+$0x0] =	vst v40;
	v40 =	vld.idx.msk [tilespmem:v43+s11+$0x0], $0xffff  }
0x171: {  	s18 =	sadd.s32 $0xFFFFFF80, s13;
	s4 =	sor.u32 s22, s19;
	v43 =	vor.u32 v63, v33;
	v41 =	vld.idx.msk [tilespmem:v41+s3+$0x0], $0xffff;
	[tilespmem:s8+$0x30] =	vst v26  }
0x172: {  	v23 =	vor.u32 v7, v23;
	s18 =	sand.u32 $0x300, s18;
	[tilespmem:s4+$0x0] =	vst v36;
	v26 =	vld.idx.msk [tilespmem:v32+s3+$0x0], $0xffff  }
0x173: {  	s19 =	sor.u32 s18, s19;
	v32 =	vor.u32 v63, v42;
	v36 =	vld.idx.msk [tilespmem:v37+s11+$0x0], $0xffff;
	[tilespmem:s25+$0x30] =	vst v24  }
0x174: {  	[tilespmem:s19+$0x0] =	vst v34;
	v24 =	vld.idx.msk [tilespmem:v27+s11+$0x0], $0xffff  }
0x175: {  	[tilespmem:s15+$0x10] =	vst v31;
	v27 =	vld.idx.msk [tilespmem:v44+s3+$0x0], $0xffff;
	v31 =	vor.u32 v6, v30  }
0x176: {  	v34 =	vor.u32 v63, v38;
	v37 =	vld.idx.msk [tilespmem:v43+s3+$0x0], $0xffff;
	v43 =	vor.u32 v14, v19  }
0x177: {  	v44 =	vor.u32 v63, v35;
	[tilespmem:s2+$0x10] =	vst v41;
	v41 =	vld.idx.msk [tilespmem:v23+s3+$0x0], $0xffff  }
0x178: {  	v33 =	vor.u32 v2, v33;
	v40 =	vshll.u32 v40, $0x7;
	v32 =	vld.idx.msk [tilespmem:v32+s3+$0x0], $0xffff;
	[tilespmem:s7+$0x50] =	vst v26  }
0x179: {  	v26 =	vld.idx.msk [tilespmem:v39+s3+$0x0], $0xffff;
	v39 =	vor.u32 v4, v40  }
0x17a: {  	v42 =	vor.u32 v2, v42;
	v23 =	vshll.u32 v24, $0x7;
	v24 =	vld.idx.msk [tilespmem:v31+s3+$0x0], $0xffff  }
0x17b: {  	[tilespmem:s19+$0x10] =	vst v27;
	v27 =	vld.idx.msk [tilespmem:v43+s11+$0x0], $0xffff  }
0x17c: {  	v30 =	vor.u32 v7, v30;
	[tilespmem:s15+$0x20] =	vst v37;
	v31 =	vld.idx.msk [tilespmem:v44+s3+$0x0], $0xffff  }
0x17d: {  	v37 =	vor.u32 v2, v38;
	v38 =	vor.u32 v17, v11;
	v11 =	vmov v19;
	v33 =	vld.idx.msk [tilespmem:v33+s3+$0x0], $0xffff;
	[tilespmem:s23+$0x30] =	vst v41  }
0x17e: {  	v35 =	vor.u32 v2, v35;
	v19 =	vmov v29;
	[tilespmem:s2+$0x20] =	vst v32;
	v32 =	vld.idx.msk [tilespmem:v39+s3+$0x0], $0xffff  }
0x17f: {  	[tilespmem:s4+$0x10] =	vst v26;
	v26 =	vor.u32 v12, v25;
	v29 =	vld.idx.msk [tilespmem:v42+s3+$0x0], $0xffff  }
0x180: {  	v39 =	vor.u32 v5, v40;
	v34 =	vld.idx.msk [tilespmem:v34+s3+$0x0], $0xffff;
	[tilespmem:s7+$0x60] =	vst v24  }
0x181: {  	v24 =	vor.u32 v12, v19;
	v30 =	vld.idx.msk [tilespmem:v30+s3+$0x0], $0xffff  }
0x182: {  	[tilespmem:s19+$0x20] =	vst v31;
	v31 =	vshll.u32 v36, $0x7;
	v36 =	vld.idx.msk [tilespmem:v38+s11+$0x0], $0xffff  }
0x183: {  	v27 =	vshll.u32 v27, $0x7;
	[tilespmem:s15+$0x30] =	vst v33;
	v33 =	vld.idx.msk [tilespmem:v35+s3+$0x0], $0xffff;
	v35 =	vor.u32 v4, v31  }
0x184: {  	v38 =	vor.u32 v12, v21;
	v26 =	vld.idx.msk [tilespmem:v26+s11+$0x0], $0xffff;
	[tilespmem:s14+$0x40] =	vst v32;
	v32 =	vor.u32 v4, v27  }
0x185: {  	v41 =	vor.u32 v12, v28;
	[tilespmem:s2+$0x30] =	vst v29;
	v29 =	vld.idx.msk [tilespmem:v39+s3+$0x0], $0xffff  }
0x186: {  	[tilespmem:s4+$0x20] =	vst v34;
	v24 =	vld.idx.msk [tilespmem:v24+s11+$0x0], $0xffff;
	v34 =	vor.u32 v17, v10;
	v10 =	vmov v20;
	v20 =	vmov v28  }
0x187: {  	v39 =	vor.u32 v6, v40;
	v37 =	vld.idx.msk [tilespmem:v37+s3+$0x0], $0xffff;
	[tilespmem:s7+$0x70] =	vst v30  }
0x188: {  	v30 =	vor.u32 v4, v23;
	v28 =	vshll.u32 v36, $0x7;
	v35 =	vld.idx.msk [tilespmem:v35+s3+$0x0], $0xffff  }
0x189: {  	[tilespmem:s19+$0x30] =	vst v33;
	v32 =	vld.idx.msk [tilespmem:v32+s3+$0x0], $0xffff  }
0x18a: {  	v36 =	vor.u32 v5, v31;
	v26 =	vshll.u32 v26, $0x7;
	v33 =	vld.idx.msk [tilespmem:v41+s11+$0x0], $0xffff  }
0x18b: {  	v41 =	vor.u32 v4, v26;
	[tilespmem:s14+$0x50] =	vst v29;
	v29 =	vld.idx.msk [tilespmem:v34+s11+$0x0], $0xffff  }
0x18c: {  	v24 =	vshll.u32 v24, $0x7;
	v34 =	vld.idx.msk [tilespmem:v39+s3+$0x0], $0xffff;
	v39 =	vor.u32 v5, v27  }
0x18d: {  	[tilespmem:s4+$0x30] =	vst v37;
	v37 =	vor.u32 v4, v24;
	v30 =	vld.idx.msk [tilespmem:v30+s3+$0x0], $0xffff  }
0x18e: {  	v40 =	vor.u32 v7, v40;
	v38 =	vld.idx.msk [tilespmem:v38+s11+$0x0], $0xffff;
	[tilespmem:s10+$0x40] =	vst v35  }
0x18f: {  	v35 =	vor.u32 v5, v23;
	v36 =	vld.idx.msk [tilespmem:v36+s3+$0x0], $0xffff;
	[tilespmem:s8+$0x40] =	vst v32  }
0x190: {  	v33 =	vshll.u32 v33, $0x7;
	v32 =	vld.idx.msk [tilespmem:v41+s3+$0x0], $0xffff;
	v41 =	vor.u32 v4, v28  }
0x191: {  	v42 =	vor.u32 v4, v33;
	v29 =	vshll.u32 v29, $0x7;
	v39 =	vld.idx.msk [tilespmem:v39+s3+$0x0], $0xffff  }
0x192: {  	v43 =	vor.u32 v5, v26;
	v37 =	vld.idx.msk [tilespmem:v37+s3+$0x0], $0xffff;
	[tilespmem:s14+$0x60] =	vst v34  }
0x193: {  	v34 =	vld.idx.msk [tilespmem:v40+s3+$0x0], $0xffff;
	[tilespmem:s5+$0x40] =	vst v30;
	v30 =	vor.u32 v6, v31;
	v40 =	vor.u32 v6, v27  }
0x194: {  	v44 =	vor.u32 v5, v24;
	v38 =	vshll.u32 v38, $0x7;
	v35 =	vld.idx.msk [tilespmem:v35+s3+$0x0], $0xffff  }
0x195: {  	v45 =	vor.u32 v4, v38;
	[tilespmem:s10+$0x50] =	vst v36;
	v36 =	vld.idx.msk [tilespmem:v41+s3+$0x0], $0xffff  }
0x196: {  	v41 =	vor.u32 v6, v23;
	[tilespmem:s15+$0x40] =	vst v32;
	v32 =	vld.idx.msk [tilespmem:v42+s3+$0x0], $0xffff  }
0x197: {  	v42 =	vld.idx.msk [tilespmem:v43+s3+$0x0], $0xffff;
	[tilespmem:s8+$0x50] =	vst v39  }
0x198: {  	v22 =	vor.u32 v7, v22;
	v39 =	vor.u32 v5, v33;
	[tilespmem:s2+$0x40] =	vst v37;
	v30 =	vld.idx.msk [tilespmem:v30+s3+$0x0], $0xffff  }
0x199: {  	v37 =	vor.u32 v6, v26;
	[tilespmem:s14+$0x70] =	vst v34;
	v34 =	vld.idx.msk [tilespmem:v40+s3+$0x0], $0xffff  }
0x19a: {  	v43 =	vor.u32 v16, v15;
	v40 =	vld.idx.msk [tilespmem:v45+s3+$0x0], $0xffff;
	[tilespmem:s5+$0x50] =	vst v35  }
0x19b: {  	v31 =	vor.u32 v7, v31;
	v35 =	vor.u32 v6, v24;
	v41 =	vld.idx.msk [tilespmem:v41+s3+$0x0], $0xffff;
	[tilespmem:s25+$0x40] =	vst v36  }
0x19c: {  	v36 =	vor.u32 v5, v38;
	[tilespmem:s19+$0x40] =	vst v32;
	v32 =	vld.idx.msk [tilespmem:v44+s3+$0x0], $0xffff  }
0x19d: {  	v27 =	vor.u32 v7, v27;
	[tilespmem:s15+$0x50] =	vst v42;
	v22 =	vld.idx.msk [tilespmem:v22+s3+$0x0], $0xffff  }
0x19e: {  	v39 =	vld.idx.msk [tilespmem:v39+s3+$0x0], $0xffff;
	[tilespmem:s10+$0x60] =	vst v30  }
0x19f: {  	v30 =	vor.u32 v6, v33;
	v42 =	vld.idx.msk [tilespmem:v43+s11+$0x0], $0xffff;
	[tilespmem:s8+$0x60] =	vst v34  }
0x1a0: {  	v26 =	vor.u32 v7, v26;
	[tilespmem:s4+$0x40] =	vst v40;
	v31 =	vld.idx.msk [tilespmem:v31+s3+$0x0], $0xffff  }
0x1a1: {  	v34 =	vld.idx.msk [tilespmem:v36+s3+$0x0], $0xffff;
	[tilespmem:s5+$0x60] =	vst v41;
	v36 =	vor.u32 v4, v29  }
0x1a2: {  	v24 =	vor.u32 v7, v24;
	[tilespmem:s2+$0x50] =	vst v32;
	v32 =	vor.u32 v16, v10;
	v27 =	vld.idx.msk [tilespmem:v27+s3+$0x0], $0xffff  }
0x1a3: {  	v40 =	vor.u32 v6, v38;
	v35 =	vld.idx.msk [tilespmem:v35+s3+$0x0], $0xffff;
	[tilespmem:s24+$0x30] =	vst v22  }
0x1a4: {  	v22 =	vld.idx.msk [tilespmem:v37+s3+$0x0], $0xffff;
	[tilespmem:s19+$0x50] =	vst v39;
	v37 =	vor.u32 v17, v9;
	v9 =	vmov v18;
	v18 =	vmov v25  }
0x1a5: {  	v25 =	vld.idx.msk [tilespmem:v30+s3+$0x0], $0xffff;
	v30 =	vor.u32 v16, v11  }
0x1a6: {  	v33 =	vor.u32 v7, v33;
	[tilespmem:s10+$0x70] =	vst v31;
	v31 =	vld.idx.msk [tilespmem:v36+s3+$0x0], $0xffff  }
0x1a7: {  	[tilespmem:s4+$0x50] =	vst v34;
	v32 =	vld.idx.msk [tilespmem:v32+s11+$0x0], $0xffff  }
0x1a8: {  	v36 =	vshll.u32 v42, $0x7;
	v34 =	vld.idx.msk [tilespmem:v40+s3+$0x0], $0xffff;
	[tilespmem:s8+$0x70] =	vst v27  }
0x1a9: {  	v27 =	vor.u32 v4, v36;
	[tilespmem:s2+$0x60] =	vst v35;
	v35 =	vld.idx.msk [tilespmem:v37+s11+$0x0], $0xffff  }
0x1aa: {  	v37 =	vor.u32 v7, v38;
	[tilespmem:s15+$0x60] =	vst v22;
	v22 =	vld.idx.msk [tilespmem:v30+s11+$0x0], $0xffff  }
0x1ab: {  	v30 =	vor.u32 v5, v28;
	[tilespmem:s19+$0x60] =	vst v25;
	v25 =	vld.idx.msk [tilespmem:v24+s3+$0x0], $0xffff  }
0x1ac: {  	v33 =	vld.idx.msk [tilespmem:v33+s3+$0x0], $0xffff;
	[tilespmem:s23+$0x40] =	vst v31;
	v31 =	vor.u32 v5, v29  }
0x1ad: {  	v23 =	vor.u32 v7, v23;
	v26 =	vld.idx.msk [tilespmem:v26+s3+$0x0], $0xffff  }
0x1ae: {  	[tilespmem:s4+$0x60] =	vst v34;
	v34 =	vor.u32 v13, v20;
	v27 =	vld.idx.msk [tilespmem:v27+s3+$0x0], $0xffff  }
0x1af: {  	v38 =	vor.u32 v13, v19;
	v42 =	vshll.u32 v35, $0x7;
	v37 =	vld.idx.msk [tilespmem:v37+s3+$0x0], $0xffff  }
0x1b0: {  	v35 =	vor.u32 v5, v36;
	v24 =	vshll.u32 v22, $0x7;
	v22 =	vor.u32 v4, v42;
	v30 =	vld.idx.msk [tilespmem:v30+s3+$0x0], $0xffff  }
0x1b1: {  	v31 =	vld.idx.msk [tilespmem:v31+s3+$0x0], $0xffff  }
0x1b2: {  	v39 =	vor.u32 v13, v18;
	[tilespmem:s19+$0x70] =	vst v33;
	s19 =	sadd.s32 $0x1A400, s28;
	v33 =	vld.idx.msk [tilespmem:v23+s3+$0x0], $0xffff;
	s28 =	smov.u32 s17  }
0x1b3: {  	v40 =	vor.u32 v13, v21;
	v34 =	vld.idx.msk [tilespmem:v34+s11+$0x0], $0xffff;
	[tilespmem:s2+$0x70] =	vst v25;
	s7 =	sor.u32 s0, s19;
	s0 =	smov.u32 s22  }
0x1b4: {  	v25 =	vld.idx.msk [tilespmem:v38+s11+$0x0], $0xffff;
	[tilespmem:s7+$0x0] =	vst v27;
	v27 =	vor.u32 v16, v9  }
0x1b5: {  	v23 =	vshll.u32 v32, $0x7;
	v32 =	vor.u32 v4, v24;
	[tilespmem:s4+$0x70] =	vst v37;
	v35 =	vld.idx.msk [tilespmem:v35+s3+$0x0], $0xffff  }
0x1b6: {  	v37 =	vor.u32 v4, v23;
	[tilespmem:s15+$0x70] =	vst v26;
	v22 =	vld.idx.msk [tilespmem:v22+s3+$0x0], $0xffff  }
0x1b7: {  	v41 =	vor.u32 v5, v42;
	v38 =	vld.idx.msk [tilespmem:v39+s11+$0x0], $0xffff;
	v39 =	vor.u32 v6, v36;
	[tilespmem:s25+$0x50] =	vst v30  }
0x1b8: {  	v40 =	vld.idx.msk [tilespmem:v40+s11+$0x0], $0xffff;
	[tilespmem:s5+$0x70] =	vst v33;
	s5 =	smov.u32 s31  }
0x1b9: {  	v30 =	vshll.u32 v34, $0x7;
	v33 =	vor.u32 v6, v28;
	v34 =	vld.idx.msk [tilespmem:v27+s11+$0x0], $0xffff;
	[tilespmem:s23+$0x50] =	vst v31  }
0x1ba: {  	v43 =	vor.u32 v4, v30;
	v31 =	vor.u32 v6, v30;
	v26 =	vshll.u32 v25, $0x7;
	v25 =	vld.idx.msk [tilespmem:v32+s3+$0x0], $0xffff  }
0x1bb: {  	v44 =	vor.u32 v4, v26;
	[tilespmem:s7+$0x10] =	vst v35;
	v35 =	vld.idx.msk [tilespmem:v37+s3+$0x0], $0xffff  }
0x1bc: {  	v37 =	vld.idx.msk [tilespmem:v39+s3+$0x0], $0xffff;
	[tilespmem:s24+$0x40] =	vst v22;
	v39 =	vor.u32 v6, v29  }
0x1bd: {  	v27 =	vshll.u32 v38, $0x7;
	v38 =	vor.u32 v5, v23;
	v45 =	vld.idx.msk [tilespmem:v41+s3+$0x0], $0xffff  }
0x1be: {  	v46 =	vor.u32 v6, v42;
	v41 =	vor.u32 v4, v27;
	v47 =	vld.idx.msk [tilespmem:v33+s3+$0x0], $0xffff  }
0x1bf: {  	s8 =	sor.u32 s26, s19;
	s26 =	smov.u32 s16;
	v32 =	vshll.u32 v40, $0x7;
	v43 =	vld.idx.msk [tilespmem:v43+s3+$0x0], $0xffff  }
0x1c0: {  	s16 =	sor.u32 s29, s19;
	s29 =	smov.u32 s18;
	v48 =	vor.u32 v4, v32;
	v33 =	vld.idx.msk [tilespmem:v44+s3+$0x0], $0xffff;
	[tilespmem:s8+$0x0] =	vst v25;
	v25 =	vor.u32 v7, v28  }
0x1c1: {  	v40 =	vor.u32 v5, v30;
	v22 =	vshll.u32 v34, $0x7;
	[tilespmem:s16+$0x0] =	vst v35;
	v44 =	vld.idx.msk [tilespmem:v39+s3+$0x0], $0xffff  }
0x1c2: {  	v34 =	vor.u32 v4, v22;
	[tilespmem:s7+$0x20] =	vst v37;
	v37 =	vld.idx.msk [tilespmem:v38+s3+$0x0], $0xffff  }
.Ltmp0:
0x1c3: {  	v39 =	vld.idx.msk [tilespmem:v41+s3+$0x0], $0xffff;
	v41 =	vor.u32 v7, v36;
	[tilespmem:s24+$0x50] =	vst v45;
	(pc) =	sbr.rel @p1 .LBB2_3-.Ltmp0, $4  }
0x1c4: {  	s10 =	sor.u32 s29, s6;
	v35 =	vld.idx.msk [tilespmem:v46+s3+$0x0], $0xffff;
	[tilespmem:s25+$0x60] =	vst v47  }
0x1c5: {  	v38 =	vor.u32 v6, v23;
	v36 =	vor.u32 v7, v42;
	[tilespmem:s10+$0x0] =	vst v43;
	v25 =	vld.idx.msk [tilespmem:v25+s3+$0x0], $0xffff  }
0x1c6: {  	v28 =	vor.u32 v7, v29;
	v43 =	vld.idx.msk [tilespmem:v48+s3+$0x0], $0xffff  }
0x1c7: {  	s13 =	sadd.s32 $0x200, s13;
	v42 =	vor.u32 v5, v32;
	v34 =	vld.idx.msk [tilespmem:v34+s3+$0x0], $0xffff;
	[tilespmem:s23+$0x60] =	vst v44  }
0x1c8: {  	_ =	sdelay $0x1  }
0x1c9: {  	s12 =	sor.u32 s0, s6  }
0x1ca: {  	[tilespmem:s12+$0x0] =	vst v43  }
0x1cb: {  	v8 =	vld.idx.msk [tilespmem:v42+s3+$0x0], $0xffff  }
0x1cc: {  	v12 =	vor.u32 v6, v32;
	_ =	sdelay $0x3  }
0x1cd: {  	[tilespmem:s12+$0x10] =	vst v8  }
0x1ce: {  	v8 =	vld.idx.msk [tilespmem:v12+s3+$0x0], $0xffff  }
0x1cf: {  	v12 =	vor.u32 v7, v32  }
0x1d0: {  	v13 =	vld.idx.msk [tilespmem:v40+s3+$0x0], $0xffff;
	v29 =	vor.u32 v5, v26;
	_ =	sdelay $0x2  }
0x1d1: {  	v52 =	vor.u32 v5, v27;
	s4 =	sor.u32 s26, s6;
	[tilespmem:s12+$0x20] =	vst v8  }
0x1d2: {  	[tilespmem:s4+$0x0] =	vst v33;
	v8 =	vld.idx.msk [tilespmem:v12+s3+$0x0], $0xffff  }
0x1d3: {  	[tilespmem:s10+$0x10] =	vst v13;
	v13 =	vor.u32 v14, v21;
	v12 =	vld.idx.msk [tilespmem:v29+s3+$0x0], $0xffff  }
0x1d4: {  	v31 =	vld.idx.msk [tilespmem:v31+s3+$0x0], $0xffff;
	v29 =	vor.u32 v6, v26  }
0x1d5: {  	v53 =	vld.idx.msk [tilespmem:v41+s3+$0x0], $0xffff;
	[tilespmem:s5+$0x0] =	vst v39;
	v30 =	vor.u32 v7, v30  }
0x1d6: {  	v15 =	vor.u32 v17, v15;
	v32 =	vld.idx.msk [tilespmem:v52+s3+$0x0], $0xffff  }
0x1d7: {  	v54 =	vor.u32 v6, v27;
	[tilespmem:s12+$0x30] =	vst v8  }
0x1d8: {  	[tilespmem:s4+$0x10] =	vst v12;
	v8 =	vld.idx.msk [tilespmem:v13+s11+$0x0], $0xffff  }
0x1d9: {  	[tilespmem:s10+$0x20] =	vst v31;
	v12 =	vor.u32 v5, v24;
	v13 =	vld.idx.msk [tilespmem:v29+s3+$0x0], $0xffff  }
0x1da: {  	[tilespmem:s7+$0x30] =	vst v53;
	v26 =	vor.u32 v7, v26;
	v29 =	vld.idx.msk [tilespmem:v30+s3+$0x0], $0xffff  }
0x1db: {  	v15 =	vld.idx.msk [tilespmem:v15+s11+$0x0], $0xffff;
	[tilespmem:s5+$0x10] =	vst v32;
	v30 =	vor.u32 v14, v20  }
0x1dc: {  	v31 =	vld.idx.msk [tilespmem:v54+s3+$0x0], $0xffff  }
0x1dd: {  	v27 =	vor.u32 v7, v27;
	v8 =	vshll.u32 v8, $0x7  }
0x1de: {  	v12 =	vld.idx.msk [tilespmem:v12+s3+$0x0], $0xffff;
	[tilespmem:s4+$0x20] =	vst v13;
	v13 =	vor.u32 v4, v8  }
0x1df: {  	[tilespmem:s10+$0x30] =	vst v29;
	v26 =	vld.idx.msk [tilespmem:v26+s3+$0x0], $0xffff  }
0x1e0: {  	v29 =	vld.idx.msk [tilespmem:v30+s11+$0x0], $0xffff;
	v30 =	vor.u32 v14, v19  }
0x1e1: {  	v55 =	vor.u32 v5, v22;
	v15 =	vshll.u32 v15, $0x7;
	[tilespmem:s5+$0x20] =	vst v31  }
0x1e2: {  	[tilespmem:s16+$0x10] =	vst v37;
	s2 =	sor.u32 s21, s19;
	v31 =	vor.u32 v4, v15;
	v27 =	vld.idx.msk [tilespmem:v27+s3+$0x0], $0xffff  }
0x1e3: {  	[tilespmem:s2+$0x0] =	vst v34;
	v14 =	vor.u32 v14, v18;
	v13 =	vld.idx.msk [tilespmem:v13+s3+$0x0], $0xffff  }
0x1e4: {  	v56 =	vld.idx.msk [tilespmem:v38+s3+$0x0], $0xffff;
	[tilespmem:s4+$0x30] =	vst v26;
	v26 =	vor.u32 v5, v8  }
0x1e5: {  	v23 =	vor.u32 v7, v23;
	[tilespmem:s8+$0x10] =	vst v12;
	v29 =	vshll.u32 v29, $0x7;
	v12 =	vld.idx.msk [tilespmem:v30+s11+$0x0], $0xffff  }
0x1e6: {  	v32 =	vld.idx.msk [tilespmem:v55+s3+$0x0], $0xffff;
	v58 =	vor.u32 v4, v29  }
0x1e7: {  	v57 =	vor.u32 v6, v24;
	v31 =	vld.idx.msk [tilespmem:v31+s3+$0x0], $0xffff;
	[tilespmem:s5+$0x30] =	vst v27  }
0x1e8: {  	v59 =	vor.u32 v6, v22;
	v14 =	vld.idx.msk [tilespmem:v14+s11+$0x0], $0xffff;
	[tilespmem:s12+$0x40] =	vst v13  }
0x1e9: {  	[tilespmem:s16+$0x20] =	vst v56;
	v27 =	vor.u32 v5, v15;
	v13 =	vor.u32 v7, v24;
	v24 =	vld.idx.msk [tilespmem:v26+s3+$0x0], $0xffff  }
0x1ea: {  	v23 =	vld.idx.msk [tilespmem:v23+s3+$0x0], $0xffff;
	v60 =	vor.u32 v6, v8;
	v12 =	vshll.u32 v12, $0x7  }
0x1eb: {  	[tilespmem:s2+$0x10] =	vst v32;
	v34 =	vld.idx.msk [tilespmem:v58+s3+$0x0], $0xffff;
	v61 =	vor.u32 v4, v12  }
0x1ec: {  	[tilespmem:s7+$0x40] =	vst v31;
	v30 =	vld.idx.msk [tilespmem:v57+s3+$0x0], $0xffff;
	v31 =	vor.u32 v5, v29  }
0x1ed: {  	[tilespmem:s24+$0x60] =	vst v35;
	v62 =	vld.idx.msk [tilespmem:v59+s3+$0x0], $0xffff  }
0x1ee: {  	v10 =	vor.u32 v17, v10;
	v27 =	vld.idx.msk [tilespmem:v27+s3+$0x0], $0xffff;
	v14 =	vshll.u32 v14, $0x7;
	[tilespmem:s12+$0x50] =	vst v24  }
0x1ef: {  	[tilespmem:s16+$0x30] =	vst v23;
	v24 =	vor.u32 v4, v14;
	v35 =	vld.idx.msk [tilespmem:v60+s3+$0x0], $0xffff  }
0x1f0: {  	v8 =	vor.u32 v7, v8;
	[tilespmem:s10+$0x40] =	vst v34;
	v32 =	vld.idx.msk [tilespmem:v61+s3+$0x0], $0xffff  }
0x1f1: {  	[tilespmem:s8+$0x20] =	vst v30;
	v40 =	vor.u32 v5, v12;
	v31 =	vld.idx.msk [tilespmem:v31+s3+$0x0], $0xffff  }
0x1f2: {  	v22 =	vor.u32 v7, v22;
	[tilespmem:s2+$0x20] =	vst v62;
	v13 =	vld.idx.msk [tilespmem:v13+s3+$0x0], $0xffff  }
0x1f3: {  	v10 =	vld.idx.msk [tilespmem:v10+s11+$0x0], $0xffff;
	[tilespmem:s7+$0x50] =	vst v27;
	v27 =	vor.u32 v6, v29  }
0x1f4: {  	v11 =	vor.u32 v17, v11;
	v24 =	vld.idx.msk [tilespmem:v24+s3+$0x0], $0xffff;
	[tilespmem:s12+$0x60] =	vst v35  }
0x1f5: {  	v41 =	vor.u32 v5, v14;
	[tilespmem:s4+$0x40] =	vst v32;
	v8 =	vld.idx.msk [tilespmem:v8+s3+$0x0], $0xffff  }
0x1f6: {  	[tilespmem:s10+$0x50] =	vst v31;
	v31 =	vor.u32 v16, v21;
	v32 =	vld.idx.msk [tilespmem:v40+s3+$0x0], $0xffff  }
0x1f7: {  	v22 =	vld.idx.msk [tilespmem:v22+s3+$0x0], $0xffff;
	[tilespmem:s8+$0x30] =	vst v13;
	v13 =	vor.u32 v6, v12  }
0x1f8: {  	v27 =	vld.idx.msk [tilespmem:v27+s3+$0x0], $0xffff  }
0x1f9: {  	v29 =	vor.u32 v7, v29;
	v11 =	vld.idx.msk [tilespmem:v11+s11+$0x0], $0xffff;
	[tilespmem:s5+$0x40] =	vst v24  }
0x1fa: {  	v24 =	vld.idx.msk [tilespmem:v41+s3+$0x0], $0xffff;
	[tilespmem:s12+$0x70] =	vst v8;
	v8 =	vor.u32 v17, v9  }
0x1fb: {  	v30 =	vor.u32 v6, v15;
	[tilespmem:s4+$0x50] =	vst v32;
	v9 =	vld.idx.msk [tilespmem:v31+s11+$0x0], $0xffff  }
0x1fc: {  	[tilespmem:s2+$0x30] =	vst v22;
	v31 =	vor.u32 v6, v14;
	v13 =	vld.idx.msk [tilespmem:v13+s3+$0x0], $0xffff  }
0x1fd: {  	v22 =	vld.idx.msk [tilespmem:v28+s3+$0x0], $0xffff;
	v12 =	vor.u32 v7, v12;
	[tilespmem:s10+$0x60] =	vst v27  }
0x1fe: {  	v23 =	vld.idx.msk [tilespmem:v29+s3+$0x0], $0xffff  }
0x1ff: {  	v11 =	vshll.u32 v11, $0x7;
	v27 =	vor.u32 v16, v20;
	v8 =	vld.idx.msk [tilespmem:v8+s11+$0x0], $0xffff  }
0x200: {  	v30 =	vld.idx.msk [tilespmem:v30+s3+$0x0], $0xffff;
	v28 =	vor.u32 v4, v11;
	[tilespmem:s5+$0x50] =	vst v24;
	v9 =	vshll.u32 v9, $0x7  }
0x201: {  	v24 =	vld.idx.msk [tilespmem:v31+s3+$0x0], $0xffff;
	[tilespmem:s4+$0x60] =	vst v13;
	v13 =	vor.u32 v4, v9  }
0x202: {  	v10 =	vshll.u32 v10, $0x7;
	v14 =	vor.u32 v7, v14;
	v12 =	vld.idx.msk [tilespmem:v12+s3+$0x0], $0xffff  }
0x203: {  	v26 =	vld.idx.msk [tilespmem:v36+s3+$0x0], $0xffff;
	v29 =	vor.u32 v4, v10;
	[tilespmem:s10+$0x70] =	vst v23  }
0x204: {  	v23 =	vor.u32 v16, v19;
	v27 =	vld.idx.msk [tilespmem:v27+s11+$0x0], $0xffff;
	v8 =	vshll.u32 v8, $0x7  }
0x205: {  	[tilespmem:s7+$0x60] =	vst v30;
	v28 =	vld.idx.msk [tilespmem:v28+s3+$0x0], $0xffff;
	v30 =	vor.u32 v4, v8  }
0x206: {  	[tilespmem:s5+$0x60] =	vst v24;
	v24 =	vor.u32 v5, v11;
	v13 =	vld.idx.msk [tilespmem:v13+s3+$0x0], $0xffff  }
0x207: {  	[tilespmem:s4+$0x70] =	vst v12;
	v12 =	vor.u32 v5, v9;
	v14 =	vld.idx.msk [tilespmem:v14+s3+$0x0], $0xffff  }
0x208: {  	v15 =	vor.u32 v7, v15;
	[tilespmem:s24+$0x70] =	vst v26;
	v26 =	vld.idx.msk [tilespmem:v29+s3+$0x0], $0xffff  }
0x209: {  	s22 =	sadd.s32 $0x1A400, s28;
	[tilespmem:s25+$0x70] =	vst v25;
	v16 =	vor.u32 v16, v18;
	v25 =	vshll.u32 v27, $0x7;
	v23 =	vld.idx.msk [tilespmem:v23+s11+$0x0], $0xffff  }
0x20a: {  	s24 =	sor.u32 s0, s22;
	[tilespmem:s8+$0x40] =	vst v28;
	v27 =	vor.u32 v4, v25;
	v29 =	vld.idx.msk [tilespmem:v30+s3+$0x0], $0xffff  }
0x20b: {  	v24 =	vld.idx.msk [tilespmem:v24+s3+$0x0], $0xffff;
	[tilespmem:s24+$0x0] =	vst v13;
	v13 =	vor.u32 v5, v8  }
0x20c: {  	[tilespmem:s5+$0x70] =	vst v14;
	v14 =	vor.u32 v6, v11;
	v12 =	vld.idx.msk [tilespmem:v12+s3+$0x0], $0xffff  }
0x20d: {  	[tilespmem:s23+$0x70] =	vst v22;
	v15 =	vld.idx.msk [tilespmem:v15+s3+$0x0], $0xffff  }
0x20e: {  	[tilespmem:s16+$0x40] =	vst v26;
	v22 =	vshll.u32 v23, $0x7;
	v23 =	vor.u32 v6, v9;
	v16 =	vld.idx.msk [tilespmem:v16+s11+$0x0], $0xffff  }
0x20f: {  	v27 =	vld.idx.msk [tilespmem:v27+s3+$0x0], $0xffff;
	v26 =	vor.u32 v4, v22;
	[tilespmem:s2+$0x40] =	vst v29  }
0x210: {  	v29 =	vor.u32 v5, v25;
	[tilespmem:s8+$0x50] =	vst v24;
	v13 =	vld.idx.msk [tilespmem:v13+s3+$0x0], $0xffff  }
0x211: {  	v14 =	vld.idx.msk [tilespmem:v14+s3+$0x0], $0xffff;
	[tilespmem:s24+$0x10] =	vst v12;
	v12 =	vor.u32 v6, v8  }
0x212: {  	v11 =	vor.u32 v7, v11  }
0x213: {  	s25 =	sor.u32 s29, s22;
	[tilespmem:s7+$0x70] =	vst v15;
	v15 =	vld.idx.msk [tilespmem:v23+s3+$0x0], $0xffff  }
0x214: {  	[tilespmem:s25+$0x0] =	vst v27;
	v23 =	vld.idx.msk [tilespmem:v26+s3+$0x0], $0xffff  }
0x215: {  	v16 =	vshll.u32 v16, $0x7;
	v27 =	vld.idx.msk [tilespmem:v29+s3+$0x0], $0xffff;
	[tilespmem:s2+$0x50] =	vst v13  }
0x216: {  	v26 =	vor.u32 v4, v16;
	[tilespmem:s8+$0x60] =	vst v14;
	v12 =	vld.idx.msk [tilespmem:v12+s3+$0x0], $0xffff  }
0x217: {  	v13 =	vor.u32 v6, v25;
	v11 =	vld.idx.msk [tilespmem:v11+s3+$0x0], $0xffff;
	_ =	sdelay $0x2  }
0x218: {  	v28 =	vor.u32 v5, v10;
	[tilespmem:s25+$0x10] =	vst v27  }
0x219: {  	v14 =	vld.idx.msk [tilespmem:v26+s3+$0x0], $0xffff;
	[tilespmem:s2+$0x60] =	vst v12;
	v12 =	vor.u32 v5, v22  }
0x21a: {  	v13 =	vld.idx.msk [tilespmem:v13+s3+$0x0], $0xffff;
	[tilespmem:s8+$0x70] =	vst v11;
	v11 =	vor.u32 v5, v16;
	_ =	sdelay $0x1  }
0x21b: {  	s26 =	sor.u32 s26, s22  }
0x21c: {  	s1 =	sor.u32 s1, s22;
	v28 =	vld.idx.msk [tilespmem:v28+s3+$0x0], $0xffff;
	v9 =	vor.u32 v7, v9;
	[tilespmem:s26+$0x0] =	vst v23  }
0x21d: {  	v24 =	vor.u32 v6, v10;
	[tilespmem:s1+$0x0] =	vst v14;
	v12 =	vld.idx.msk [tilespmem:v12+s3+$0x0], $0xffff  }
0x21e: {  	[tilespmem:s25+$0x20] =	vst v13;
	v13 =	vor.u32 v6, v22;
	v11 =	vld.idx.msk [tilespmem:v11+s3+$0x0], $0xffff  }
0x21f: {  	v14 =	vor.u32 v6, v16  }
0x220: {  	[tilespmem:s24+$0x20] =	vst v15  }
0x221: {  	[tilespmem:s16+$0x50] =	vst v28;
	v9 =	vld.idx.msk [tilespmem:v9+s3+$0x0], $0xffff  }
0x222: {  	v24 =	vld.idx.msk [tilespmem:v24+s3+$0x0], $0xffff;
	v15 =	vor.u32 v17, v21;
	[tilespmem:s26+$0x10] =	vst v12  }
0x223: {  	v10 =	vor.u32 v7, v10;
	[tilespmem:s1+$0x10] =	vst v11;
	v11 =	vld.idx.msk [tilespmem:v13+s3+$0x0], $0xffff  }
0x224: {  	v8 =	vor.u32 v7, v8;
	v12 =	vld.idx.msk [tilespmem:v14+s3+$0x0], $0xffff  }
0x225: {  	v13 =	vor.u32 v7, v22  }
0x226: {  	[tilespmem:s24+$0x30] =	vst v9;
	v14 =	vor.u32 v7, v16  }
0x227: {  	[tilespmem:s16+$0x60] =	vst v24;
	v9 =	vld.idx.msk [tilespmem:v15+s11+$0x0], $0xffff;
	v15 =	vor.u32 v7, v25  }
0x228: {  	v10 =	vld.idx.msk [tilespmem:v10+s3+$0x0], $0xffff;
	[tilespmem:s26+$0x20] =	vst v11  }
0x229: {  	v8 =	vld.idx.msk [tilespmem:v8+s3+$0x0], $0xffff;
	[tilespmem:s1+$0x20] =	vst v12  }
0x22a: {  	v11 =	vld.idx.msk [tilespmem:v13+s3+$0x0], $0xffff  }
0x22b: {  	v12 =	vor.u32 v17, v19;
	v13 =	vld.idx.msk [tilespmem:v14+s3+$0x0], $0xffff  }
0x22c: {  	v14 =	vld.idx.msk [tilespmem:v15+s3+$0x0], $0xffff;
	v15 =	vor.u32 v17, v18  }
0x22d: {  	v16 =	vor.u32 v17, v20;
	_ =	sdelay $0x1  }
0x22e: {  	[tilespmem:s26+$0x30] =	vst v11  }
0x22f: {  	[tilespmem:s1+$0x30] =	vst v13;
	v11 =	vld.idx.msk [tilespmem:v12+s11+$0x0], $0xffff  }
0x230: {  	[tilespmem:s25+$0x30] =	vst v14;
	v12 =	vld.idx.msk [tilespmem:v15+s11+$0x0], $0xffff  }
0x231: {  	v13 =	vld.idx.msk [tilespmem:v16+s11+$0x0], $0xffff;
	_ =	sdelay $0x1  }
0x232: {  	v9 =	vshll.u32 v9, $0x7  }
0x233: {  	v14 =	vor.u32 v4, v9;
	v11 =	vshll.u32 v11, $0x7  }
0x234: {  	v12 =	vshll.u32 v12, $0x7;
	v15 =	vor.u32 v4, v11  }
0x235: {  	v13 =	vshll.u32 v13, $0x7;
	v16 =	vor.u32 v4, v12  }
0x236: {  	v17 =	vor.u32 v4, v13;
	_ =	sdelay $0x1  }
0x237: {  	v14 =	vld.idx.msk [tilespmem:v14+s3+$0x0], $0xffff  }
0x238: {  	v18 =	vor.u32 v5, v9;
	v15 =	vld.idx.msk [tilespmem:v15+s3+$0x0], $0xffff  }
0x239: {  	v19 =	vor.u32 v5, v11;
	v16 =	vld.idx.msk [tilespmem:v16+s3+$0x0], $0xffff  }
0x23a: {  	v20 =	vor.u32 v5, v12;
	v17 =	vld.idx.msk [tilespmem:v17+s3+$0x0], $0xffff  }
0x23b: {  	v21 =	vor.u32 v5, v13  }
0x23c: {  	[tilespmem:s24+$0x40] =	vst v14  }
0x23d: {  	v14 =	vld.idx.msk [tilespmem:v18+s3+$0x0], $0xffff;
	[tilespmem:s26+$0x40] =	vst v15  }
0x23e: {  	v15 =	vor.u32 v6, v9;
	[tilespmem:s1+$0x40] =	vst v16;
	v18 =	vld.idx.msk [tilespmem:v19+s3+$0x0], $0xffff  }
0x23f: {  	[tilespmem:s25+$0x40] =	vst v17;
	v16 =	vor.u32 v6, v11;
	v17 =	vld.idx.msk [tilespmem:v20+s3+$0x0], $0xffff  }
0x240: {  	v19 =	vld.idx.msk [tilespmem:v21+s3+$0x0], $0xffff;
	v20 =	vor.u32 v6, v12  }
0x241: {  	v21 =	vor.u32 v6, v13  }
0x242: {  	[tilespmem:s24+$0x50] =	vst v14  }
0x243: {  	v14 =	vld.idx.msk [tilespmem:v15+s3+$0x0], $0xffff;
	[tilespmem:s26+$0x50] =	vst v18  }
0x244: {  	v9 =	vor.u32 v7, v9;
	[tilespmem:s1+$0x50] =	vst v17;
	v15 =	vld.idx.msk [tilespmem:v16+s3+$0x0], $0xffff  }
0x245: {  	v11 =	vor.u32 v7, v11;
	[tilespmem:s25+$0x50] =	vst v19;
	v16 =	vld.idx.msk [tilespmem:v20+s3+$0x0], $0xffff  }
0x246: {  	v17 =	vld.idx.msk [tilespmem:v21+s3+$0x0], $0xffff  }
0x247: {  	v12 =	vor.u32 v7, v12  }
0x248: {  	v13 =	vor.u32 v7, v13;
	[tilespmem:s24+$0x60] =	vst v14  }
0x249: {  	v9 =	vld.idx.msk [tilespmem:v9+s3+$0x0], $0xffff;
	[tilespmem:s26+$0x60] =	vst v15  }
0x24a: {  	[tilespmem:s1+$0x60] =	vst v16;
	v11 =	vld.idx.msk [tilespmem:v11+s3+$0x0], $0xffff  }
0x24b: {  	[tilespmem:s25+$0x60] =	vst v17  }
0x24c: {  	v12 =	vld.idx.msk [tilespmem:v12+s3+$0x0], $0xffff;
	s7 =	rddreg [dreg:$0xb];
	[tilespmem:s2+$0x70] =	vst v8  }
0x24d: {  	s10 =	smul.u32 $0x300000, s9;
	v13 =	vld.idx.msk [tilespmem:v13+s3+$0x0], $0xffff;
	[tilespmem:s16+$0x70] =	vst v10;
	s6 =	sshrl.u32 s7, $0x3  }
0x24e: {  	s12 =	sadd.s32 $0xFFFFFFFC, s20;
	s8 =	smul.u32 $0xC00, s6;
	[tilespmem:s24+$0x70] =	vst v9  }
0x24f: {  	s22 =	sor.u32 $0x1, s30;
	s13 =	sadd.s32 $0x7, s12;
	[tilespmem:s26+$0x70] =	vst v11  }
0x250: {  	s14 =	sshll.u32 s22, $0x7;
	v9 =	vmov s13;
	s2 =	sadd.s32 s10, s8;
	[dreg:$0xa] =	wrdreg s8  }
0x251: {  	v3 =	vmov s14;
	s16 =	rddreg [dreg:$0x1];
	v16 =	vand.u32 $0x80, v9;
	s15 =	sshrl.u32 s2, $0x3;
	[tilespmem:s1+$0x70] =	vst v12  }
0x252: {  	s18 =	simm.s32 $0x19C00;
	s17 =	sadd.s32 $0x4, s12;
	v17 =	vand.u32 $0x7F, v9;
	v9 =	vadd.s32 v3, v16;
	s0 =	sadd.s32 s16, s15;
	[tilespmem:s25+$0x70] =	vst v13  }
0x253: {  	v9 =	vor.u32 v17, v9;
	[hbm4b:s0+s3] =	stream.linear.scatter [tilespmem:s18], [sflag:$0x1], $0x3000, $0x38;
	[tilespmem:$0x1FC00] =	vst v63  }
0x254: {  	v10 =	vmov s17;
	s0 =	simm.s32 @!p0 $0x2  }
0x255: {  	v19 =	vand.u32 $0x80, v10;
	_ =	swait.ge @!p0 [sflag:s0], $0x3000  }
0x256: {  	v18 =	vand.u32 $0x7C, v10;
	v10 =	vadd.s32 v3, v19;
	[sflag:s0] =	ssyncset.done @!p0 $0x0  }
0x257: {  	v10 =	vor.u32 v18, v10;
	[sflag:s0] =	ssyncadd.s32 @!p0 $0xFFFFD000  }
0x258: {  	s19 =	sadd.s32 $0x5, s12;
	v9 =	vld.idx.msk [tilespmem:v9+s11+$0x0], $0xffff  }
0x259: {  	v11 =	vmov s19  }
0x25a: {  	v23 =	vand.u32 $0x80, v11  }
0x25b: {  	v22 =	vand.u32 $0x7D, v11;
	v11 =	vadd.s32 v3, v23  }
0x25c: {  	v11 =	vor.u32 v22, v11;
	v10 =	vld.idx.msk [tilespmem:v10+s11+$0x0], $0xffff  }
0x25d: {  	v9 =	vshll.u32 v9, $0x7  }
0x25e: {  	v12 =	vor.u32 v0, v9  }
0x25f: {  	s21 =	sadd.s32 $0x6, s12  }
0x260: {  	v13 =	vmov s21  }
0x261: {  	v21 =	vand.u32 $0x80, v13;
	v11 =	vld.idx.msk [tilespmem:v11+s11+$0x0], $0xffff;
	v10 =	vshll.u32 v10, $0x7  }
0x262: {  	s23 =	simm.s32 $0x0;
	v20 =	vand.u32 $0x7E, v13;
	v13 =	vadd.s32 v3, v21;
	v14 =	vor.u32 v0, v10  }
0x263: {  	v13 =	vor.u32 v20, v13;
	s0 =	smul.u32 $0x3000, s23;
	v12 =	vld.idx.msk [tilespmem:v12+s3+$0x0], $0xffff  }
0x264: {  	v15 =	vor.u32 v1, v9  }
0x265: {  	s24 =	simm.s32 $0x180;
	s6 =	sshra.s32 s0, $0x2  }
0x266: {  	s13 =	sand.u32 $0x380, s24;
	s25 =	sadd.s32 $0x1CC00, s6;
	v24 =	vshll.u32 v11, $0x7  }
0x267: {  	s26 =	sor.u32 s13, s25;
	v11 =	vor.u32 v0, v24;
	v14 =	vld.idx.msk [tilespmem:v14+s3+$0x0], $0xffff  }
0x268: {  	v13 =	vld.idx.msk [tilespmem:v13+s11+$0x0], $0xffff;
	v25 =	vor.u32 v1, v10;
	[tilespmem:s26+$0x0] =	vst v12  }
0x269: {  	s1 =	simm.s32 $0x0;
	v12 =	vld.idx.msk [tilespmem:v15+s3+$0x0], $0xffff  }
0x26a: {  	s0 =	sand.u32 $0x200, s1;
	v15 =	vor.u32 v63, v9  }
0x26b: {  	s2 =	sor.u32 s0, s25  }
0x26c: {  	v11 =	vld.idx.msk [tilespmem:v11+s3+$0x0], $0xffff;
	[tilespmem:s2+$0x0] =	vst v14  }
0x26d: {  	v14 =	vor.u32 v1, v24;
	v25 =	vld.idx.msk [tilespmem:v25+s3+$0x0], $0xffff  }
0x26e: {  	s10 =	simm.s32 $0x80;
	v26 =	vor.u32 v63, v10;
	v13 =	vshll.u32 v13, $0x7;
	[tilespmem:s26+$0x10] =	vst v12  }
0x26f: {  	s7 =	sand.u32 $0x280, s10;
	v12 =	vor.u32 v0, v13;
	v15 =	vld.idx.msk [tilespmem:v15+s3+$0x0], $0xffff  }
0x270: {  	s12 =	sor.u32 s7, s25;
	v9 =	vor.u32 v2, v9  }
0x271: {  	[tilespmem:s12+$0x0] =	vst v11  }
0x272: {  	s9 =	sshll.u32 s30, $0x7;
	v14 =	vld.idx.msk [tilespmem:v14+s3+$0x0], $0xffff;
	[tilespmem:s2+$0x10] =	vst v25  }
0x273: {  	s14 =	sadd.s32 $0x1980, s9;
	v25 =	vor.u32 v63, v24;
	v26 =	vld.idx.msk [tilespmem:v26+s3+$0x0], $0xffff  }
0x274: {  	v8 =	vmov s14;
	v10 =	vor.u32 v2, v10;
	v12 =	vld.idx.msk [tilespmem:v12+s3+$0x0], $0xffff;
	[tilespmem:s26+$0x20] =	vst v15  }
0x275: {  	v27 =	vor.u32 v1, v13;
	v15 =	vadd.s32 v8, v16;
	v9 =	vld.idx.msk [tilespmem:v9+s3+$0x0], $0xffff  }
0x276: {  	s15 =	simm.s32 $0x100;
	v15 =	vor.u32 v17, v15  }
0x277: {  	s1 =	sand.u32 $0x300, s15;
	[tilespmem:s12+$0x10] =	vst v14  }
0x278: {  	s5 =	sor.u32 s1, s25;
	v14 =	vld.idx.msk [tilespmem:v25+s3+$0x0], $0xffff;
	[tilespmem:s2+$0x20] =	vst v26  }
0x279: {  	v24 =	vor.u32 v2, v24;
	v25 =	vadd.s32 v8, v19;
	v10 =	vld.idx.msk [tilespmem:v10+s3+$0x0], $0xffff;
	[tilespmem:s5+$0x0] =	vst v12  }
0x27a: {  	v12 =	vor.u32 v18, v25;
	v25 =	vld.idx.msk [tilespmem:v27+s3+$0x0], $0xffff;
	[tilespmem:s26+$0x30] =	vst v9  }
0x27b: {  	v9 =	vld.idx.msk [tilespmem:v15+s11+$0x0], $0xffff  }
0x27c: {  	v15 =	vor.u32 v63, v13  }
0x27d: {  	[tilespmem:s12+$0x20] =	vst v14  }
0x27e: {  	v14 =	vadd.s32 v8, v23;
	v24 =	vld.idx.msk [tilespmem:v24+s3+$0x0], $0xffff;
	[tilespmem:s2+$0x30] =	vst v10  }
0x27f: {  	v10 =	vor.u32 v22, v14;
	v12 =	vld.idx.msk [tilespmem:v12+s11+$0x0], $0xffff  }
0x280: {  	[tilespmem:s5+$0x10] =	vst v25;
	v9 =	vshll.u32 v9, $0x7  }
0x281: {  	v14 =	vld.idx.msk [tilespmem:v15+s3+$0x0], $0xffff;
	v15 =	vor.u32 v4, v9  }
0x282: {  	v13 =	vor.u32 v2, v13  }
0x283: {  	[tilespmem:s12+$0x30] =	vst v24  }
0x284: {  	v10 =	vld.idx.msk [tilespmem:v10+s11+$0x0], $0xffff;
	v12 =	vshll.u32 v12, $0x7  }
0x285: {  	v24 =	vor.u32 v4, v12  }
0x286: {  	[tilespmem:s5+$0x20] =	vst v14;
	v14 =	vld.idx.msk [tilespmem:v15+s3+$0x0], $0xffff  }
0x287: {  	v25 =	vor.u32 v5, v9;
	v13 =	vld.idx.msk [tilespmem:v13+s3+$0x0], $0xffff;
	v15 =	vadd.s32 v8, v21  }
0x288: {  	v15 =	vor.u32 v20, v15  }
0x289: {  	v10 =	vshll.u32 v10, $0x7  }
0x28a: {  	v26 =	vor.u32 v4, v10;
	v24 =	vld.idx.msk [tilespmem:v24+s3+$0x0], $0xffff  }
0x28b: {  	v27 =	vor.u32 v5, v12;
	[tilespmem:s26+$0x40] =	vst v14  }
0x28c: {  	[tilespmem:s5+$0x30] =	vst v13;
	v13 =	vld.idx.msk [tilespmem:v25+s3+$0x0], $0xffff  }
0x28d: {  	v14 =	vld.idx.msk [tilespmem:v15+s11+$0x0], $0xffff;
	v15 =	vor.u32 v6, v9;
	_ =	sdelay $0x1  }
0x28e: {  	v25 =	vld.idx.msk [tilespmem:v26+s3+$0x0], $0xffff;
	[tilespmem:s2+$0x40] =	vst v24  }
0x28f: {  	v24 =	vor.u32 v5, v10;
	v26 =	vld.idx.msk [tilespmem:v27+s3+$0x0], $0xffff  }
0x290: {  	v27 =	vor.u32 v6, v12;
	[tilespmem:s26+$0x50] =	vst v13  }
0x291: {  	v13 =	vld.idx.msk [tilespmem:v15+s3+$0x0], $0xffff  }
0x292: {  	v9 =	vor.u32 v7, v9;
	v14 =	vshll.u32 v14, $0x7  }
0x293: {  	[tilespmem:s12+$0x40] =	vst v25;
	v15 =	vor.u32 v4, v14  }
0x294: {  	v24 =	vld.idx.msk [tilespmem:v24+s3+$0x0], $0xffff;
	[tilespmem:s2+$0x50] =	vst v26  }
0x295: {  	s16 =	sadd.s32 $0x3280, s9;
	v25 =	vor.u32 v6, v10;
	v26 =	vld.idx.msk [tilespmem:v27+s3+$0x0], $0xffff  }
0x296: {  	v11 =	vmov s16;
	v27 =	vor.u32 v7, v12;
	[tilespmem:s26+$0x60] =	vst v13  }
0x297: {  	v13 =	vadd.s32 v11, v16;
	v9 =	vld.idx.msk [tilespmem:v9+s3+$0x0], $0xffff  }
0x298: {  	v15 =	vld.idx.msk [tilespmem:v15+s3+$0x0], $0xffff;
	v13 =	vor.u32 v17, v13  }
0x299: {  	[tilespmem:s12+$0x50] =	vst v24;
	v24 =	vor.u32 v5, v14  }
0x29a: {  	v25 =	vld.idx.msk [tilespmem:v25+s3+$0x0], $0xffff;
	[tilespmem:s2+$0x60] =	vst v26  }
0x29b: {  	v10 =	vor.u32 v7, v10;
	v26 =	vadd.s32 v11, v19;
	v27 =	vld.idx.msk [tilespmem:v27+s3+$0x0], $0xffff  }
0x29c: {  	v26 =	vor.u32 v18, v26;
	[tilespmem:s26+$0x70] =	vst v9  }
0x29d: {  	[tilespmem:s5+$0x40] =	vst v15;
	v9 =	vld.idx.msk [tilespmem:v13+s11+$0x0], $0xffff  }
0x29e: {  	v13 =	vld.idx.msk [tilespmem:v24+s3+$0x0], $0xffff  }
0x29f: {  	[tilespmem:s12+$0x60] =	vst v25;
	v24 =	vor.u32 v6, v14  }
0x2a0: {  	v10 =	vld.idx.msk [tilespmem:v10+s3+$0x0], $0xffff;
	[tilespmem:s2+$0x70] =	vst v27  }
0x2a1: {  	v15 =	vadd.s32 v11, v23;
	v25 =	vld.idx.msk [tilespmem:v26+s11+$0x0], $0xffff  }
0x2a2: {  	s17 =	sadd.s32 $0x0, s20;
	v15 =	vor.u32 v22, v15;
	v30 =	vshll.u32 v9, $0x7  }
0x2a3: {  	s21 =	sadd.s32 $0x7, s17;
	[tilespmem:s5+$0x50] =	vst v13;
	v9 =	vor.u32 v4, v30  }
0x2a4: {  	s18 =	sadd.s32 $0x4, s17;
	v44 =	vmov s21;
	v13 =	vld.idx.msk [tilespmem:v24+s3+$0x0], $0xffff  }
0x2a5: {  	s19 =	sadd.s32 $0x6, s17;
	v27 =	vand.u32 $0x80, v44;
	[tilespmem:s12+$0x70] =	vst v10;
	v10 =	vmov s18  }
0x2a6: {  	v26 =	vmov s19;
	v31 =	vshll.u32 v25, $0x7;
	v25 =	vand.u32 $0x80, v10  }
0x2a7: {  	v15 =	vld.idx.msk [tilespmem:v15+s11+$0x0], $0xffff;
	v24 =	vand.u32 $0x7C, v10;
	v28 =	vor.u32 v4, v31;
	v10 =	vadd.s32 v3, v25  }
0x2a8: {  	v62 =	vand.u32 $0x7E, v26;
	v42 =	vor.u32 v5, v30;
	v43 =	vor.u32 v24, v10;
	v29 =	vld.idx.msk [tilespmem:v9+s3+$0x0], $0xffff  }
0x2a9: {  	v9 =	vand.u32 $0x80, v26;
	[tilespmem:s5+$0x60] =	vst v13;
	v26 =	vand.u32 $0x7F, v44;
	v13 =	vadd.s32 v3, v27  }
0x2aa: {  	v45 =	vadd.s32 v3, v9;
	v13 =	vor.u32 v26, v13  }
0x2ab: {  	s2 =	sadd.s32 $0x1D000, s6;
	v46 =	vor.u32 v62, v45  }
0x2ac: {  	s4 =	sadd.s32 $0x5, s17;
	s14 =	sor.u32 s13, s2;
	v15 =	vshll.u32 v15, $0x7;
	v47 =	vld.idx.msk [tilespmem:v28+s3+$0x0], $0xffff  }
0x2ad: {  	v48 =	vor.u32 v4, v15;
	v28 =	vmov s4;
	v33 =	vld.idx.msk [tilespmem:v43+s11+$0x0], $0xffff;
	[tilespmem:s14+$0x0] =	vst v29  }
0x2ae: {  	v14 =	vor.u32 v7, v14;
	v29 =	vand.u32 $0x80, v28;
	v32 =	vld.idx.msk [tilespmem:v42+s3+$0x0], $0xffff  }
0x2af: {  	v28 =	vand.u32 $0x7D, v28;
	v50 =	vadd.s32 v3, v29;
	v13 =	vld.idx.msk [tilespmem:v13+s11+$0x0], $0xffff  }
0x2b0: {  	v38 =	vor.u32 v28, v50;
	v34 =	vld.idx.msk [tilespmem:v46+s11+$0x0], $0xffff  }
0x2b1: {  	v52 =	vor.u32 v6, v30  }
0x2b2: {  	v49 =	vor.u32 v5, v31;
	v36 =	vld.idx.msk [tilespmem:v48+s3+$0x0], $0xffff  }
0x2b3: {  	v14 =	vld.idx.msk [tilespmem:v14+s3+$0x0], $0xffff;
	v53 =	vor.u32 v5, v15;
	v33 =	vshll.u32 v33, $0x7  }
0x2b4: {  	v54 =	vor.u32 v0, v33;
	[tilespmem:s14+$0x10] =	vst v32;
	v32 =	vshll.u32 v13, $0x7  }
0x2b5: {  	s4 =	sor.u32 s0, s2;
	v38 =	vld.idx.msk [tilespmem:v38+s11+$0x0], $0xffff;
	v34 =	vshll.u32 v34, $0x7;
	v55 =	vor.u32 v0, v32  }
0x2b6: {  	s8 =	sor.u32 s7, s2;
	[tilespmem:s4+$0x0] =	vst v47;
	v40 =	vld.idx.msk [tilespmem:v52+s3+$0x0], $0xffff;
	v13 =	vor.u32 v0, v34  }
0x2b7: {  	v30 =	vor.u32 v7, v30;
	v37 =	vld.idx.msk [tilespmem:v49+s3+$0x0], $0xffff;
	[tilespmem:s8+$0x0] =	vst v36  }
0x2b8: {  	s23 =	simm.s32 $0x0;
	[tilespmem:s5+$0x70] =	vst v14;
	v14 =	vor.u32 v6, v31;
	v35 =	vld.idx.msk [tilespmem:v53+s3+$0x0], $0xffff  }
0x2b9: {  	v56 =	vor.u32 v6, v15;
	s5 =	smul.u32 $0x3000, s23;
	v41 =	vld.idx.msk [tilespmem:v54+s3+$0x0], $0xffff  }
0x2ba: {  	v57 =	vor.u32 v1, v33;
	v38 =	vshll.u32 v38, $0x7;
	v36 =	vld.idx.msk [tilespmem:v55+s3+$0x0], $0xffff  }
0x2bb: {  	s24 =	sadd.s32 $0x4B80, s9;
	s25 =	simm.s32 $0x200;
	s5 =	sshra.s32 s5, $0x2;
	[tilespmem:s14+$0x20] =	vst v40;
	v58 =	vor.u32 v0, v38;
	v44 =	vld.idx.msk [tilespmem:v13+s3+$0x0], $0xffff  }
0x2bc: {  	s21 =	simm.s32 $0x380;
	v12 =	vmov s24;
	s24 =	sand.u32 $0x200, s25;
	s26 =	sadd.s32 $0x1CC00, s5;
	v60 =	vor.u32 v1, v32;
	[tilespmem:s4+$0x10] =	vst v37;
	v30 =	vld.idx.msk [tilespmem:v30+s3+$0x0], $0xffff  }
0x2bd: {  	s19 =	simm.s32 $0x300;
	s12 =	sand.u32 $0x380, s21;
	v45 =	vadd.s32 v12, v16;
	s15 =	sor.u32 s24, s26;
	v59 =	vor.u32 v1, v34;
	v14 =	vld.idx.msk [tilespmem:v14+s3+$0x0], $0xffff;
	[tilespmem:s8+$0x10] =	vst v35  }
0x2be: {  	v45 =	vor.u32 v17, v45;
	s23 =	sand.u32 $0x300, s19;
	s17 =	sor.u32 s12, s26;
	v37 =	vld.idx.msk [tilespmem:v56+s3+$0x0], $0xffff;
	[tilespmem:s15+$0x0] =	vst v41  }
0x2bf: {  	v51 =	vadd.s32 v11, v21;
	v15 =	vor.u32 v7, v15;
	s18 =	sor.u32 s23, s26;
	v41 =	vld.idx.msk [tilespmem:v57+s3+$0x0], $0xffff;
	[tilespmem:s17+$0x0] =	vst v36  }
0x2c0: {  	v39 =	vor.u32 v20, v51;
	v61 =	vld.idx.msk [tilespmem:v58+s3+$0x0], $0xffff;
	[tilespmem:s18+$0x0] =	vst v44  }
0x2c1: {  	v48 =	vor.u32 v63, v33;
	[tilespmem:s14+$0x30] =	vst v30;
	v30 =	vld.idx.msk [tilespmem:v60+s3+$0x0], $0xffff  }
0x2c2: {  	v49 =	vor.u32 v1, v38;
	v50 =	vld.idx.msk [tilespmem:v59+s3+$0x0], $0xffff  }
0x2c3: {  	s25 =	simm.s32 $0x280;
	v53 =	vor.u32 v63, v32;
	[tilespmem:s8+$0x20] =	vst v37;
	v52 =	vld.idx.msk [tilespmem:v45+s11+$0x0], $0xffff  }
0x2c4: {  	s10 =	sand.u32 $0x280, s25;
	v51 =	vor.u32 v63, v34;
	[tilespmem:s4+$0x20] =	vst v14;
	v15 =	vld.idx.msk [tilespmem:v15+s3+$0x0], $0xffff  }
0x2c5: {  	v31 =	vor.u32 v7, v31;
	v39 =	vld.idx.msk [tilespmem:v39+s11+$0x0], $0xffff;
	s16 =	sor.u32 s10, s26;
	v54 =	vadd.s32 v12, v23;
	[tilespmem:s15+$0x10] =	vst v41  }
0x2c6: {  	v55 =	vor.u32 v22, v54;
	v56 =	vld.idx.msk [tilespmem:v48+s3+$0x0], $0xffff;
	[tilespmem:s16+$0x0] =	vst v61  }
0x2c7: {  	v33 =	vor.u32 v2, v33;
	[tilespmem:s17+$0x10] =	vst v30;
	v57 =	vld.idx.msk [tilespmem:v49+s3+$0x0], $0xffff  }
0x2c8: {  	v58 =	vor.u32 v63, v38;
	[tilespmem:s18+$0x10] =	vst v50;
	v14 =	vld.idx.msk [tilespmem:v53+s3+$0x0], $0xffff  }
0x2c9: {  	v59 =	vshll.u32 v52, $0x7;
	[tilespmem:s8+$0x30] =	vst v15;
	v15 =	vor.u32 v2, v32;
	v30 =	vld.idx.msk [tilespmem:v51+s3+$0x0], $0xffff  }
0x2ca: {  	v31 =	vld.idx.msk [tilespmem:v31+s3+$0x0], $0xffff;
	v61 =	vor.u32 v4, v59  }
0x2cb: {  	v34 =	vor.u32 v2, v34;
	v60 =	vadd.s32 v12, v19;
	v45 =	vld.idx.msk [tilespmem:v55+s11+$0x0], $0xffff;
	[tilespmem:s15+$0x20] =	vst v56  }
0x2cc: {  	v46 =	vadd.s32 v8, v25;
	v32 =	vor.u32 v18, v60;
	v33 =	vld.idx.msk [tilespmem:v33+s3+$0x0], $0xffff;
	[tilespmem:s16+$0x10] =	vst v57  }
0x2cd: {  	v41 =	vor.u32 v24, v46;
	[tilespmem:s17+$0x20] =	vst v14;
	v36 =	vld.idx.msk [tilespmem:v58+s3+$0x0], $0xffff  }
0x2ce: {  	v48 =	vadd.s32 v8, v27;
	[tilespmem:s18+$0x20] =	vst v30;
	v30 =	vor.u32 v2, v38;
	v49 =	vld.idx.msk [tilespmem:v15+s3+$0x0], $0xffff  }
0x2cf: {  	[tilespmem:s4+$0x30] =	vst v31;
	v38 =	vor.u32 v26, v48;
	v31 =	vld.idx.msk [tilespmem:v61+s3+$0x0], $0xffff  }
0x2d0: {  	v47 =	vadd.s32 v8, v9;
	v14 =	vld.idx.msk [tilespmem:v34+s3+$0x0], $0xffff  }
0x2d1: {  	v32 =	vld.idx.msk [tilespmem:v32+s11+$0x0], $0xffff;
	v34 =	vor.u32 v62, v47;
	[tilespmem:s15+$0x30] =	vst v33  }
0x2d2: {  	v50 =	vor.u32 v5, v59;
	v33 =	vld.idx.msk [tilespmem:v41+s11+$0x0], $0xffff;
	[tilespmem:s16+$0x20] =	vst v36  }
0x2d3: {  	v15 =	vshll.u32 v39, $0x7;
	[tilespmem:s17+$0x30] =	vst v49;
	v30 =	vld.idx.msk [tilespmem:v30+s3+$0x0], $0xffff  }
0x2d4: {  	v39 =	vshll.u32 v45, $0x7;
	v52 =	vor.u32 v4, v15;
	[tilespmem:s14+$0x40] =	vst v31;
	v31 =	vld.idx.msk [tilespmem:v38+s11+$0x0], $0xffff  }
0x2d5: {  	v51 =	vadd.s32 v8, v29;
	v53 =	vor.u32 v4, v39;
	[tilespmem:s18+$0x30] =	vst v14  }
0x2d6: {  	v32 =	vshll.u32 v32, $0x7;
	v14 =	vor.u32 v28, v51;
	v34 =	vld.idx.msk [tilespmem:v34+s11+$0x0], $0xffff  }
0x2d7: {  	v55 =	vor.u32 v4, v32;
	v37 =	vld.idx.msk [tilespmem:v50+s3+$0x0], $0xffff  }
0x2d8: {  	v54 =	vor.u32 v6, v59;
	v33 =	vshll.u32 v33, $0x7  }
0x2d9: {  	v36 =	vld.idx.msk [tilespmem:v52+s3+$0x0], $0xffff;
	[tilespmem:s16+$0x30] =	vst v30;
	v30 =	vor.u32 v4, v33;
	v31 =	vshll.u32 v31, $0x7  }
0x2da: {  	v38 =	vld.idx.msk [tilespmem:v53+s3+$0x0], $0xffff;
	v57 =	vor.u32 v4, v31  }
0x2db: {  	v58 =	vor.u32 v5, v39;
	v14 =	vld.idx.msk [tilespmem:v14+s11+$0x0], $0xffff;
	v34 =	vshll.u32 v34, $0x7  }
0x2dc: {  	v41 =	vld.idx.msk [tilespmem:v55+s3+$0x0], $0xffff;
	[tilespmem:s14+$0x50] =	vst v37;
	v56 =	vor.u32 v4, v34  }
0x2dd: {  	v48 =	vor.u32 v5, v32;
	v40 =	vld.idx.msk [tilespmem:v54+s3+$0x0], $0xffff  }
0x2de: {  	v35 =	vor.u32 v7, v59;
	v30 =	vld.idx.msk [tilespmem:v30+s3+$0x0], $0xffff  }
0x2df: {  	v59 =	vor.u32 v5, v33;
	[tilespmem:s8+$0x40] =	vst v38;
	v37 =	vld.idx.msk [tilespmem:v57+s3+$0x0], $0xffff  }
0x2e0: {  	v43 =	vld.idx.msk [tilespmem:v58+s3+$0x0], $0xffff;
	v61 =	vor.u32 v5, v31;
	v44 =	vshll.u32 v14, $0x7  }
0x2e1: {  	s26 =	sadd.s32 $0x6480, s9;
	[tilespmem:s4+$0x40] =	vst v41;
	v46 =	vor.u32 v4, v44;
	v42 =	vld.idx.msk [tilespmem:v56+s3+$0x0], $0xffff  }
0x2e2: {  	v10 =	vmov s26;
	v60 =	vor.u32 v5, v34;
	v41 =	vld.idx.msk [tilespmem:v48+s3+$0x0], $0xffff;
	[tilespmem:s14+$0x60] =	vst v40  }
0x2e3: {  	v47 =	vadd.s32 v10, v16;
	v58 =	vor.u32 v6, v39;
	v35 =	vld.idx.msk [tilespmem:v35+s3+$0x0], $0xffff;
	[tilespmem:s15+$0x40] =	vst v30  }
0x2e4: {  	v30 =	vor.u32 v17, v47;
	v45 =	vld.idx.msk [tilespmem:v59+s3+$0x0], $0xffff;
	[tilespmem:s17+$0x40] =	vst v37  }
0x2e5: {  	v52 =	vor.u32 v6, v33;
	v55 =	vld.idx.msk [tilespmem:v61+s3+$0x0], $0xffff  }
0x2e6: {  	v57 =	vor.u32 v6, v31;
	v46 =	vld.idx.msk [tilespmem:v46+s3+$0x0], $0xffff;
	[tilespmem:s18+$0x40] =	vst v42  }
0x2e7: {  	[tilespmem:s8+$0x50] =	vst v43;
	v53 =	vor.u32 v5, v44;
	v54 =	vld.idx.msk [tilespmem:v60+s3+$0x0], $0xffff  }
0x2e8: {  	v56 =	vor.u32 v6, v34;
	v48 =	vld.idx.msk [tilespmem:v58+s3+$0x0], $0xffff;
	[tilespmem:s14+$0x70] =	vst v35  }
0x2e9: {  	v39 =	vor.u32 v7, v39;
	v30 =	vld.idx.msk [tilespmem:v30+s11+$0x0], $0xffff;
	[tilespmem:s15+$0x50] =	vst v45  }
0x2ea: {  	v59 =	vor.u32 v6, v32;
	v60 =	vld.idx.msk [tilespmem:v52+s3+$0x0], $0xffff;
	[tilespmem:s17+$0x50] =	vst v55  }
0x2eb: {  	v33 =	vor.u32 v7, v33;
	[tilespmem:s16+$0x40] =	vst v46;
	v35 =	vld.idx.msk [tilespmem:v57+s3+$0x0], $0xffff  }
0x2ec: {  	v31 =	vor.u32 v7, v31;
	v42 =	vld.idx.msk [tilespmem:v53+s3+$0x0], $0xffff;
	[tilespmem:s18+$0x50] =	vst v54  }
0x2ed: {  	v61 =	vor.u32 v6, v44;
	[tilespmem:s8+$0x60] =	vst v48;
	v47 =	vld.idx.msk [tilespmem:v56+s3+$0x0], $0xffff  }
0x2ee: {  	v34 =	vor.u32 v7, v34;
	[tilespmem:s4+$0x50] =	vst v41;
	v39 =	vld.idx.msk [tilespmem:v39+s3+$0x0], $0xffff;
	v41 =	vshll.u32 v30, $0x7  }
0x2ef: {  	v30 =	vld.idx.msk [tilespmem:v59+s3+$0x0], $0xffff;
	v50 =	vor.u32 v4, v41;
	[tilespmem:s15+$0x60] =	vst v60  }
0x2f0: {  	v49 =	vadd.s32 v11, v25;
	v32 =	vor.u32 v7, v32;
	v33 =	vld.idx.msk [tilespmem:v33+s3+$0x0], $0xffff;
	[tilespmem:s17+$0x60] =	vst v35  }
0x2f1: {  	v43 =	vor.u32 v24, v49;
	v53 =	vadd.s32 v11, v27;
	[tilespmem:s16+$0x50] =	vst v42;
	v31 =	vld.idx.msk [tilespmem:v31+s3+$0x0], $0xffff  }
0x2f2: {  	v54 =	vor.u32 v26, v53;
	v37 =	vld.idx.msk [tilespmem:v61+s3+$0x0], $0xffff;
	[tilespmem:s18+$0x60] =	vst v47  }
0x2f3: {  	v58 =	vor.u32 v5, v15;
	v52 =	vadd.s32 v11, v9;
	v34 =	vld.idx.msk [tilespmem:v34+s3+$0x0], $0xffff  }
0x2f4: {  	v35 =	vor.u32 v62, v52;
	[tilespmem:s4+$0x60] =	vst v30;
	v42 =	vld.idx.msk [tilespmem:v50+s3+$0x0], $0xffff  }
0x2f5: {  	v51 =	vor.u32 v7, v44;
	v32 =	vld.idx.msk [tilespmem:v32+s3+$0x0], $0xffff;
	[tilespmem:s15+$0x70] =	vst v33  }
0x2f6: {  	v55 =	vadd.s32 v10, v23;
	v61 =	vor.u32 v5, v41;
	s15 =	sor.u32 s1, s2;
	v57 =	vld.idx.msk [tilespmem:v43+s11+$0x0], $0xffff;
	[tilespmem:s17+$0x70] =	vst v31  }
0x2f7: {  	v56 =	vor.u32 v22, v55;
	[tilespmem:s15+$0x0] =	vst v36;
	v60 =	vld.idx.msk [tilespmem:v54+s11+$0x0], $0xffff  }
0x2f8: {  	s14 =	sadd.s32 $0x1D400, s6;
	v30 =	vadd.s32 v10, v19;
	[tilespmem:s18+$0x70] =	vst v34;
	v49 =	vld.idx.msk [tilespmem:v58+s3+$0x0], $0xffff  }
0x2f9: {  	s6 =	sor.u32 s13, s14;
	v48 =	vor.u32 v18, v30;
	[tilespmem:s16+$0x60] =	vst v37;
	v35 =	vld.idx.msk [tilespmem:v35+s11+$0x0], $0xffff  }
0x2fa: {  	v59 =	vadd.s32 v11, v29;
	v38 =	vld.idx.msk [tilespmem:v51+s3+$0x0], $0xffff;
	v51 =	vor.u32 v6, v15;
	[tilespmem:s6+$0x0] =	vst v42  }
0x2fb: {  	[tilespmem:s8+$0x70] =	vst v39;
	v31 =	vor.u32 v28, v59;
	v54 =	vld.idx.msk [tilespmem:v61+s3+$0x0], $0xffff  }
0x2fc: {  	v33 =	vld.idx.msk [tilespmem:v56+s11+$0x0], $0xffff;
	v56 =	vor.u32 v6, v41;
	v36 =	vshll.u32 v57, $0x7  }
0x2fd: {  	[tilespmem:s4+$0x70] =	vst v32;
	v50 =	vor.u32 v4, v36;
	v42 =	vshll.u32 v60, $0x7  }
0x2fe: {  	v55 =	vld.idx.msk [tilespmem:v48+s11+$0x0], $0xffff;
	[tilespmem:s15+$0x10] =	vst v49;
	v30 =	vshll.u32 v35, $0x7;
	v53 =	vor.u32 v4, v42  }
0x2ff: {  	[tilespmem:s16+$0x70] =	vst v38;
	v35 =	vld.idx.msk [tilespmem:v51+s3+$0x0], $0xffff;
	v52 =	vor.u32 v4, v30  }
0x300: {  	v15 =	vor.u32 v7, v15;
	v31 =	vld.idx.msk [tilespmem:v31+s11+$0x0], $0xffff;
	[tilespmem:s6+$0x10] =	vst v54  }
0x301: {  	v40 =	vshll.u32 v33, $0x7;
	v34 =	vld.idx.msk [tilespmem:v56+s3+$0x0], $0xffff  }
0x302: {  	v57 =	vor.u32 v4, v40;
	v43 =	vld.idx.msk [tilespmem:v50+s3+$0x0], $0xffff  }
0x303: {  	v58 =	vor.u32 v5, v36;
	v32 =	vld.idx.msk [tilespmem:v53+s3+$0x0], $0xffff  }
0x304: {  	v41 =	vor.u32 v7, v41;
	[tilespmem:s15+$0x20] =	vst v35;
	v38 =	vld.idx.msk [tilespmem:v52+s3+$0x0], $0xffff  }
0x305: {  	s4 =	sadd.s32 $0x1D000, s5;
	v60 =	vor.u32 v5, v42;
	v52 =	vld.idx.msk [tilespmem:v15+s3+$0x0], $0xffff;
	v15 =	vadd.s32 v12, v21  }
0x306: {  	s16 =	sor.u32 s24, s4;
	v46 =	vshll.u32 v31, $0x7;
	v54 =	vor.u32 v20, v15  }
0x307: {  	v61 =	vld.idx.msk [tilespmem:v57+s3+$0x0], $0xffff;
	v51 =	vor.u32 v4, v46;
	[tilespmem:s16+$0x0] =	vst v43  }
0x308: {  	s2 =	sor.u32 s12, s4;
	v33 =	vshll.u32 v55, $0x7;
	v55 =	vor.u32 v5, v40;
	[tilespmem:s6+$0x20] =	vst v34;
	v37 =	vld.idx.msk [tilespmem:v58+s3+$0x0], $0xffff  }
0x309: {  	s21 =	sadd.s32 $0x7D80, s9;
	v53 =	vor.u32 v6, v36;
	v41 =	vld.idx.msk [tilespmem:v41+s3+$0x0], $0xffff;
	[tilespmem:s2+$0x0] =	vst v32  }
0x30a: {  	s25 =	sadd.s32 $0x4, s20;
	v13 =	vmov s21;
	v59 =	vor.u32 v5, v30;
	v39 =	vld.idx.msk [tilespmem:v60+s3+$0x0], $0xffff;
	[tilespmem:s15+$0x30] =	vst v52  }
0x30b: {  	v16 =	vadd.s32 v13, v16;
	s8 =	sor.u32 s7, s14;
	s17 =	sadd.s32 $0x4, s25;
	v56 =	vor.u32 v4, v33;
	v50 =	vld.idx.msk [tilespmem:v54+s11+$0x0], $0xffff  }
0x30c: {  	v16 =	vor.u32 v17, v16;
	s18 =	sadd.s32 $0x5, s25;
	v57 =	vmov s17;
	[tilespmem:s8+$0x0] =	vst v61;
	v48 =	vld.idx.msk [tilespmem:v51+s3+$0x0], $0xffff  }
0x30d: {  	s26 =	sor.u32 s23, s4;
	v17 =	vor.u32 v6, v42;
	v35 =	vand.u32 $0x7C, v57;
	v45 =	vld.idx.msk [tilespmem:v55+s3+$0x0], $0xffff;
	v58 =	vmov s18;
	[tilespmem:s16+$0x10] =	vst v37  }
0x30e: {  	v49 =	vor.u32 v5, v46;
	v34 =	vand.u32 $0x80, v57;
	[tilespmem:s26+$0x0] =	vst v38;
	v32 =	vand.u32 $0x7D, v58;
	v44 =	vld.idx.msk [tilespmem:v53+s3+$0x0], $0xffff  }
0x30f: {  	v60 =	vadd.s32 v3, v34;
	v31 =	vld.idx.msk [tilespmem:v59+s3+$0x0], $0xffff;
	v59 =	vor.u32 v7, v36;
	v36 =	vand.u32 $0x80, v58;
	[tilespmem:s6+$0x30] =	vst v41  }
0x310: {  	s19 =	sadd.s32 $0x7, s25;
	s7 =	sor.u32 s10, s4;
	v61 =	vadd.s32 v3, v36;
	[tilespmem:s2+$0x10] =	vst v39;
	v39 =	vld.idx.msk [tilespmem:v56+s3+$0x0], $0xffff;
	v56 =	vor.u32 v35, v60;
	v50 =	vshll.u32 v50, $0x7  }
0x311: {  	s9 =	sadd.s32 $0x6, s25;
	v51 =	vmov s19;
	v57 =	vor.u32 v32, v61;
	[tilespmem:s7+$0x0] =	vst v48;
	v48 =	vld.idx.msk [tilespmem:v16+s11+$0x0], $0xffff;
	v61 =	vor.u32 v4, v50  }
0x312: {  	v42 =	vor.u32 v7, v42;
	v37 =	vand.u32 $0x80, v51;
	v53 =	vmov s9;
	v52 =	vld.idx.msk [tilespmem:v17+s3+$0x0], $0xffff  }
0x313: {  	v38 =	vand.u32 $0x7F, v51;
	v16 =	vadd.s32 v3, v37;
	v17 =	vand.u32 $0x80, v53;
	[tilespmem:s16+$0x20] =	vst v44;
	v44 =	vld.idx.msk [tilespmem:v49+s3+$0x0], $0xffff  }
0x314: {  	v58 =	vor.u32 v38, v16;
	v16 =	vand.u32 $0x7E, v53;
	v60 =	vadd.s32 v3, v17;
	v43 =	vld.idx.msk [tilespmem:v59+s3+$0x0], $0xffff;
	[tilespmem:$0x1FF80] =	vst v3  }
0x315: {  	v51 =	vor.u32 v16, v60;
	v47 =	vld.idx.msk [tilespmem:v56+s11+$0x0], $0xffff  }
0x316: {  	v55 =	vor.u32 v6, v40;
	v53 =	vld.idx.msk [tilespmem:v61+s3+$0x0], $0xffff  }
0x317: {  	v54 =	vor.u32 v6, v46;
	v41 =	vld.idx.msk [tilespmem:v57+s11+$0x0], $0xffff;
	[tilespmem:s2+$0x20] =	vst v52  }
0x318: {  	s25 =	sor.u32 s0, s14;
	v56 =	vadd.s32 v12, v27;
	v57 =	vor.u32 v5, v33;
	[tilespmem:s8+$0x10] =	vst v45;
	v42 =	vld.idx.msk [tilespmem:v42+s3+$0x0], $0xffff  }
0x319: {  	v49 =	vld.idx.msk [tilespmem:v58+s11+$0x0], $0xffff;
	[tilespmem:s25+$0x0] =	vst v39;
	v56 =	vor.u32 v26, v56  }
0x31a: {  	v39 =	vshll.u32 v48, $0x7;
	[tilespmem:s7+$0x10] =	vst v44;
	v44 =	vld.idx.msk [tilespmem:v51+s11+$0x0], $0xffff;
	v51 =	vor.u32 v5, v50  }
0x31b: {  	v55 =	vld.idx.msk [tilespmem:v55+s3+$0x0], $0xffff;
	v45 =	vshll.u32 v47, $0x7;
	[tilespmem:s15+$0x40] =	vst v53;
	v53 =	vor.u32 v4, v39  }
0x31c: {  	v47 =	vld.idx.msk [tilespmem:v54+s3+$0x0], $0xffff;
	v54 =	vshll.u32 v41, $0x7;
	v60 =	vor.u32 v0, v45  }
0x31d: {  	v41 =	vld.idx.msk [tilespmem:v57+s3+$0x0], $0xffff;
	v58 =	vor.u32 v0, v54;
	[tilespmem:s2+$0x30] =	vst v42  }
0x31e: {  	v61 =	vor.u32 v7, v46;
	v49 =	vshll.u32 v49, $0x7;
	v48 =	vld.idx.msk [tilespmem:v56+s11+$0x0], $0xffff  }
0x31f: {  	v46 =	vor.u32 v0, v49;
	v44 =	vshll.u32 v44, $0x7;
	v51 =	vld.idx.msk [tilespmem:v51+s3+$0x0], $0xffff  }
0x320: {  	v56 =	vor.u32 v0, v44;
	v42 =	vld.idx.msk [tilespmem:v53+s3+$0x0], $0xffff  }
0x321: {  	s21 =	simm.s32 $0x1;
	v59 =	vadd.s32 v12, v25;
	[tilespmem:s16+$0x30] =	vst v43;
	v57 =	vor.u32 v6, v50;
	v43 =	vld.idx.msk [tilespmem:v60+s3+$0x0], $0xffff  }
0x322: {  	s0 =	smul.u32 $0x3000, s21;
	v52 =	vor.u32 v24, v59;
	[tilespmem:s7+$0x20] =	vst v47;
	v47 =	vld.idx.msk [tilespmem:v58+s3+$0x0], $0xffff  }
0x323: {  	v58 =	vor.u32 v1, v45;
	v59 =	vld.idx.msk [tilespmem:v61+s3+$0x0], $0xffff  }
0x324: {  	s28 =	sshra.s32 s0, $0x2;
	s4 =	simm.s32 $0x400;
	v0 =	vadd.s32 v12, v29;
	v60 =	vor.u32 v1, v54;
	v46 =	vld.idx.msk [tilespmem:v46+s3+$0x0], $0xffff  }
0x325: {  	s13 =	sadd.s32 $0x1CC00, s28;
	s0 =	sand.u32 $0x200, s4;
	s9 =	simm.s32 $0x480;
	v61 =	vor.u32 v28, v0;
	[tilespmem:s15+$0x50] =	vst v51;
	v53 =	vld.idx.msk [tilespmem:v56+s3+$0x0], $0xffff  }
0x326: {  	s18 =	sor.u32 s0, s13;
	s29 =	sand.u32 $0x280, s9;
	v51 =	vor.u32 v1, v49;
	v56 =	vld.idx.msk [tilespmem:v57+s3+$0x0], $0xffff  }
0x327: {  	s9 =	simm.s32 $0x580;
	s4 =	sor.u32 s29, s13;
	v52 =	vld.idx.msk [tilespmem:v52+s11+$0x0], $0xffff;
	v50 =	vor.u32 v7, v50;
	v48 =	vshll.u32 v48, $0x7;
	[tilespmem:s18+$0x0] =	vst v43  }
0x328: {  	s31 =	sand.u32 $0x380, s9;
	v43 =	vor.u32 v4, v48;
	[tilespmem:s4+$0x0] =	vst v47;
	v57 =	vld.idx.msk [tilespmem:v58+s3+$0x0], $0xffff  }
0x329: {  	s21 =	sor.u32 s31, s13;
	v47 =	vor.u32 v1, v44;
	[tilespmem:s7+$0x30] =	vst v59;
	v58 =	vld.idx.msk [tilespmem:v60+s3+$0x0], $0xffff  }
0x32a: {  	s17 =	simm.s32 $0x500;
	v0 =	vor.u32 v63, v45;
	[tilespmem:s21+$0x0] =	vst v46;
	v46 =	vld.idx.msk [tilespmem:v61+s11+$0x0], $0xffff  }
0x32b: {  	s30 =	sand.u32 $0x300, s17;
	v1 =	vor.u32 v63, v54;
	v51 =	vld.idx.msk [tilespmem:v51+s3+$0x0], $0xffff;
	[tilespmem:s15+$0x60] =	vst v56  }
0x32c: {  	v40 =	vor.u32 v7, v40;
	s19 =	sor.u32 s30, s13;
	v50 =	vld.idx.msk [tilespmem:v50+s3+$0x0], $0xffff  }
0x32d: {  	[tilespmem:s19+$0x0] =	vst v53;
	v53 =	vor.u32 v63, v49;
	v43 =	vld.idx.msk [tilespmem:v43+s3+$0x0], $0xffff  }
0x32e: {  	v56 =	vor.u32 v5, v48;
	v47 =	vld.idx.msk [tilespmem:v47+s3+$0x0], $0xffff;
	[tilespmem:s18+$0x10] =	vst v57  }
0x32f: {  	v61 =	vor.u32 v63, v44;
	[tilespmem:s4+$0x10] =	vst v58;
	v57 =	vld.idx.msk [tilespmem:v0+s3+$0x0], $0xffff  }
0x330: {  	[tilespmem:s8+$0x20] =	vst v55;
	v45 =	vor.u32 v2, v45;
	v0 =	vadd.s32 v10, v21;
	v1 =	vld.idx.msk [tilespmem:v1+s3+$0x0], $0xffff  }
0x331: {  	[tilespmem:s21+$0x10] =	vst v51;
	v51 =	vld.idx.msk [tilespmem:v40+s3+$0x0], $0xffff;
	v59 =	vor.u32 v20, v0  }
0x332: {  	v54 =	vor.u32 v2, v54;
	v46 =	vshll.u32 v46, $0x7;
	v53 =	vld.idx.msk [tilespmem:v53+s3+$0x0], $0xffff;
	[tilespmem:s2+$0x40] =	vst v43  }
0x333: {  	[tilespmem:s19+$0x10] =	vst v47;
	v43 =	vor.u32 v4, v46;
	v60 =	vld.idx.msk [tilespmem:v56+s3+$0x0], $0xffff  }
0x334: {  	v49 =	vor.u32 v2, v49;
	v61 =	vld.idx.msk [tilespmem:v61+s3+$0x0], $0xffff;
	[tilespmem:s18+$0x20] =	vst v57  }
0x335: {  	[tilespmem:s15+$0x70] =	vst v50;
	v56 =	vor.u32 v6, v48;
	v45 =	vld.idx.msk [tilespmem:v45+s3+$0x0], $0xffff  }
0x336: {  	v44 =	vor.u32 v2, v44;
	v40 =	vshll.u32 v52, $0x7;
	[tilespmem:s4+$0x20] =	vst v1;
	v57 =	vld.idx.msk [tilespmem:v59+s11+$0x0], $0xffff  }
0x337: {  	v0 =	vadd.s32 v8, v34;
	v55 =	vor.u32 v4, v40;
	v54 =	vld.idx.msk [tilespmem:v54+s3+$0x0], $0xffff;
	[tilespmem:s21+$0x20] =	vst v53  }
0x338: {  	v52 =	vor.u32 v35, v0;
	v1 =	vadd.s32 v8, v36;
	v43 =	vld.idx.msk [tilespmem:v43+s3+$0x0], $0xffff;
	[tilespmem:s2+$0x50] =	vst v60  }
0x339: {  	v2 =	vor.u32 v32, v1;
	v49 =	vld.idx.msk [tilespmem:v49+s3+$0x0], $0xffff;
	[tilespmem:s19+$0x20] =	vst v61  }
0x33a: {  	v61 =	vor.u32 v5, v46;
	v56 =	vld.idx.msk [tilespmem:v56+s3+$0x0], $0xffff;
	[tilespmem:s18+$0x30] =	vst v45  }
0x33b: {  	v23 =	vadd.s32 v13, v23;
	v59 =	vor.u32 v6, v33;
	v44 =	vld.idx.msk [tilespmem:v44+s3+$0x0], $0xffff;
	[tilespmem:$0x1FF90] =	vst v8  }
0x33c: {  	v22 =	vor.u32 v22, v23;
	v60 =	vadd.s32 v8, v37;
	v55 =	vld.idx.msk [tilespmem:v55+s3+$0x0], $0xffff;
	[tilespmem:s4+$0x30] =	vst v54  }
0x33d: {  	v47 =	vor.u32 v38, v60;
	v52 =	vld.idx.msk [tilespmem:v52+s11+$0x0], $0xffff;
	[tilespmem:s7+$0x40] =	vst v43  }
0x33e: {  	v0 =	vadd.s32 v8, v17;
	v48 =	vor.u32 v7, v48;
	[tilespmem:s21+$0x30] =	vst v49;
	v53 =	vld.idx.msk [tilespmem:v2+s11+$0x0], $0xffff  }
0x33f: {  	v57 =	vshll.u32 v57, $0x7;
	v45 =	vor.u32 v16, v0;
	[tilespmem:s25+$0x10] =	vst v41;
	v58 =	vld.idx.msk [tilespmem:v61+s3+$0x0], $0xffff  }
0x340: {  	v1 =	vor.u32 v4, v57;
	[tilespmem:s8+$0x30] =	vst v51;
	v49 =	vld.idx.msk [tilespmem:v59+s3+$0x0], $0xffff  }
0x341: {  	v51 =	vor.u32 v5, v39;
	v22 =	vld.idx.msk [tilespmem:v22+s11+$0x0], $0xffff  }
0x342: {  	v2 =	vor.u32 v5, v40;
	v47 =	vld.idx.msk [tilespmem:v47+s11+$0x0], $0xffff;
	[tilespmem:s2+$0x60] =	vst v56  }
0x343: {  	v60 =	vor.u32 v6, v46;
	[tilespmem:s19+$0x30] =	vst v44;
	v48 =	vld.idx.msk [tilespmem:v48+s3+$0x0], $0xffff  }
0x344: {  	v23 =	vadd.s32 v10, v27;
	v33 =	vor.u32 v7, v33;
	v45 =	vld.idx.msk [tilespmem:v45+s11+$0x0], $0xffff  }
0x345: {  	v23 =	vor.u32 v26, v23;
	[tilespmem:s6+$0x40] =	vst v42;
	v54 =	vld.idx.msk [tilespmem:v1+s3+$0x0], $0xffff  }
0x346: {  	v1 =	vor.u32 v5, v57;
	[tilespmem:s16+$0x40] =	vst v55;
	v52 =	vshll.u32 v52, $0x7;
	v51 =	vld.idx.msk [tilespmem:v51+s3+$0x0], $0xffff  }
0x347: {  	v61 =	vor.u32 v4, v52;
	v53 =	vshll.u32 v53, $0x7;
	v43 =	vld.idx.msk [tilespmem:v2+s3+$0x0], $0xffff;
	[tilespmem:s7+$0x50] =	vst v58  }
0x348: {  	[tilespmem:s25+$0x20] =	vst v49;
	v0 =	vor.u32 v4, v53;
	v47 =	vshll.u32 v47, $0x7;
	v44 =	vld.idx.msk [tilespmem:v60+s3+$0x0], $0xffff  }
0x349: {  	v19 =	vadd.s32 v13, v19;
	s13 =	sor.u32 s1, s14;
	v33 =	vld.idx.msk [tilespmem:v33+s3+$0x0], $0xffff;
	[tilespmem:s2+$0x70] =	vst v48;
	v2 =	vor.u32 v4, v47  }
0x34a: {  	v18 =	vor.u32 v18, v19;
	v45 =	vshll.u32 v45, $0x7;
	v23 =	vld.idx.msk [tilespmem:v23+s11+$0x0], $0xffff;
	[tilespmem:s13+$0x0] =	vst v54  }
0x34b: {  	v56 =	vor.u32 v4, v45;
	v50 =	vld.idx.msk [tilespmem:v1+s3+$0x0], $0xffff  }
0x34c: {  	v41 =	vld.idx.msk [tilespmem:v61+s3+$0x0], $0xffff;
	v61 =	vor.u32 v6, v40  }
0x34d: {  	v60 =	vld.idx.msk [tilespmem:v0+s3+$0x0], $0xffff;
	v0 =	vor.u32 v5, v52  }
0x34e: {  	v1 =	vor.u32 v5, v53;
	[tilespmem:s25+$0x30] =	vst v33;
	v48 =	vld.idx.msk [tilespmem:v2+s3+$0x0], $0xffff  }
0x34f: {  	v2 =	vor.u32 v6, v57;
	v18 =	vld.idx.msk [tilespmem:v18+s11+$0x0], $0xffff  }
0x350: {  	v46 =	vor.u32 v7, v46;
	[tilespmem:s16+$0x50] =	vst v43;
	v43 =	vld.idx.msk [tilespmem:v56+s3+$0x0], $0xffff  }
0x351: {  	[tilespmem:s18+$0x40] =	vst v41;
	v41 =	vor.u32 v5, v47;
	v55 =	vld.idx.msk [tilespmem:v61+s3+$0x0], $0xffff  }
0x352: {  	v22 =	vshll.u32 v22, $0x7;
	v56 =	vld.idx.msk [tilespmem:v0+s3+$0x0], $0xffff;
	[tilespmem:s4+$0x40] =	vst v60;
	v60 =	vor.u32 v5, v45  }
0x353: {  	[tilespmem:s13+$0x10] =	vst v50;
	v61 =	vor.u32 v4, v22;
	v42 =	vld.idx.msk [tilespmem:v1+s3+$0x0], $0xffff  }
0x354: {  	[tilespmem:s7+$0x60] =	vst v44;
	v0 =	vor.u32 v6, v52;
	v1 =	vld.idx.msk [tilespmem:v2+s3+$0x0], $0xffff  }
0x355: {  	v57 =	vor.u32 v7, v57;
	v46 =	vld.idx.msk [tilespmem:v46+s3+$0x0], $0xffff;
	[tilespmem:s21+$0x40] =	vst v48  }
0x356: {  	v2 =	vor.u32 v6, v53;
	[tilespmem:s19+$0x40] =	vst v43;
	v41 =	vld.idx.msk [tilespmem:v41+s3+$0x0], $0xffff  }
0x357: {  	v59 =	vor.u32 v6, v47;
	v19 =	vld.idx.msk [tilespmem:v60+s3+$0x0], $0xffff  }
0x358: {  	v50 =	vld.idx.msk [tilespmem:v61+s3+$0x0], $0xffff;
	[tilespmem:s18+$0x50] =	vst v56;
	v60 =	vor.u32 v6, v45  }
0x359: {  	v49 =	vld.idx.msk [tilespmem:v0+s3+$0x0], $0xffff;
	[tilespmem:s13+$0x20] =	vst v1;
	v0 =	vor.u32 v5, v22  }
0x35a: {  	v21 =	vadd.s32 v13, v21;
	v61 =	vor.u32 v7, v52;
	[tilespmem:s4+$0x50] =	vst v42;
	v43 =	vld.idx.msk [tilespmem:v57+s3+$0x0], $0xffff  }
0x35b: {  	v20 =	vor.u32 v20, v21;
	v48 =	vld.idx.msk [tilespmem:v2+s3+$0x0], $0xffff;
	[tilespmem:s21+$0x50] =	vst v41  }
0x35c: {  	v53 =	vor.u32 v7, v53;
	[tilespmem:s19+$0x50] =	vst v19;
	v19 =	vshll.u32 v23, $0x7;
	v21 =	vld.idx.msk [tilespmem:v59+s3+$0x0], $0xffff  }
0x35d: {  	[tilespmem:s8+$0x40] =	vst v50;
	v23 =	vld.idx.msk [tilespmem:v60+s3+$0x0], $0xffff;
	v1 =	vor.u32 v4, v19  }
0x35e: {  	v2 =	vor.u32 v7, v47;
	[tilespmem:s18+$0x60] =	vst v49;
	v41 =	vld.idx.msk [tilespmem:v0+s3+$0x0], $0xffff  }
0x35f: {  	v54 =	vadd.s32 v10, v29;
	v45 =	vor.u32 v7, v45;
	v33 =	vld.idx.msk [tilespmem:v61+s3+$0x0], $0xffff;
	[tilespmem:s13+$0x30] =	vst v43  }
0x360: {  	v52 =	vadd.s32 v11, v34;
	v43 =	vor.u32 v28, v54;
	[tilespmem:s4+$0x60] =	vst v48;
	v20 =	vld.idx.msk [tilespmem:v20+s11+$0x0], $0xffff  }
0x361: {  	[tilespmem:s7+$0x70] =	vst v46;
	v47 =	vor.u32 v35, v52;
	v50 =	vshll.u32 v18, $0x7;
	v58 =	vld.idx.msk [tilespmem:v53+s3+$0x0], $0xffff  }
0x362: {  	v57 =	vor.u32 v4, v50;
	[tilespmem:s21+$0x60] =	vst v21;
	v21 =	vld.idx.msk [tilespmem:v1+s3+$0x0], $0xffff  }
0x363: {  	v60 =	vor.u32 v6, v22;
	[tilespmem:s19+$0x60] =	vst v23;
	v18 =	vld.idx.msk [tilespmem:v2+s3+$0x0], $0xffff  }
0x364: {  	[tilespmem:s16+$0x60] =	vst v55;
	v0 =	vadd.s32 v11, v36;
	v23 =	vor.u32 v7, v40;
	v56 =	vld.idx.msk [tilespmem:v45+s3+$0x0], $0xffff  }
0x365: {  	v59 =	vadd.s32 v11, v17;
	v48 =	vor.u32 v32, v0;
	[tilespmem:s18+$0x70] =	vst v33;
	v43 =	vld.idx.msk [tilespmem:v43+s11+$0x0], $0xffff  }
0x366: {  	v44 =	vor.u32 v16, v59;
	v61 =	vadd.s32 v11, v37;
	v47 =	vld.idx.msk [tilespmem:v47+s11+$0x0], $0xffff;
	[tilespmem:$0x1FFA0] =	vst v11  }
0x367: {  	v46 =	vor.u32 v38, v61;
	v61 =	vor.u32 v6, v39;
	[tilespmem:s8+$0x50] =	vst v41;
	v42 =	vld.idx.msk [tilespmem:v57+s3+$0x0], $0xffff  }
0x368: {  	v2 =	vor.u32 v5, v50;
	v20 =	vshll.u32 v20, $0x7;
	[tilespmem:s6+$0x50] =	vst v51;
	v1 =	vld.idx.msk [tilespmem:v60+s3+$0x0], $0xffff  }
0x369: {  	[tilespmem:s4+$0x70] =	vst v58;
	v49 =	vld.idx.msk [tilespmem:v23+s3+$0x0], $0xffff;
	v23 =	vor.u32 v4, v20  }
0x36a: {  	v48 =	vld.idx.msk [tilespmem:v48+s11+$0x0], $0xffff;
	[tilespmem:s19+$0x70] =	vst v56  }
0x36b: {  	[tilespmem:s21+$0x70] =	vst v18;
	v18 =	vor.u32 v7, v22;
	v44 =	vld.idx.msk [tilespmem:v44+s11+$0x0], $0xffff;
	v41 =	vshll.u32 v47, $0x7  }
0x36c: {  	v45 =	vld.idx.msk [tilespmem:v61+s3+$0x0], $0xffff;
	v47 =	vor.u32 v4, v41;
	[tilespmem:s25+$0x40] =	vst v42  }
0x36d: {  	v29 =	vadd.s32 v13, v29;
	v55 =	vor.u32 v5, v19;
	v60 =	vld.idx.msk [tilespmem:v2+s3+$0x0], $0xffff;
	v2 =	vor.u32 v6, v30  }
0x36e: {  	s7 =	sadd.s32 $0x1D400, s5;
	[tilespmem:s26+$0x10] =	vst v31;
	v22 =	vadd.s32 v10, v25;
	v54 =	vld.idx.msk [tilespmem:v23+s3+$0x0], $0xffff;
	v23 =	vadd.s32 v13, v27  }
0x36f: {  	s1 =	sor.u32 s12, s7;
	v46 =	vld.idx.msk [tilespmem:v46+s11+$0x0], $0xffff;
	v33 =	vshll.u32 v43, $0x7;
	[tilespmem:s8+$0x60] =	vst v1;
	v14 =	vor.u32 v26, v23;
	v26 =	vor.u32 v5, v20  }
0x370: {  	[tilespmem:s1+$0x0] =	vst v21;
	v0 =	vld.idx.msk [tilespmem:v18+s3+$0x0], $0xffff;
	v18 =	vadd.s32 v13, v25;
	v25 =	vor.u32 v4, v33;
	v27 =	vshll.u32 v44, $0x7  }
0x371: {  	v58 =	vor.u32 v28, v29;
	[tilespmem:s6+$0x60] =	vst v45;
	v29 =	vld.idx.msk [tilespmem:v47+s3+$0x0], $0xffff;
	v1 =	vor.u32 v4, v27  }
0x372: {  	v22 =	vor.u32 v24, v22;
	[tilespmem:s16+$0x70] =	vst v49;
	v59 =	vld.idx.msk [tilespmem:v2+s3+$0x0], $0xffff  }
0x373: {  	v31 =	vor.u32 v6, v50;
	v57 =	vor.u32 v7, v39;
	[tilespmem:s13+$0x40] =	vst v54;
	v54 =	vld.idx.msk [tilespmem:v55+s3+$0x0], $0xffff  }
0x374: {  	s2 =	sadd.s32 $0x1D000, s28;
	v50 =	vor.u32 v7, v50;
	v56 =	vor.u32 v6, v20;
	[tilespmem:s25+$0x50] =	vst v60;
	v26 =	vld.idx.msk [tilespmem:v26+s3+$0x0], $0xffff  }
0x375: {  	s5 =	sor.u32 s0, s2;
	v45 =	vor.u32 v6, v41;
	v15 =	vor.u32 v24, v18;
	v42 =	vshll.u32 v46, $0x7;
	[tilespmem:s8+$0x70] =	vst v0;
	v25 =	vld.idx.msk [tilespmem:v25+s3+$0x0], $0xffff  }
0x376: {  	v24 =	vadd.s32 v13, v37;
	v55 =	vor.u32 v4, v42;
	[tilespmem:s5+$0x0] =	vst v29;
	v43 =	vld.idx.msk [tilespmem:v1+s3+$0x0], $0xffff  }
0x377: {  	v47 =	vld.idx.msk [tilespmem:v22+s11+$0x0], $0xffff;
	v22 =	vadd.s32 v12, v37;
	v60 =	vor.u32 v6, v19;
	[tilespmem:s26+$0x20] =	vst v59  }
0x378: {  	v28 =	vor.u32 v38, v22;
	v61 =	vld.idx.msk [tilespmem:v31+s3+$0x0], $0xffff;
	v1 =	vor.u32 v5, v41;
	[tilespmem:s1+$0x10] =	vst v54  }
0x379: {  	s10 =	sor.u32 s10, s7;
	v40 =	vshll.u32 v48, $0x7;
	v22 =	vadd.s32 v10, v37;
	v37 =	vld.idx.msk [tilespmem:v57+s3+$0x0], $0xffff;
	[tilespmem:s13+$0x50] =	vst v26;
	v26 =	vor.u32 v5, v27  }
0x37a: {  	s17 =	sor.u32 s30, s2;
	v48 =	vor.u32 v4, v40;
	v24 =	vor.u32 v38, v24;
	[tilespmem:s10+$0x0] =	vst v25;
	v56 =	vld.idx.msk [tilespmem:v56+s3+$0x0], $0xffff  }
0x37b: {  	v2 =	vor.u32 v7, v30;
	v57 =	vor.u32 v7, v20;
	v0 =	vld.idx.msk [tilespmem:v55+s3+$0x0], $0xffff;
	[tilespmem:s17+$0x0] =	vst v43  }
0x37c: {  	v20 =	vadd.s32 v10, v34;
	v31 =	vadd.s32 v12, v36;
	v39 =	vld.idx.msk [tilespmem:v60+s3+$0x0], $0xffff;
	[tilespmem:$0x1FFB0] =	vst v10  }
0x37d: {  	v21 =	vor.u32 v38, v22;
	v30 =	vor.u32 v32, v31;
	[tilespmem:s25+$0x60] =	vst v61;
	v44 =	vld.idx.msk [tilespmem:v1+s3+$0x0], $0xffff  }
0x37e: {  	v29 =	vadd.s32 v12, v34;
	v59 =	vor.u32 v5, v42;
	v31 =	vld.idx.msk [tilespmem:v26+s3+$0x0], $0xffff;
	[tilespmem:$0x1FFC0] =	vst v13  }
0x37f: {  	s16 =	sor.u32 s31, s2;
	v29 =	vor.u32 v35, v29;
	v25 =	vadd.s32 v10, v36;
	v60 =	vor.u32 v7, v19;
	[tilespmem:s13+$0x60] =	vst v56  }
0x380: {  	v10 =	vor.u32 v35, v20;
	v20 =	vadd.s32 v13, v34;
	v43 =	vld.idx.msk [tilespmem:v2+s3+$0x0], $0xffff;
	[tilespmem:s16+$0x0] =	vst v0  }
0x381: {  	v19 =	vadd.s32 v13, v36;
	v20 =	vor.u32 v35, v20;
	v35 =	vld.idx.msk [tilespmem:v50+s3+$0x0], $0xffff;
	[tilespmem:s1+$0x20] =	vst v39  }
0x382: {  	v22 =	vor.u32 v32, v25;
	v19 =	vor.u32 v32, v19;
	v32 =	vshll.u32 v47, $0x7;
	v34 =	vld.idx.msk [tilespmem:v57+s3+$0x0], $0xffff;
	[tilespmem:$0x1FFD0] =	vst v12  }
0x383: {  	v36 =	vor.u32 v6, v42;
	v38 =	vor.u32 v4, v32;
	v61 =	vadd.s32 v12, v9;
	v46 =	vld.idx.msk [tilespmem:v59+s3+$0x0], $0xffff  }
0x384: {  	s12 =	simm.s32 $0x8;
	v47 =	vor.u32 v62, v61;
	v39 =	vor.u32 v5, v33;
	v12 =	vmov v9;
	[tilespmem:s6+$0x70] =	vst v37;
	v37 =	vld.idx.msk [tilespmem:v60+s3+$0x0], $0xffff  }
.LBB2_5:
0x385: {  	_ =	sdelay $0x2  }
0x386: {  	v60 =	vld.idx.msk [tilespmem:v48+s3+$0x0], $0xffff  }
0x387: {  	v57 =	vld.idx.msk [tilespmem:v39+s3+$0x0], $0xffff  }
0x388: {  	v0 =	vld [tilespmem:$0x1FF80]  }
0x389: {  	[tilespmem:$0x1FF60] =	vst v20;
	v20 =	vmov v16;
	v16 =	vmov v12;
	v12 =	vld [tilespmem:$0x1FF90]  }
0x38a: {  	v11 =	vld [tilespmem:$0x1FFA0]  }
0x38b: {  	s4 =	sadd.s32 s12, s20;
	v9 =	vld [tilespmem:$0x1FFD0]  }
0x38c: {  	v50 =	vor.u32 v5, v40;
	v51 =	vor.u32 v7, v42;
	v18 =	vmov v17;
	v17 =	vld [tilespmem:$0x1FFB0];
	s6 =	sadd.s32 $0x4, s4;
	s14 =	sadd.s32 $0x5, s4;
	[tilespmem:s5+$0x10] =	vst v44  }
0x38d: {  	s12 =	sadd.s32 $0x4, s12;
	v41 =	vor.u32 v7, v41;
	v25 =	vmovc v21;
	v21 =	vmovc v19;
	v19 =	vld [tilespmem:$0x1FFE0];
	s15 =	sadd.s32 $0x6, s4;
	s4 =	sadd.s32 $0x7, s4;
	v55 =	vmov s6;
	v56 =	vmov s14;
	[tilespmem:s26+$0x30] =	vst v43  }
0x38e: {  	s8 =	sshrl.u32 s12, $0x3;
	v52 =	vmov s15;
	v53 =	vmov s4;
	v43 =	vand.u32 $0x80, v55;
	[tilespmem:s16+$0x10] =	vst v46;
	v49 =	vld.idx.msk [tilespmem:v45+s3+$0x0], $0xffff  }
0x38f: {  	s8 =	smul.u32 $0x3000, s8;
	v48 =	vand.u32 $0x80, v56;
	v42 =	vand.u32 $0x7D, v56;
	v54 =	vand.u32 $0x80, v53;
	v47 =	vld.idx.msk [tilespmem:v47+s11+$0x0], $0xffff;
	[tilespmem:s25+$0x70] =	vst v35  }
0x390: {  	v26 =	vmovc v24;
	v24 =	vand.u32 $0x7F, v53;
	[tilespmem:s13+$0x70] =	vst v34;
	v45 =	vand.u32 $0x7C, v55;
	v36 =	vld.idx.msk [tilespmem:v36+s3+$0x0], $0xffff;
	v61 =	vadd.s32 v0, v43  }
0x391: {  	v39 =	vand.u32 $0x7E, v52;
	s6 =	sshra.s32 s8, $0x2;
	s8 =	sor.u32 s29, s2;
	[tilespmem:s1+$0x30] =	vst v37;
	v1 =	vadd.s32 v0, v48;
	v46 =	vld.idx.msk [tilespmem:v38+s3+$0x0], $0xffff;
	v34 =	vor.u32 v45, v61  }
0x392: {  	v38 =	vand.u32 $0x80, v52;
	[tilespmem:s8+$0x0] =	vst v60;
	v55 =	vld.idx.msk [tilespmem:v14+s11+$0x0], $0xffff;
	v60 =	vadd.s32 v12, v54;
	v2 =	vor.u32 v42, v1  }
0x393: {  	v59 =	vadd.s32 v0, v54;
	v52 =	vadd.s32 v9, v43;
	v14 =	vld [tilespmem:$0x1FFC0];
	v44 =	vor.u32 v24, v60  }
0x394: {  	v61 =	vadd.s32 v0, v38;
	[tilespmem:s5+$0x20] =	vst v49;
	v49 =	vld.idx.msk [tilespmem:v50+s3+$0x0], $0xffff;
	v50 =	vor.u32 v24, v59  }
0x395: {  	v1 =	vadd.s32 v12, v48;
	v53 =	vshll.u32 v47, $0x7;
	v47 =	vor.u32 v39, v61;
	v41 =	vld.idx.msk [tilespmem:v41+s3+$0x0], $0xffff  }
0x396: {  	v60 =	vadd.s32 v11, v43;
	[tilespmem:s10+$0x10] =	vst v57;
	v0 =	vor.u32 v4, v53;
	v56 =	vld.idx.msk [tilespmem:v34+s11+$0x0], $0xffff  }
0x397: {  	[tilespmem:s16+$0x20] =	vst v36;
	v61 =	vadd.s32 v11, v54;
	v57 =	vld.idx.msk [tilespmem:v2+s11+$0x0], $0xffff;
	v2 =	vor.u32 v6, v40  }
0x398: {  	s25 =	sor.u32 s24, s7;
	v37 =	vor.u32 v45, v60;
	v59 =	vor.u32 v6, v33;
	v51 =	vld.idx.msk [tilespmem:v51+s3+$0x0], $0xffff;
	v35 =	vor.u32 v24, v61  }
0x399: {  	v60 =	vor.u32 v5, v53;
	[tilespmem:s25+$0x0] =	vst v46;
	v46 =	vor.u32 v42, v1;
	v34 =	vshll.u32 v55, $0x7;
	v55 =	vld.idx.msk [tilespmem:v50+s11+$0x0], $0xffff  }
0x39a: {  	v1 =	vadd.s32 v9, v48;
	v40 =	vor.u32 v7, v40;
	[tilespmem:s8+$0x10] =	vst v49;
	v47 =	vld.idx.msk [tilespmem:v47+s11+$0x0], $0xffff  }
0x39b: {  	v50 =	vadd.s32 v9, v54;
	[tilespmem:s5+$0x30] =	vst v41;
	v41 =	vor.u32 v5, v32;
	v49 =	vld.idx.msk [tilespmem:v0+s3+$0x0], $0xffff  }
0x39c: {  	[tilespmem:$0x1FF70] =	vst v10;
	v23 =	vmovc v58;
	v0 =	vadd.s32 v11, v48;
	v56 =	vshll.u32 v56, $0x7;
	v58 =	vld.idx.msk [tilespmem:v2+s3+$0x0], $0xffff;
	v2 =	vlaneseq.u32  }
0x39d: {  	v10 =	vmovc v62;
	v62 =	vor.u32 v24, v50;
	v59 =	vld.idx.msk [tilespmem:v59+s3+$0x0], $0xffff;
	v57 =	vshll.u32 v57, $0x7;
	v61 =	vor.u32 v2, v56  }
0x39e: {  	v13 =	vmov v63;
	[tilespmem:s16+$0x30] =	vst v51;
	v51 =	vor.u32 v42, v1;
	v50 =	vld.idx.msk [tilespmem:v29+s11+$0x0], $0xffff;
	v63 =	vor.u32 v2, v57  }
0x39f: {  	v36 =	vor.u32 v42, v0;
	v29 =	vor.u32 v45, v52;
	v1 =	vld.idx.msk [tilespmem:v28+s11+$0x0], $0xffff;
	v52 =	vshll.u32 v55, $0x7  }
0x3a0: {  	v28 =	vmov v62;
	v62 =	vshll.u32 v47, $0x7;
	v55 =	vld.idx.msk [tilespmem:v41+s3+$0x0], $0xffff;
	v0 =	vor.u32 v2, v52;
	[tilespmem:s26+$0x40] =	vst v49  }
0x3a1: {  	v2 =	vor.u32 v2, v62;
	v49 =	vld.idx.msk [tilespmem:v60+s3+$0x0], $0xffff  }
0x3a2: {  	v60 =	vor.u32 v4, v34;
	[tilespmem:s8+$0x20] =	vst v58;
	v61 =	vld.idx.msk [tilespmem:v61+s3+$0x0], $0xffff  }
0x3a3: {  	v3 =	vadd.s32 v17, v43;
	v58 =	vld.idx.msk [tilespmem:v63+s3+$0x0], $0xffff;
	[tilespmem:s10+$0x20] =	vst v59;
	v59 =	vor.u32 v6, v53  }
0x3a4: {  	s9 =	sadd.s32 $0x200, s9;
	v8 =	vld.idx.msk [tilespmem:v40+s3+$0x0], $0xffff;
	v40 =	vor.u32 v45, v3;
	v3 =	vor.u32 v19, v57  }
0x3a5: {  	s18 =	sadd.s32 $0xFFFFFE80, s9;
	s19 =	sadd.s32 $0xFFFFFF00, s9;
	s24 =	smov.u32 s0;
	v63 =	vor.u32 v19, v56;
	v0 =	vld.idx.msk [tilespmem:v0+s3+$0x0], $0xffff  }
0x3a6: {  	s0 =	sand.u32 $0x200, s18;
	s18 =	sand.u32 $0x280, s19;
	s13 =	sadd.s32 $0x1CC00, s6;
	v47 =	vadd.s32 v17, v54;
	v54 =	vadd.s32 v14, v54;
	[tilespmem:s25+$0x10] =	vst v55;
	v2 =	vld.idx.msk [tilespmem:v2+s3+$0x0], $0xffff  }
0x3a7: {  	s14 =	sor.u32 s18, s13;
	v47 =	vor.u32 v24, v47;
	v55 =	vld.idx.msk [tilespmem:v60+s3+$0x0], $0xffff;
	v60 =	vor.u32 v19, v52;
	[tilespmem:s26+$0x50] =	vst v49  }
0x3a8: {  	s4 =	sor.u32 s0, s13;
	v24 =	vor.u32 v24, v54;
	v54 =	vld.idx.msk [tilespmem:v59+s3+$0x0], $0xffff;
	[tilespmem:s14+$0x0] =	vst v58;
	v58 =	vor.u32 v19, v62  }
0x3a9: {  	s15 =	sand.u32 $0x380, s9;
	s19 =	sadd.s32 $0xFFFFFF80, s9;
	v41 =	vadd.s32 v17, v48;
	v48 =	vadd.s32 v14, v48;
	v1 =	vshll.u32 v1, $0x7;
	[tilespmem:s4+$0x0] =	vst v61;
	v3 =	vld.idx.msk [tilespmem:v3+s3+$0x0], $0xffff  }
0x3aa: {  	s21 =	sand.u32 $0x300, s19;
	s2 =	sor.u32 s15, s13;
	v49 =	vor.u32 v42, v48;
	v48 =	vor.u32 v4, v1;
	v59 =	vld.idx.msk [tilespmem:v63+s3+$0x0], $0xffff;
	[tilespmem:s8+$0x30] =	vst v8  }
0x3ab: {  	s19 =	sor.u32 s21, s13;
	v8 =	vor.u32 v7, v53;
	[tilespmem:s2+$0x0] =	vst v0;
	v0 =	vld.idx.msk [tilespmem:v30+s11+$0x0], $0xffff  }
0x3ac: {  	v53 =	vor.u32 v13, v56;
	[tilespmem:s19+$0x0] =	vst v2;
	v60 =	vld.idx.msk [tilespmem:v60+s3+$0x0], $0xffff  }
0x3ad: {  	v33 =	vor.u32 v7, v33;
	v30 =	vmov v51;
	v51 =	vor.u32 v13, v57;
	[tilespmem:s1+$0x40] =	vst v55;
	v55 =	vld.idx.msk [tilespmem:v58+s3+$0x0], $0xffff  }
0x3ae: {  	v63 =	vmov v13;
	v58 =	vor.u32 v13, v52;
	[tilespmem:s14+$0x10] =	vst v3;
	v3 =	vor.u32 v13, v62;
	v13 =	vld [tilespmem:$0x1FFF0]  }
0x3af: {  	v2 =	vld.idx.msk [tilespmem:v48+s3+$0x0], $0xffff;
	[tilespmem:s26+$0x60] =	vst v54  }
0x3b0: {  	v61 =	vadd.s32 v14, v43;
	v54 =	vor.u32 v5, v1;
	[tilespmem:s4+$0x10] =	vst v59;
	v8 =	vld.idx.msk [tilespmem:v8+s3+$0x0], $0xffff  }
0x3b1: {  	v41 =	vor.u32 v42, v41;
	v42 =	vor.u32 v45, v61;
	v61 =	vadd.s32 v17, v16;
	v53 =	vld.idx.msk [tilespmem:v53+s3+$0x0], $0xffff  }
0x3b2: {  	v51 =	vld.idx.msk [tilespmem:v51+s3+$0x0], $0xffff;
	v48 =	vshll.u32 v0, $0x7;
	v0 =	vor.u32 v10, v61  }
0x3b3: {  	[tilespmem:s2+$0x10] =	vst v60;
	v60 =	vld.idx.msk [tilespmem:v33+s3+$0x0], $0xffff;
	v56 =	vor.u32 v13, v56  }
0x3b4: {  	v58 =	vld.idx.msk [tilespmem:v58+s3+$0x0], $0xffff;
	[tilespmem:s16+$0x40] =	vst v2;
	v57 =	vor.u32 v13, v57  }
0x3b5: {  	[tilespmem:s19+$0x10] =	vst v55;
	v54 =	vld.idx.msk [tilespmem:v54+s3+$0x0], $0xffff;
	v52 =	vor.u32 v13, v52  }
0x3b6: {  	v61 =	vor.u32 v4, v48;
	v3 =	vld.idx.msk [tilespmem:v3+s3+$0x0], $0xffff;
	[tilespmem:s26+$0x70] =	vst v8  }
0x3b7: {  	v8 =	vor.u32 v6, v1;
	[tilespmem:s4+$0x20] =	vst v53;
	v0 =	vld.idx.msk [tilespmem:v0+s11+$0x0], $0xffff  }
0x3b8: {  	v33 =	vshll.u32 v50, $0x7;
	v62 =	vor.u32 v13, v62;
	[tilespmem:s14+$0x20] =	vst v51;
	v53 =	vld.idx.msk [tilespmem:v56+s3+$0x0], $0xffff  }
0x3b9: {  	v43 =	vadd.s32 v12, v43;
	[tilespmem:s2+$0x20] =	vst v58;
	v50 =	vld.idx.msk [tilespmem:v57+s3+$0x0], $0xffff;
	v57 =	vor.u32 v4, v33  }
0x3ba: {  	v43 =	vor.u32 v45, v43;
	[tilespmem:s10+$0x30] =	vst v60;
	v60 =	vld.idx.msk [tilespmem:v52+s3+$0x0], $0xffff  }
0x3bb: {  	[tilespmem:s16+$0x50] =	vst v54;
	v2 =	vld.idx.msk [tilespmem:v61+s3+$0x0], $0xffff  }
0x3bc: {  	[tilespmem:s19+$0x20] =	vst v3;
	v8 =	vld.idx.msk [tilespmem:v8+s3+$0x0], $0xffff  }
0x3bd: {  	v3 =	vor.u32 v5, v48;
	v51 =	vld.idx.msk [tilespmem:v62+s3+$0x0], $0xffff;
	[tilespmem:s4+$0x30] =	vst v53  }
0x3be: {  	v1 =	vor.u32 v7, v1;
	v0 =	vshll.u32 v0, $0x7;
	v53 =	vld.idx.msk [tilespmem:v57+s3+$0x0], $0xffff  }
0x3bf: {  	v61 =	vadd.s32 v12, v38;
	v62 =	vor.u32 v4, v0;
	[tilespmem:s14+$0x30] =	vst v50;
	v43 =	vld.idx.msk [tilespmem:v43+s11+$0x0], $0xffff  }
0x3c0: {  	[tilespmem:s2+$0x30] =	vst v60;
	v57 =	vor.u32 v39, v61;
	v46 =	vld.idx.msk [tilespmem:v46+s11+$0x0], $0xffff  }
0x3c1: {  	v58 =	vor.u32 v5, v33;
	[tilespmem:s8+$0x40] =	vst v2;
	v44 =	vld.idx.msk [tilespmem:v44+s11+$0x0], $0xffff  }
0x3c2: {  	[tilespmem:s16+$0x60] =	vst v8;
	v8 =	vor.u32 v6, v32;
	v3 =	vld.idx.msk [tilespmem:v3+s3+$0x0], $0xffff  }
0x3c3: {  	v59 =	vor.u32 v6, v48;
	[tilespmem:s19+$0x30] =	vst v51;
	v1 =	vld.idx.msk [tilespmem:v1+s3+$0x0], $0xffff  }
0x3c4: {  	v61 =	vld.idx.msk [tilespmem:v62+s3+$0x0], $0xffff  }
0x3c5: {  	v50 =	vld.idx.msk [tilespmem:v57+s11+$0x0], $0xffff;
	[tilespmem:s5+$0x40] =	vst v53;
	v51 =	vshll.u32 v43, $0x7  }
0x3c6: {  	v46 =	vshll.u32 v46, $0x7;
	v62 =	vor.u32 v4, v51;
	v2 =	vld.idx.msk [tilespmem:v58+s3+$0x0], $0xffff  }
0x3c7: {  	v44 =	vshll.u32 v44, $0x7;
	v60 =	vor.u32 v4, v46;
	[tilespmem:s8+$0x50] =	vst v3;
	v3 =	vld.idx.msk [tilespmem:v8+s3+$0x0], $0xffff  }
0x3c8: {  	v54 =	vor.u32 v4, v44;
	v45 =	vld.idx.msk [tilespmem:v59+s3+$0x0], $0xffff  }
0x3c9: {  	v8 =	vor.u32 v5, v0;
	[tilespmem:s16+$0x70] =	vst v1;
	v1 =	vld.idx.msk [tilespmem:v23+s11+$0x0], $0xffff  }
0x3ca: {  	v19 =	vmov v49;
	v55 =	vor.u32 v5, v34;
	v49 =	vshll.u32 v50, $0x7;
	v50 =	vld.idx.msk [tilespmem:v25+s11+$0x0], $0xffff  }
0x3cb: {  	s13 =	sor.u32 s23, s7;
	v58 =	vmov v21;
	v21 =	vmov v47;
	v47 =	vld.idx.msk [tilespmem:v62+s3+$0x0], $0xffff;
	v52 =	vor.u32 v4, v49  }
0x3cc: {  	[tilespmem:s13+$0x0] =	vst v61;
	v61 =	vor.u32 v6, v33;
	v53 =	vld.idx.msk [tilespmem:v60+s3+$0x0], $0xffff  }
0x3cd: {  	[tilespmem:s5+$0x50] =	vst v2;
	v60 =	vor.u32 v5, v51;
	v54 =	vld.idx.msk [tilespmem:v54+s3+$0x0], $0xffff  }
0x3ce: {  	[tilespmem:s25+$0x20] =	vst v3;
	v3 =	vld.idx.msk [tilespmem:v8+s3+$0x0], $0xffff;
	v8 =	vor.u32 v5, v46  }
0x3cf: {  	v32 =	vor.u32 v7, v32;
	[tilespmem:s8+$0x60] =	vst v45;
	v45 =	vld.idx.msk [tilespmem:v55+s3+$0x0], $0xffff  }
0x3d0: {  	v62 =	vor.u32 v6, v0;
	v52 =	vld.idx.msk [tilespmem:v52+s3+$0x0], $0xffff;
	[tilespmem:s4+$0x40] =	vst v47  }
0x3d1: {  	v55 =	vor.u32 v5, v44;
	v2 =	vld.idx.msk [tilespmem:v61+s3+$0x0], $0xffff  }
0x3d2: {  	v1 =	vshll.u32 v1, $0x7;
	[tilespmem:s14+$0x40] =	vst v53;
	v47 =	vld.idx.msk [tilespmem:v60+s3+$0x0], $0xffff;
	v61 =	vor.u32 v5, v49  }
0x3d3: {  	v53 =	vor.u32 v4, v1;
	[tilespmem:s2+$0x40] =	vst v54;
	v8 =	vld.idx.msk [tilespmem:v8+s3+$0x0], $0xffff  }
0x3d4: {  	[tilespmem:s13+$0x10] =	vst v3;
	v60 =	vor.u32 v6, v46;
	v32 =	vld.idx.msk [tilespmem:v32+s3+$0x0], $0xffff  }
0x3d5: {  	v3 =	vor.u32 v6, v51;
	[tilespmem:s1+$0x50] =	vst v45;
	v62 =	vld.idx.msk [tilespmem:v62+s3+$0x0], $0xffff  }
0x3d6: {  	v0 =	vor.u32 v7, v0;
	v45 =	vld.idx.msk [tilespmem:v55+s3+$0x0], $0xffff;
	[tilespmem:s19+$0x40] =	vst v52  }
0x3d7: {  	v43 =	vshll.u32 v50, $0x7;
	v50 =	vld.idx.msk [tilespmem:v61+s3+$0x0], $0xffff;
	[tilespmem:s5+$0x60] =	vst v2  }
0x3d8: {  	v2 =	vld.idx.msk [tilespmem:v53+s3+$0x0], $0xffff;
	[tilespmem:s14+$0x50] =	vst v8  }
0x3d9: {  	v61 =	vor.u32 v6, v44;
	[tilespmem:s4+$0x50] =	vst v47;
	v47 =	vld.idx.msk [tilespmem:v60+s3+$0x0], $0xffff  }
0x3da: {  	v8 =	vor.u32 v6, v49;
	[tilespmem:s13+$0x20] =	vst v62;
	v3 =	vld.idx.msk [tilespmem:v3+s3+$0x0], $0xffff  }
0x3db: {  	v48 =	vor.u32 v7, v48;
	v62 =	vadd.s32 v14, v16;
	v0 =	vld.idx.msk [tilespmem:v0+s3+$0x0], $0xffff  }
0x3dc: {  	v57 =	vor.u32 v5, v1;
	[tilespmem:s25+$0x30] =	vst v32;
	v32 =	vor.u32 v10, v62;
	v10 =	vld [tilespmem:$0x1FF60]  }
0x3dd: {  	v51 =	vor.u32 v7, v51;
	[tilespmem:s2+$0x50] =	vst v45;
	v56 =	vld.idx.msk [tilespmem:v15+s11+$0x0], $0xffff  }
0x3de: {  	[tilespmem:s19+$0x50] =	vst v50;
	v59 =	vld.idx.msk [tilespmem:v61+s3+$0x0], $0xffff  }
0x3df: {  	[tilespmem:s10+$0x40] =	vst v2;
	v8 =	vld.idx.msk [tilespmem:v8+s3+$0x0], $0xffff  }
0x3e0: {  	v50 =	vor.u32 v4, v43;
	v2 =	vld.idx.msk [tilespmem:v48+s3+$0x0], $0xffff;
	[tilespmem:s14+$0x60] =	vst v47  }
0x3e1: {  	v61 =	vor.u32 v7, v44;
	[tilespmem:s4+$0x60] =	vst v3;
	v47 =	vld.idx.msk [tilespmem:v57+s3+$0x0], $0xffff  }
0x3e2: {  	v3 =	vld.idx.msk [tilespmem:v51+s3+$0x0], $0xffff;
	v51 =	vor.u32 v7, v49  }
0x3e3: {  	v46 =	vor.u32 v7, v46;
	v15 =	vmov v10;
	[tilespmem:s13+$0x30] =	vst v0;
	v10 =	vld [tilespmem:$0x1FF70]  }
0x3e4: {  	v32 =	vld.idx.msk [tilespmem:v32+s11+$0x0], $0xffff;
	[tilespmem:s2+$0x60] =	vst v59  }
0x3e5: {  	v17 =	vmov v38;
	v38 =	vld.idx.msk [tilespmem:v50+s3+$0x0], $0xffff  }
0x3e6: {  	v33 =	vor.u32 v7, v33;
	v0 =	vshll.u32 v56, $0x7;
	[tilespmem:s19+$0x60] =	vst v8;
	v8 =	vld.idx.msk [tilespmem:v61+s3+$0x0], $0xffff  }
0x3e7: {  	v53 =	vor.u32 v4, v0;
	[tilespmem:s8+$0x70] =	vst v2;
	v52 =	vld.idx.msk [tilespmem:v51+s3+$0x0], $0xffff  }
0x3e8: {  	v55 =	vor.u32 v6, v1;
	[tilespmem:s4+$0x70] =	vst v3;
	v3 =	vld.idx.msk [tilespmem:v46+s3+$0x0], $0xffff  }
0x3e9: {  	v54 =	vadd.s32 v11, v17;
	v16 =	vmov v39;
	[tilespmem:s10+$0x50] =	vst v47;
	v37 =	vld.idx.msk [tilespmem:v37+s11+$0x0], $0xffff  }
0x3ea: {  	s7 =	sadd.s32 $0x1D400, s28;
	v62 =	vmovc v20;
	v20 =	vmov v42;
	v42 =	vor.u32 v16, v54;
	v46 =	vshll.u32 v32, $0x7;
	v56 =	vld.idx.msk [tilespmem:v22+s11+$0x0], $0xffff  }
0x3eb: {  	s23 =	smov.u32 s30;
	s30 =	smov.u32 s21;
	s21 =	sor.u32 s31, s7;
	v57 =	vld.idx.msk [tilespmem:v33+s3+$0x0], $0xffff;
	v59 =	vor.u32 v4, v46  }
0x3ec: {  	v2 =	vld.idx.msk [tilespmem:v53+s3+$0x0], $0xffff;
	[tilespmem:s21+$0x0] =	vst v38  }
0x3ed: {  	v60 =	vld.idx.msk [tilespmem:v55+s3+$0x0], $0xffff;
	[tilespmem:s2+$0x70] =	vst v8  }
0x3ee: {  	v1 =	vor.u32 v7, v1;
	[tilespmem:s19+$0x70] =	vst v52;
	v35 =	vld.idx.msk [tilespmem:v35+s11+$0x0], $0xffff  }
0x3ef: {  	v8 =	vor.u32 v5, v0;
	v42 =	vld.idx.msk [tilespmem:v42+s11+$0x0], $0xffff  }
0x3f0: {  	v22 =	vmov v41;
	[tilespmem:s14+$0x70] =	vst v3;
	v52 =	vor.u32 v5, v43;
	v41 =	vshll.u32 v37, $0x7;
	v3 =	vld.idx.msk [tilespmem:v59+s3+$0x0], $0xffff  }
0x3f1: {  	v36 =	vld.idx.msk [tilespmem:v36+s11+$0x0], $0xffff;
	[tilespmem:s5+$0x70] =	vst v57;
	v51 =	vor.u32 v4, v41  }
0x3f2: {  	v61 =	vor.u32 v5, v46;
	[tilespmem:s10+$0x60] =	vst v60;
	v53 =	vld.idx.msk [tilespmem:v10+s11+$0x0], $0xffff  }
0x3f3: {  	v54 =	vor.u32 v6, v27;
	[tilespmem:s25+$0x40] =	vst v2;
	v1 =	vld.idx.msk [tilespmem:v1+s3+$0x0], $0xffff  }
0x3f4: {  	v33 =	vshll.u32 v56, $0x7;
	v2 =	vld.idx.msk [tilespmem:v8+s3+$0x0], $0xffff;
	v8 =	vor.u32 v6, v34  }
0x3f5: {  	v56 =	vor.u32 v4, v33;
	v57 =	vld.idx.msk [tilespmem:v52+s3+$0x0], $0xffff;
	v39 =	vshll.u32 v42, $0x7  }
0x3f6: {  	s26 =	smov.u32 s17;
	v42 =	vshll.u32 v35, $0x7;
	[tilespmem:s13+$0x40] =	vst v3;
	v44 =	vld.idx.msk [tilespmem:v51+s3+$0x0], $0xffff;
	v55 =	vor.u32 v4, v39  }
0x3f7: {  	v35 =	vor.u32 v4, v42;
	v3 =	vld.idx.msk [tilespmem:v61+s3+$0x0], $0xffff;
	[tilespmem:s26+$0x10] =	vst v31  }
0x3f8: {  	s28 =	smov.u32 s6;
	v31 =	vor.u32 v6, v0;
	[tilespmem:s10+$0x70] =	vst v1;
	v37 =	vld.idx.msk [tilespmem:v54+s3+$0x0], $0xffff  }
0x3f9: {  	s2 =	sadd.s32 $0x1D000, s28;
	v8 =	vld.idx.msk [tilespmem:v8+s3+$0x0], $0xffff;
	[tilespmem:s25+$0x50] =	vst v2;
	v2 =	vor.u32 v6, v46  }
0x3fa: {  	s5 =	sor.u32 s0, s2;
	v60 =	vor.u32 v7, v34;
	v61 =	vld.idx.msk [tilespmem:v56+s3+$0x0], $0xffff  }
0x3fb: {  	v52 =	vor.u32 v6, v43;
	v59 =	vld.idx.msk [tilespmem:v55+s3+$0x0], $0xffff;
	[tilespmem:s5+$0x0] =	vst v44  }
0x3fc: {  	v54 =	vld.idx.msk [tilespmem:v35+s3+$0x0], $0xffff;
	[tilespmem:s21+$0x10] =	vst v57;
	v55 =	vor.u32 v5, v41  }
0x3fd: {  	v32 =	vshll.u32 v53, $0x7;
	v53 =	vor.u32 v5, v39;
	[tilespmem:s13+$0x50] =	vst v3;
	v56 =	vld.idx.msk [tilespmem:v31+s3+$0x0], $0xffff  }
0x3fe: {  	v57 =	vor.u32 v7, v27;
	v2 =	vld.idx.msk [tilespmem:v2+s3+$0x0], $0xffff;
	[tilespmem:s1+$0x60] =	vst v8  }
0x3ff: {  	v0 =	vor.u32 v7, v0;
	s10 =	sor.u32 s29, s7;
	v1 =	vld.idx.msk [tilespmem:v60+s3+$0x0], $0xffff  }
0x400: {  	s17 =	sor.u32 s30, s2;
	v3 =	vor.u32 v7, v46;
	[tilespmem:s10+$0x0] =	vst v61;
	v8 =	vld.idx.msk [tilespmem:v52+s3+$0x0], $0xffff  }
0x401: {  	[tilespmem:s17+$0x0] =	vst v59;
	v59 =	vor.u32 v5, v42;
	v44 =	vld.idx.msk [tilespmem:v55+s3+$0x0], $0xffff  }
0x402: {  	p0 =	slt.u32 s12, $0x1C;
	v60 =	vor.u32 v7, v43;
	v31 =	vld.idx.msk [tilespmem:v53+s3+$0x0], $0xffff;
	[tilespmem:s26+$0x20] =	vst v37  }
.Ltmp1:
0x403: {  	s31 =	smov.u32 s15;
	[tilespmem:s25+$0x60] =	vst v56;
	v43 =	vld.idx.msk [tilespmem:v57+s3+$0x0], $0xffff;
	(pc) =	sbr.rel @p0 .LBB2_5-.Ltmp1, $4  }
0x404: {  	s16 =	sor.u32 s31, s2;
	v10 =	vmov v40;
	v45 =	vor.u32 v6, v41;
	v40 =	vshll.u32 v36, $0x7;
	v35 =	vld.idx.msk [tilespmem:v0+s3+$0x0], $0xffff;
	[tilespmem:s13+$0x60] =	vst v2  }
0x405: {  	v12 =	vmov v18;
	v36 =	vor.u32 v6, v42;
	v48 =	vor.u32 v4, v40;
	[tilespmem:s16+$0x0] =	vst v54;
	v34 =	vld.idx.msk [tilespmem:v3+s3+$0x0], $0xffff  }
0x406: {  	v14 =	vmov v26;
	v38 =	vor.u32 v4, v32;
	v61 =	vadd.s32 v9, v12;
	v46 =	vld.idx.msk [tilespmem:v59+s3+$0x0], $0xffff;
	[tilespmem:s21+$0x20] =	vst v8  }
0x407: {  	s29 =	smov.u32 s18;
	v27 =	vmov v39;
	v39 =	vor.u32 v5, v33;
	v47 =	vor.u32 v62, v61;
	v37 =	vld.idx.msk [tilespmem:v60+s3+$0x0], $0xffff;
	[tilespmem:s1+$0x70] =	vst v1;
	s1 =	smov.u32 s21  }
0x408: {  	_ =	sdelay $0x3  }
0x409: {  	v0 =	vld.idx.msk [tilespmem:v48+s3+$0x0], $0xffff  }
0x40a: {  	v1 =	vor.u32 v5, v40;
	_ =	sdelay $0x2  }
0x40b: {  	s4 =	sor.u32 s29, s2  }
0x40c: {  	v2 =	vor.u32 v6, v27;
	[tilespmem:s4+$0x0] =	vst v0  }
0x40d: {  	v0 =	vld.idx.msk [tilespmem:v1+s3+$0x0], $0xffff  }
0x40e: {  	[tilespmem:s5+$0x10] =	vst v44;
	v1 =	vor.u32 v6, v40  }
0x40f: {  	v11 =	vld.idx.msk [tilespmem:v45+s3+$0x0], $0xffff;
	[tilespmem:s16+$0x10] =	vst v46  }
0x410: {  	[tilespmem:s17+$0x10] =	vst v31;
	v3 =	vld.idx.msk [tilespmem:v36+s3+$0x0], $0xffff  }
0x411: {  	[tilespmem:s26+$0x30] =	vst v43;
	v2 =	vld.idx.msk [tilespmem:v2+s3+$0x0], $0xffff  }
0x412: {  	[tilespmem:s4+$0x10] =	vst v0;
	v0 =	vld.idx.msk [tilespmem:v47+s11+$0x0], $0xffff  }
0x413: {  	v1 =	vld.idx.msk [tilespmem:v1+s3+$0x0], $0xffff;
	_ =	sdelay $0x1  }
0x414: {  	v50 =	vor.u32 v7, v42;
	[tilespmem:s5+$0x20] =	vst v11  }
0x415: {  	v8 =	vor.u32 v7, v40;
	[tilespmem:s16+$0x20] =	vst v3  }
0x416: {  	v51 =	vor.u32 v7, v41;
	[tilespmem:s17+$0x20] =	vst v2;
	v0 =	vshll.u32 v0, $0x7  }
0x417: {  	v53 =	vor.u32 v4, v0;
	[tilespmem:s4+$0x20] =	vst v1  }
0x418: {  	v52 =	vor.u32 v7, v27;
	v9 =	vld [tilespmem:$0x1FFD0]  }
0x419: {  	v3 =	vld.idx.msk [tilespmem:v50+s3+$0x0], $0xffff  }
0x41a: {  	v1 =	vld.idx.msk [tilespmem:v8+s3+$0x0], $0xffff  }
0x41b: {  	v8 =	vld.idx.msk [tilespmem:v51+s3+$0x0], $0xffff  }
0x41c: {  	v55 =	vld.idx.msk [tilespmem:v53+s3+$0x0], $0xffff  }
0x41d: {  	v2 =	vld.idx.msk [tilespmem:v52+s3+$0x0], $0xffff;
	v13 =	vor.u32 v5, v0;
	v54 =	vadd.s32 v9, v17  }
0x41e: {  	[tilespmem:s16+$0x30] =	vst v3;
	v11 =	vor.u32 v16, v54  }
0x41f: {  	v3 =	vld.idx.msk [tilespmem:v28+s11+$0x0], $0xffff;
	[tilespmem:s4+$0x30] =	vst v1  }
0x420: {  	[tilespmem:s5+$0x30] =	vst v8;
	v1 =	vld.idx.msk [tilespmem:v30+s11+$0x0], $0xffff  }
0x421: {  	v8 =	vld.idx.msk [tilespmem:v29+s11+$0x0], $0xffff;
	[tilespmem:s26+$0x40] =	vst v55  }
0x422: {  	[tilespmem:s17+$0x30] =	vst v2;
	v56 =	vld.idx.msk [tilespmem:v13+s3+$0x0], $0xffff  }
0x423: {  	v2 =	vld.idx.msk [tilespmem:v11+s11+$0x0], $0xffff  }
0x424: {  	v57 =	vor.u32 v6, v0  }
0x425: {  	v1 =	vshll.u32 v1, $0x7  }
0x426: {  	v3 =	vshll.u32 v3, $0x7;
	v59 =	vor.u32 v4, v1  }
0x427: {  	v60 =	vor.u32 v4, v3;
	v8 =	vshll.u32 v8, $0x7  }
0x428: {  	v61 =	vor.u32 v4, v8;
	[tilespmem:s26+$0x50] =	vst v56;
	v2 =	vshll.u32 v2, $0x7  }
0x429: {  	v44 =	vld.idx.msk [tilespmem:v57+s3+$0x0], $0xffff;
	v43 =	vor.u32 v4, v2  }
0x42a: {  	v18 =	vld.idx.msk [tilespmem:v39+s3+$0x0], $0xffff;
	v0 =	vor.u32 v7, v0  }
0x42b: {  	v13 =	vld.idx.msk [tilespmem:v59+s3+$0x0], $0xffff  }
0x42c: {  	v27 =	vld.idx.msk [tilespmem:v60+s3+$0x0], $0xffff;
	v45 =	vor.u32 v5, v1  }
0x42d: {  	v46 =	vor.u32 v5, v3;
	v28 =	vld.idx.msk [tilespmem:v61+s3+$0x0], $0xffff  }
0x42e: {  	v47 =	vor.u32 v5, v8;
	[tilespmem:s26+$0x60] =	vst v44;
	v11 =	vld.idx.msk [tilespmem:v43+s3+$0x0], $0xffff  }
0x42f: {  	v0 =	vld.idx.msk [tilespmem:v0+s3+$0x0], $0xffff  }
0x430: {  	v59 =	vor.u32 v6, v33;
	v49 =	vld [tilespmem:$0x1FFB0];
	[tilespmem:s4+$0x40] =	vst v13  }
0x431: {  	v48 =	vor.u32 v5, v2;
	[tilespmem:s16+$0x40] =	vst v27;
	v52 =	vld.idx.msk [tilespmem:v45+s3+$0x0], $0xffff  }
0x432: {  	v54 =	vor.u32 v6, v1;
	[tilespmem:s5+$0x40] =	vst v28;
	v53 =	vld.idx.msk [tilespmem:v46+s3+$0x0], $0xffff  }
0x433: {  	v55 =	vor.u32 v6, v3;
	[tilespmem:s10+$0x10] =	vst v18;
	v36 =	vld.idx.msk [tilespmem:v47+s3+$0x0], $0xffff  }
0x434: {  	v38 =	vld.idx.msk [tilespmem:v38+s3+$0x0], $0xffff;
	v56 =	vor.u32 v6, v8;
	[tilespmem:s17+$0x40] =	vst v11  }
0x435: {  	v60 =	vor.u32 v5, v32;
	v18 =	vld.idx.msk [tilespmem:v59+s3+$0x0], $0xffff;
	v50 =	vadd.s32 v49, v12;
	[tilespmem:s26+$0x70] =	vst v0  }
0x436: {  	v51 =	vor.u32 v62, v50;
	v57 =	vld.idx.msk [tilespmem:v48+s3+$0x0], $0xffff;
	[tilespmem:s4+$0x50] =	vst v52  }
0x437: {  	v0 =	vor.u32 v6, v2;
	[tilespmem:s16+$0x50] =	vst v53;
	v61 =	vld.idx.msk [tilespmem:v54+s3+$0x0], $0xffff  }
0x438: {  	s21 =	sor.u32 s24, s7;
	v1 =	vor.u32 v7, v1;
	[tilespmem:s5+$0x50] =	vst v36;
	v28 =	vld.idx.msk [tilespmem:v55+s3+$0x0], $0xffff  }
0x439: {  	v3 =	vor.u32 v7, v3;
	[tilespmem:s21+$0x0] =	vst v38;
	v11 =	vld.idx.msk [tilespmem:v56+s3+$0x0], $0xffff  }
0x43a: {  	v8 =	vor.u32 v7, v8;
	v27 =	vld.idx.msk [tilespmem:v60+s3+$0x0], $0xffff  }
0x43b: {  	v26 =	vor.u32 v7, v33;
	v13 =	vld.idx.msk [tilespmem:v51+s11+$0x0], $0xffff;
	[tilespmem:s17+$0x50] =	vst v57  }
0x43c: {  	v39 =	vor.u32 v6, v32;
	v0 =	vld.idx.msk [tilespmem:v0+s3+$0x0], $0xffff;
	[tilespmem:s4+$0x60] =	vst v61  }
0x43d: {  	v2 =	vor.u32 v7, v2;
	[tilespmem:s16+$0x60] =	vst v28;
	v1 =	vld.idx.msk [tilespmem:v1+s3+$0x0], $0xffff  }
0x43e: {  	[tilespmem:s5+$0x60] =	vst v11;
	v3 =	vld.idx.msk [tilespmem:v3+s3+$0x0], $0xffff  }
0x43f: {  	[tilespmem:s10+$0x20] =	vst v18;
	v8 =	vld.idx.msk [tilespmem:v8+s3+$0x0], $0xffff  }
0x440: {  	[tilespmem:s21+$0x10] =	vst v27;
	v36 =	vld.idx.msk [tilespmem:v26+s3+$0x0], $0xffff;
	v13 =	vshll.u32 v13, $0x7  }
0x441: {  	v11 =	vld.idx.msk [tilespmem:v39+s3+$0x0], $0xffff;
	v25 =	vor.u32 v4, v13;
	[tilespmem:s17+$0x60] =	vst v0  }
0x442: {  	v46 =	vor.u32 v7, v32;
	v0 =	vld.idx.msk [tilespmem:v2+s3+$0x0], $0xffff;
	v2 =	vadd.s32 v49, v17;
	[tilespmem:s4+$0x70] =	vst v1  }
0x443: {  	[tilespmem:s16+$0x70] =	vst v3;
	v2 =	vor.u32 v16, v2;
	v1 =	vld.idx.msk [tilespmem:v22+s11+$0x0], $0xffff  }
0x444: {  	[tilespmem:s5+$0x70] =	vst v8;
	v3 =	vld.idx.msk [tilespmem:v21+s11+$0x0], $0xffff  }
0x445: {  	[tilespmem:s1+$0x30] =	vst v37;
	v38 =	vld.idx.msk [tilespmem:v10+s11+$0x0], $0xffff  }
0x446: {  	[tilespmem:s21+$0x20] =	vst v11;
	v33 =	vld.idx.msk [tilespmem:v25+s3+$0x0], $0xffff  }
0x447: {  	v37 =	vor.u32 v5, v13;
	v27 =	vld.idx.msk [tilespmem:v46+s3+$0x0], $0xffff;
	[tilespmem:s17+$0x70] =	vst v0  }
0x448: {  	v2 =	vld.idx.msk [tilespmem:v2+s11+$0x0], $0xffff  }
0x449: {  	v1 =	vshll.u32 v1, $0x7  }
0x44a: {  	s23 =	sor.u32 s23, s7;
	v23 =	vld.idx.msk [tilespmem:v14+s11+$0x0], $0xffff;
	[tilespmem:s10+$0x30] =	vst v36;
	v3 =	vshll.u32 v3, $0x7;
	v43 =	vor.u32 v4, v1  }
0x44b: {  	v41 =	vld.idx.msk [tilespmem:v58+s11+$0x0], $0xffff;
	v22 =	vshll.u32 v38, $0x7;
	v25 =	vor.u32 v4, v3;
	[tilespmem:s23+$0x0] =	vst v33  }
0x44c: {  	v26 =	vor.u32 v4, v22;
	v40 =	vld.idx.msk [tilespmem:v37+s3+$0x0], $0xffff  }
0x44d: {  	v42 =	vor.u32 v6, v13;
	[tilespmem:s21+$0x30] =	vst v27;
	v2 =	vshll.u32 v2, $0x7  }
0x44e: {  	v18 =	vld.idx.msk [tilespmem:v15+s11+$0x0], $0xffff;
	v44 =	vor.u32 v4, v2  }
0x44f: {  	v8 =	vshll.u32 v23, $0x7;
	v23 =	vld.idx.msk [tilespmem:v43+s3+$0x0], $0xffff  }
0x450: {  	v45 =	vshll.u32 v41, $0x7;
	v25 =	vld.idx.msk [tilespmem:v25+s3+$0x0], $0xffff  }
0x451: {  	v28 =	vor.u32 v4, v45;
	v26 =	vld.idx.msk [tilespmem:v26+s3+$0x0], $0xffff;
	[tilespmem:s23+$0x10] =	vst v40  }
0x452: {  	s24 =	sadd.s32 $0x1D400, s28;
	v47 =	vor.u32 v5, v1;
	v21 =	vld.idx.msk [tilespmem:v42+s3+$0x0], $0xffff  }
0x453: {  	s26 =	sor.u32 s29, s24;
	v48 =	vor.u32 v5, v3;
	v50 =	vld.idx.msk [tilespmem:v44+s3+$0x0], $0xffff  }
0x454: {  	s6 =	sor.u32 s31, s24;
	[tilespmem:s26+$0x0] =	vst v23  }
0x455: {  	s0 =	sor.u32 s0, s24;
	v49 =	vor.u32 v5, v22;
	[tilespmem:s6+$0x0] =	vst v25  }
0x456: {  	v28 =	vld.idx.msk [tilespmem:v28+s3+$0x0], $0xffff;
	v51 =	vor.u32 v5, v2;
	[tilespmem:s0+$0x0] =	vst v26  }
0x457: {  	s7 =	sor.u32 s30, s24;
	v0 =	vor.u32 v4, v8;
	v31 =	vshll.u32 v18, $0x7;
	v23 =	vld.idx.msk [tilespmem:v47+s3+$0x0], $0xffff;
	[tilespmem:s23+$0x20] =	vst v21  }
0x458: {  	v18 =	vor.u32 v4, v31;
	v25 =	vld.idx.msk [tilespmem:v48+s3+$0x0], $0xffff;
	[tilespmem:s7+$0x0] =	vst v50  }
0x459: {  	v52 =	vor.u32 v6, v1;
	v57 =	vld [tilespmem:$0x1FFC0]  }
0x45a: {  	v53 =	vor.u32 v6, v3;
	v11 =	vld.idx.msk [tilespmem:v49+s3+$0x0], $0xffff  }
0x45b: {  	v54 =	vor.u32 v6, v22;
	v55 =	vld.idx.msk [tilespmem:v51+s3+$0x0], $0xffff  }
0x45c: {  	v0 =	vld.idx.msk [tilespmem:v0+s3+$0x0], $0xffff;
	v56 =	vor.u32 v6, v2  }
0x45d: {  	v13 =	vor.u32 v7, v13;
	v37 =	vld.idx.msk [tilespmem:v18+s3+$0x0], $0xffff;
	[tilespmem:s26+$0x10] =	vst v23  }
0x45e: {  	v59 =	vor.u32 v5, v45;
	[tilespmem:s6+$0x10] =	vst v25;
	v61 =	vld.idx.msk [tilespmem:v52+s3+$0x0], $0xffff;
	v58 =	vadd.s32 v57, v12  }
0x45f: {  	v1 =	vor.u32 v7, v1;
	[tilespmem:s0+$0x10] =	vst v11;
	v60 =	vor.u32 v62, v58;
	v62 =	vld.idx.msk [tilespmem:v53+s3+$0x0], $0xffff  }
0x460: {  	v3 =	vor.u32 v7, v3;
	v11 =	vld.idx.msk [tilespmem:v54+s3+$0x0], $0xffff;
	[tilespmem:s7+$0x10] =	vst v55  }
0x461: {  	v29 =	vor.u32 v7, v22;
	v21 =	vld.idx.msk [tilespmem:v56+s3+$0x0], $0xffff  }
0x462: {  	v2 =	vor.u32 v7, v2;
	v13 =	vld.idx.msk [tilespmem:v13+s3+$0x0], $0xffff;
	[tilespmem:s10+$0x40] =	vst v28  }
0x463: {  	v30 =	vld.idx.msk [tilespmem:v59+s3+$0x0], $0xffff;
	[tilespmem:s26+$0x20] =	vst v61  }
0x464: {  	v32 =	vor.u32 v6, v45;
	v1 =	vld.idx.msk [tilespmem:v1+s3+$0x0], $0xffff;
	[tilespmem:s6+$0x20] =	vst v62  }
0x465: {  	[tilespmem:s0+$0x20] =	vst v11;
	v3 =	vld.idx.msk [tilespmem:v3+s3+$0x0], $0xffff  }
0x466: {  	v11 =	vld.idx.msk [tilespmem:v29+s3+$0x0], $0xffff;
	[tilespmem:s7+$0x20] =	vst v21  }
0x467: {  	[tilespmem:s23+$0x30] =	vst v13;
	v36 =	vadd.s32 v57, v17;
	v2 =	vld.idx.msk [tilespmem:v2+s3+$0x0], $0xffff  }
0x468: {  	[tilespmem:s10+$0x50] =	vst v30;
	v12 =	vor.u32 v16, v36;
	v9 =	vld.idx.msk [tilespmem:v60+s11+$0x0], $0xffff  }
0x469: {  	v39 =	vor.u32 v5, v8;
	v10 =	vld.idx.msk [tilespmem:v32+s3+$0x0], $0xffff;
	[tilespmem:s26+$0x30] =	vst v1  }
0x46a: {  	v1 =	vld.idx.msk [tilespmem:v19+s11+$0x0], $0xffff;
	[tilespmem:s6+$0x30] =	vst v3  }
0x46b: {  	[tilespmem:s0+$0x30] =	vst v11;
	v3 =	vld.idx.msk [tilespmem:v24+s11+$0x0], $0xffff  }
0x46c: {  	v41 =	vor.u32 v7, v45;
	v40 =	vld.idx.msk [tilespmem:v20+s11+$0x0], $0xffff;
	[tilespmem:s7+$0x30] =	vst v2  }
0x46d: {  	[tilespmem:s1+$0x40] =	vst v0;
	v9 =	vshll.u32 v9, $0x7;
	v2 =	vor.u32 v5, v31;
	v12 =	vld.idx.msk [tilespmem:v12+s11+$0x0], $0xffff  }
0x46e: {  	v11 =	vld.idx.msk [tilespmem:v39+s3+$0x0], $0xffff;
	v38 =	vor.u32 v4, v9  }
0x46f: {  	v47 =	vor.u32 v6, v8;
	v1 =	vshll.u32 v1, $0x7  }
0x470: {  	[tilespmem:s10+$0x60] =	vst v10;
	v0 =	vshll.u32 v3, $0x7;
	v3 =	vor.u32 v4, v1  }
0x471: {  	[tilespmem:s21+$0x40] =	vst v37;
	v45 =	vld.idx.msk [tilespmem:v41+s3+$0x0], $0xffff;
	v17 =	vshll.u32 v40, $0x7;
	v43 =	vor.u32 v4, v0  }
0x472: {  	v44 =	vor.u32 v4, v17;
	v2 =	vld.idx.msk [tilespmem:v2+s3+$0x0], $0xffff;
	v12 =	vshll.u32 v12, $0x7  }
0x473: {  	[tilespmem:s1+$0x50] =	vst v11;
	v16 =	vld.idx.msk [tilespmem:v38+s3+$0x0], $0xffff;
	v46 =	vor.u32 v4, v12  }
0x474: {  	[tilespmem:s25+$0x70] =	vst v35;
	v42 =	vor.u32 v5, v9;
	v19 =	vld.idx.msk [tilespmem:v47+s3+$0x0], $0xffff  }
0x475: {  	v48 =	vor.u32 v6, v31;
	[tilespmem:s13+$0x70] =	vst v34;
	v3 =	vld.idx.msk [tilespmem:v3+s3+$0x0], $0xffff  }
0x476: {  	[tilespmem:s10+$0x70] =	vst v45;
	v50 =	vor.u32 v5, v1;
	v49 =	vld.idx.msk [tilespmem:v43+s3+$0x0], $0xffff  }
0x477: {  	v10 =	vld.idx.msk [tilespmem:v44+s3+$0x0], $0xffff;
	[tilespmem:s21+$0x50] =	vst v2;
	v2 =	vor.u32 v5, v0  }
0x478: {  	v51 =	vor.u32 v5, v17;
	[tilespmem:s23+$0x40] =	vst v16;
	v16 =	vld.idx.msk [tilespmem:v46+s3+$0x0], $0xffff  }
0x479: {  	[tilespmem:s1+$0x60] =	vst v19;
	v52 =	vor.u32 v5, v12;
	v18 =	vld.idx.msk [tilespmem:v42+s3+$0x0], $0xffff  }
0x47a: {  	v53 =	vor.u32 v6, v9;
	v20 =	vld.idx.msk [tilespmem:v48+s3+$0x0], $0xffff;
	[tilespmem:s26+$0x40] =	vst v3  }
0x47b: {  	v3 =	vor.u32 v7, v8;
	[tilespmem:s6+$0x40] =	vst v49;
	v8 =	vld.idx.msk [tilespmem:v50+s3+$0x0], $0xffff  }
0x47c: {  	v54 =	vor.u32 v6, v1;
	[tilespmem:s0+$0x40] =	vst v10;
	v2 =	vld.idx.msk [tilespmem:v2+s3+$0x0], $0xffff  }
0x47d: {  	v55 =	vor.u32 v6, v0;
	v10 =	vld.idx.msk [tilespmem:v51+s3+$0x0], $0xffff;
	[tilespmem:s7+$0x40] =	vst v16  }
0x47e: {  	v57 =	vor.u32 v6, v17;
	[tilespmem:s23+$0x50] =	vst v18;
	v56 =	vld.idx.msk [tilespmem:v52+s3+$0x0], $0xffff  }
0x47f: {  	v59 =	vor.u32 v6, v12;
	[tilespmem:s21+$0x60] =	vst v20;
	v58 =	vld.idx.msk [tilespmem:v53+s3+$0x0], $0xffff  }
0x480: {  	v13 =	vor.u32 v7, v31;
	v3 =	vld.idx.msk [tilespmem:v3+s3+$0x0], $0xffff;
	[tilespmem:s26+$0x50] =	vst v8  }
0x481: {  	v8 =	vor.u32 v7, v9;
	[tilespmem:s6+$0x50] =	vst v2;
	v2 =	vld.idx.msk [tilespmem:v54+s3+$0x0], $0xffff  }
0x482: {  	v1 =	vor.u32 v7, v1;
	[tilespmem:s0+$0x50] =	vst v10;
	v60 =	vld.idx.msk [tilespmem:v55+s3+$0x0], $0xffff  }
0x483: {  	v0 =	vor.u32 v7, v0;
	v10 =	vld.idx.msk [tilespmem:v57+s3+$0x0], $0xffff;
	[tilespmem:s7+$0x50] =	vst v56  }
0x484: {  	v62 =	vor.u32 v7, v17;
	[tilespmem:s23+$0x60] =	vst v58;
	v61 =	vld.idx.msk [tilespmem:v59+s3+$0x0], $0xffff  }
0x485: {  	v13 =	vld.idx.msk [tilespmem:v13+s3+$0x0], $0xffff;
	[tilespmem:s1+$0x70] =	vst v3;
	v3 =	vor.u32 v7, v12  }
0x486: {  	v8 =	vld.idx.msk [tilespmem:v8+s3+$0x0], $0xffff;
	[tilespmem:s26+$0x60] =	vst v2  }
0x487: {  	v1 =	vld.idx.msk [tilespmem:v1+s3+$0x0], $0xffff;
	[tilespmem:s6+$0x60] =	vst v60  }
0x488: {  	[tilespmem:s0+$0x60] =	vst v10;
	v0 =	vld.idx.msk [tilespmem:v0+s3+$0x0], $0xffff  }
0x489: {  	v2 =	vld.idx.msk [tilespmem:v62+s3+$0x0], $0xffff;
	[tilespmem:s7+$0x60] =	vst v61  }
0x48a: {  	[tilespmem:s21+$0x70] =	vst v13;
	v3 =	vld.idx.msk [tilespmem:v3+s3+$0x0], $0xffff  }
0x48b: {  	[tilespmem:s23+$0x70] =	vst v8  }
0x48c: {  	[tilespmem:s26+$0x70] =	vst v1  }
0x48d: {  	[tilespmem:s6+$0x70] =	vst v0  }
0x48e: {  	s2 =	rddreg [dreg:$0xa];
	[tilespmem:s0+$0x70] =	vst v2  }
0x48f: {  	[tilespmem:s7+$0x70] =	vst v3  }
0x490: {  	s4 =	rddreg [dreg:$0x9]  }
0x491: {  	s4 =	sadd.s32 $0x1, s4  }
0x492: {  	s28 =	smul.u32 $0x180000, s22;
	p0 =	sne.s32 s4, $0x64  }
.Ltmp2:
0x493: {  	_ = 	snop;
	(pc) =	sbr.rel @p0 .LBB2_2-.Ltmp2, $4  }
0x494: {  	s1 =	sadd.s32 s28, s2  }
0x495: {  	s30 =	rddreg [dreg:$0x1];
	s29 =	sshrl.u32 s1, $0x3  }
0x496: {  	s31 =	simm.s32 $0x1CC00;
	v1 =	vld [tilespmem:$0x1FFE0];
	s0 =	sadd.s32 s30, s29  }
0x497: {  	v0 =	vlaneseq.u32;
	v2 =	vld [tilespmem:$0x1FFF0];
	[hbm4b:s0+s3] =	stream.linear.scatter [tilespmem:s31], [sflag:$0x2], $0x3000, $0x38  }
0x498: {  	s0 =	simm.s32 $0x1  }
0x499: {  	_ =	swait.ge [sflag:s0], $0x3000  }
0x49a: {  	[sflag:s0] =	ssyncset.done $0x0  }
0x49b: {  	s1 =	simm.s32 $0x2;
	[sflag:s0] =	ssyncadd.s32 $0xFFFFD000  }
0x49c: {  	_ =	swait.ge [sflag:s1], $0x3000  }
0x49d: {  	s2 =	rddreg [dreg:$0x8]  }
0x49e: {  	s31 =	rddreg [dreg:$0x6];
	s2 =	sadd.s32 $0x1, s2  }
0x49f: {  	p0 =	sne.s32 s2, s31  }
.Ltmp3:
0x4a0: {  	_ = 	snop;
	(pc) =	sbr.rel @p0 .LBB2_1-.Ltmp3, $3  }
0x4a1: {  	_ =	sdelay $0x1  }
0x4a2: {  	[sflag:s1] =	ssyncset.done $0x0  }
0x4a3: {  	[sflag:s1] =	ssyncadd.s32 $0xFFFFD000  }
0x4a4: {  	_ =	sfence.sel $0x180000  }
0x4a5: {  	[bflag:$0x0] =	sbarrier.arrive $0xFFFF  }
0x4a6: {  	_ =	strace $0x90000047  }
0x4a7: {  	s0 =	stileid.u32;
	[bflag:$0x2] =	sbarrier.arrive $0xFFFF  }
0x4a8: {  	p0 =	sne.s32 s0, $0x0;
	s0 =	rddreg [dreg:$0x2]  }
0x4a9: {  	s0 =	sadd.s32 @!p0 $0x100000, s0  }
0x4aa: {  	[sflag:s0] =	ssyncadd.tile.s32 @!p0 $0x1;
	_ =	shalt  }
.Lfunc_end2:
_tile_overlayer_lowered:
.L_overlay_start_2:
0x4ab: {  	(tag) =	ssettag $0x2  }
0x4ac: {  	s0 =	rddreg [dreg:$0x0];
	s2 =	stileid.u32  }
0x4ad: {  	s1 =	rddreg [dreg:$0x1];
	p0 =	sne.s32 s2, $0x0  }
0x4ae: {  	s3 =	rddreg [dreg:$0x2];
	[bflag:$0x3] =	sbarrier.arrive $0xFFFF;
	s2 =	simm.s32 @!p0 $0x1C03  }
0x4af: {  	[timem:s3], [sflag:s2] =	dma.local @!p0 [hbm:s0], s1  }
0x4b0: {  	s0 =	simm.s32 @!p0 $0x3  }
0x4b1: {  	_ =	swait.ge @!p0 [sflag:s0], s1  }
0x4b2: {  	s1 =	ssub.s32 @!p0 $0x0, s1;
	[sflag:s0] =	ssyncset.done @!p0 $0x0  }
0x4b3: {  	[sflag:s0] =	ssyncadd.s32 @!p0 s1  }
0x4b4: {  	[bflag:$0x3] =	sbarrier.arrive $0xFFFF  }
0x4b5: {  	_ =	shalt  }

</sc_bundles>
